<compile_context>
chip_gen: v7x
topology: tpu7x:2x2x1
jax: 0.10.2.dev20260603
libtpu: 0.0.44.dev20260713+nightly
codegen_flags: <defaults>
</compile_context>

<pallas_src>
import functools

import jax
import jax.numpy as jnp
from jax import lax
from jax.experimental import pallas as pl
from jax.experimental.pallas import tpu as pltpu
from jax.experimental.pallas import tpu_sc as plsc

N = 10000
E = 320000
D = 128
DH = D // 2
NC = 2
NS = 16
LANES = 16
EPW = E // NS
K = 80
NCH = EPW // K
ROW_STEP = 624
ROW_CNT = 640

_MESH = plsc.VectorSubcoreMesh(
    core_axis_name="c", subcore_axis_name="s", num_cores=NC, num_subcores=NS
)


@functools.partial(
    pl.kernel,
    out_type=jax.ShapeDtypeStruct((N, D), jnp.float32),
    mesh=_MESH,
    compiler_params=pltpu.CompilerParams(
        needs_layout_passes=False, use_tc_tiling_on_sc=False
    ),
    scratch_types=[
        pltpu.VMEM((NCH, K), jnp.int32),
        pltpu.VMEM((NCH, K), jnp.int32),
        pltpu.VMEM((EPW,), jnp.float32),
        pltpu.VMEM((3, K, DH), jnp.float32),
        pltpu.VMEM_SHARED((N, DH), jnp.float32),
        pltpu.SemaphoreType.DMA,
        pltpu.SemaphoreType.DMA,
        pltpu.SemaphoreType.DMA,
        pltpu.SemaphoreType.DMA,
        pltpu.SemaphoreType.DMA,
        pltpu.SemaphoreType.DMA,
    ],
)
def _sc_aggregate(
    emb2, srcw, dstw, attw, out,
    src_v, dst_v, att_v, rows3_v, acc, g0, g1, g2, s0, s1, s2,
):
    cid = lax.axis_index("c")
    sid = lax.axis_index("s")
    gsems = (g0, g1, g2)
    ssems = (s0, s1, s2)

    pltpu.sync_copy(srcw.at[sid], src_v)
    pltpu.sync_copy(dstw.at[sid], dst_v)
    pltpu.sync_copy(attw.at[sid], att_v)

    zero16 = jnp.zeros((LANES,), jnp.float32)
    zbuf = rows3_v.at[0]

    def _memset_row(e, carry):
        for j in range(DH // LANES):
            zbuf.at[e][pl.ds(j * LANES, LANES)] = zero16
        return carry

    lax.fori_loop(0, K, _memset_row, None)
    row0 = sid * ROW_STEP
    for t in range(ROW_CNT // K):
        pltpu.sync_copy(zbuf, acc.at[pl.ds(row0 + t * K, K)])
    plsc.subcore_barrier()

    cidv = jnp.full((LANES,), cid, jnp.int32)

    def _issue_gather(c, b):
        rr = src_v.at[c]
        for j in range(K // LANES):
            sl = pl.ds(j * LANES, LANES)
            v = rr[sl]
            rr[sl] = v + v + cidv
        pltpu.async_copy(emb2.at[src_v.at[c]], rows3_v.at[b], gsems[b])

    def _wait_gather(c, b):
        pltpu.make_async_copy(emb2.at[src_v.at[c]], rows3_v.at[b], gsems[b]).wait()

    def _wait_scatter(c, b):
        pltpu.make_async_copy(rows3_v.at[b], acc.at[dst_v.at[c]], ssems[b]).wait()

    def _do_chunk(c, b, wait_prev, issue_next):
        _wait_gather(c, b)
        rows_b = rows3_v.at[b]
        cvec = jnp.full((LANES,), c * K, jnp.int32)

        @plsc.parallel_loop(0, K, unroll=4)
        def _edge(e, carry=None):
            att_s = plsc.load_gather(att_v, [cvec + e])
            row = rows_b.at[e]
            for j in range(DH // LANES):
                sl = pl.ds(j * LANES, LANES)
                row[sl] = row[sl] * att_s

        pltpu.async_copy(rows_b, acc.at[dst_v.at[c]], ssems[b], add=True)
        bn = (b + 2) % 3
        if wait_prev:
            _wait_scatter(c - 1, bn)
        if issue_next:
            _issue_gather(c + 2, bn)

    _issue_gather(0, 0)
    _issue_gather(1, 1)
    _do_chunk(0, 0, wait_prev=False, issue_next=True)

    def _round(i, carry):
        c0 = 1 + 3 * i
        _do_chunk(c0, 1, wait_prev=True, issue_next=True)
        _do_chunk(c0 + 1, 2, wait_prev=True, issue_next=True)
        _do_chunk(c0 + 2, 0, wait_prev=True, issue_next=True)
        return carry

    lax.fori_loop(0, (NCH - 4) // 3, _round, None)
    _do_chunk(NCH - 3, 1, wait_prev=True, issue_next=True)
    _do_chunk(NCH - 2, 2, wait_prev=True, issue_next=False)
    _do_chunk(NCH - 1, 0, wait_prev=True, issue_next=False)
    _wait_scatter(NCH - 1, 0)
    plsc.subcore_barrier()

    pltpu.sync_copy(
        acc.at[pl.ds(row0, ROW_CNT)],
        out.at[pl.ds(row0, ROW_CNT), pl.ds(cid * DH, DH)],
    )


def _tc_body(emb_ref, nh_ref, wt_ref, b_ref, out_ref):
    h = emb_ref[...] + nh_ref[...]
    y = jnp.dot(h, wt_ref[...], preferred_element_type=jnp.float32) + b_ref[...]
    out_ref[...] = jnp.where(y >= 0, y, 0.01 * y)


_ROWS_BLK = 400


def _tc_dense(emb, nh, wt, b):
    grid = (N // _ROWS_BLK,)
    return pl.pallas_call(
        _tc_body,
        grid=grid,
        in_specs=[
            pl.BlockSpec((_ROWS_BLK, D), lambda i: (i, 0)),
            pl.BlockSpec((_ROWS_BLK, D), lambda i: (i, 0)),
            pl.BlockSpec((D, D), lambda i: (0, 0)),
            pl.BlockSpec((1, D), lambda i: (0, 0)),
        ],
        out_specs=pl.BlockSpec((_ROWS_BLK, D), lambda i: (i, 0)),
        out_shape=jax.ShapeDtypeStruct((N, D), jnp.float32),
    )(emb, nh, wt, b)


def kernel(entity_embed, edge_att, W, b, edge_index):
    src = edge_index[0].reshape(NS, NCH, K)
    dst = edge_index[1].reshape(NS, NCH, K)
    att = edge_att.reshape(NS, EPW)
    emb2 = entity_embed.reshape(N, NC, DH).reshape(N * NC, DH)

    nh = _sc_aggregate(emb2, src, dst, att)
    out = _tc_dense(entity_embed, nh, W.T, b.reshape(1, D))
    return out

# --- scband reference (transcript-rebuilt; emitter-appended) ---
"""Pipeline reference for scband-aggregator-9079560864591 (READ-ONLY COPY).

The authoritative reference and input builder live on the scoring server;
editing this copy changes nothing except your own understanding.
"""

import jax, jax.numpy as jnp
import numpy as np

N = 10000
E = 320000
IN_DIM = 128
OUT_DIM = 128
N_HEADS = 1


def setup_inputs(seed: int = 0) -> dict:
    key = jax.random.key(seed)
    k1, k2, k3, k4 = jax.random.split(key, 4)
    entity_embed = jax.random.normal(k1, (N, IN_DIM), dtype=jnp.float32)
    edge_index = jax.random.randint(k2, (2, E), 0, N, dtype=jnp.int32)
    edge_att = jax.random.uniform(k3, (E, N_HEADS, 1), dtype=jnp.float32)
    # nn.Linear(IN_DIM, OUT_DIM // N_HEADS) parameters
    W = jax.random.normal(k4, (OUT_DIM // N_HEADS, IN_DIM), dtype=jnp.float32) * (1.0 / np.sqrt(IN_DIM))
    b = jnp.zeros((OUT_DIM // N_HEADS,), dtype=jnp.float32)
    return {"entity_embed": entity_embed, "edge_att": edge_att, "W": W, "b": b, "edge_index": edge_index}


def reference(entity_embed, edge_att, W, b, edge_index):
    # mode='train' path; g.update_all(u_mul_e('node','att','side'), sum('side','N_h'))
    src = edge_index[0]
    dst = edge_index[1]
    node = entity_embed[:, None, :]                      # [N, 1, in_dim]  (unsqueeze(-2))
    side = jnp.take(node, src, axis=0) * edge_att        # [E, heads, in_dim] : u_mul_e
    N_h = jax.ops.segment_sum(side, dst, num_segments=N) # [N, heads, in_dim] : sum aggregation
    # gcn aggregator: activation(W((node + N_h).reshape(-1, in_dim))).reshape(-1, out_dim)
    h = (node + N_h).reshape(-1, IN_DIM)
    out = jax.nn.leaky_relu(h @ W.T + b, negative_slope=0.01)
    out = out.reshape(-1, OUT_DIM)
    # message_dropout with p=0.0 is identity
    return out

if __name__ == "__main__":
    import jax
    _d = setup_inputs()
    print(jax.jit(kernel)(*tuple(_d.values())))

</pallas_src>

<mosaic_0001>
#map = affine_map<(d0, d1) -> (0, 0)>
#map1 = affine_map<(d0, d1) -> (0, 0, 0)>
module attributes {stable_mosaic.version = 14 : i64} {
  func.func @_sc_aggregate(%arg0: i32, %arg1: i32, %arg2: memref<20000x64xf32, #tpu.memory_space<hbm>>, %arg3: memref<16x250x80xi32, #tpu.memory_space<hbm>>, %arg4: memref<16x250x80xi32, #tpu.memory_space<hbm>>, %arg5: memref<16x20000xf32, #tpu.memory_space<hbm>>, %arg6: memref<10000x128xf32, #tpu.memory_space<hbm>>, %arg7: memref<250x80xi32, #tpu.memory_space<vmem>>, %arg8: memref<250x80xi32, #tpu.memory_space<vmem>>, %arg9: memref<20000xf32, #tpu.memory_space<vmem>>, %arg10: memref<3x80x64xf32, #tpu.memory_space<vmem>>, %arg11: memref<10000x64xf32, #tpu.memory_space<vmem_shared>>, %arg12: memref<!tpu.dma_semaphore, #tpu.memory_space<semaphore_mem>>, %arg13: memref<!tpu.dma_semaphore, #tpu.memory_space<semaphore_mem>>, %arg14: memref<!tpu.dma_semaphore, #tpu.memory_space<semaphore_mem>>, %arg15: memref<!tpu.dma_semaphore, #tpu.memory_space<semaphore_mem>>, %arg16: memref<!tpu.dma_semaphore, #tpu.memory_space<semaphore_mem>>, %arg17: memref<!tpu.dma_semaphore, #tpu.memory_space<semaphore_mem>>) attributes {dimension_semantics = [#tpu.dimension_semantics<core_parallel>, #tpu.dimension_semantics<subcore_parallel>], iteration_bounds = array<i64: 2, 16>, scalar_prefetch = 0 : i64, scratch_operands = 11 : i64, tpu.core_type = #tpu.core_type<sc_vector_subcore>, window_params = [{transform_indices = #map}, {transform_indices = #map1}, {transform_indices = #map1}, {transform_indices = #map}, {transform_indices = #map}]} {
    "tpu.region"() ({
      %run_scoped3A_529 = tpu.sem_alloc : memref<!tpu.dma_semaphore, #tpu.memory_space<semaphore_mem>>
      %dma_start3A_530 = arith.constant 0 : i32
      %dma_start3A_531 = arith.constant 0 : i32
      %dma_start3A_532 = tpu.memref_slice %arg3[%arg1, %dma_start3A_530, %dma_start3A_531] : memref<16x250x80xi32, #tpu.memory_space<hbm>> -> memref<1x250x80xi32, #tpu.memory_space<hbm>>
      %dma_start3A_533 = tpu.memref_squeeze %dma_start3A_532 : memref<1x250x80xi32, #tpu.memory_space<hbm>> -> memref<250x80xi32, #tpu.memory_space<hbm>>
      %dma_start3A_534 = arith.constant 0 : i32
      %dma_start3A_535 = arith.constant 0 : i32
      %dma_start3A_536 = tpu.memref_slice %arg3[%arg1, %dma_start3A_534, %dma_start3A_535] : memref<16x250x80xi32, #tpu.memory_space<hbm>> -> memref<1x250x80xi32, #tpu.memory_space<hbm>>
      %dma_start3A_537 = tpu.memref_squeeze %dma_start3A_536 : memref<1x250x80xi32, #tpu.memory_space<hbm>> -> memref<250x80xi32, #tpu.memory_space<hbm>>
      tpu.enqueue_dma source(%dma_start3A_537 : memref<250x80xi32, #tpu.memory_space<hbm>>) target(%arg7 : memref<250x80xi32, #tpu.memory_space<vmem>>) target_semaphore(%run_scoped3A_529 : memref<!tpu.dma_semaphore, #tpu.memory_space<semaphore_mem>>)
      %dma_wait3A_538 = arith.constant 0 : i32
      %dma_wait3A_539 = arith.constant 0 : i32
      %dma_wait3A_540 = tpu.memref_slice %arg3[%arg1, %dma_wait3A_538, %dma_wait3A_539] : memref<16x250x80xi32, #tpu.memory_space<hbm>> -> memref<1x250x80xi32, #tpu.memory_space<hbm>>
      %dma_wait3A_541 = tpu.memref_squeeze %dma_wait3A_540 : memref<1x250x80xi32, #tpu.memory_space<hbm>> -> memref<250x80xi32, #tpu.memory_space<hbm>>
      %dma_wait3A_542 = arith.constant 0 : i32
      %dma_wait3A_543 = arith.constant 0 : i32
      %dma_wait3A_544 = tpu.memref_slice %arg3[%arg1, %dma_wait3A_542, %dma_wait3A_543] : memref<16x250x80xi32, #tpu.memory_space<hbm>> -> memref<1x250x80xi32, #tpu.memory_space<hbm>>
      %dma_wait3A_545 = tpu.memref_squeeze %dma_wait3A_544 : memref<1x250x80xi32, #tpu.memory_space<hbm>> -> memref<250x80xi32, #tpu.memory_space<hbm>>
      tpu.wait_dma2 semaphore(%run_scoped3A_529 : memref<!tpu.dma_semaphore, #tpu.memory_space<semaphore_mem>>) src(%dma_wait3A_545 : memref<250x80xi32, #tpu.memory_space<hbm>>) dst(%arg7 : memref<250x80xi32, #tpu.memory_space<vmem>>)
      tpu.yield
    }) : () -> ()
    "tpu.region"() ({
      %run_scoped3A_529 = tpu.sem_alloc : memref<!tpu.dma_semaphore, #tpu.memory_space<semaphore_mem>>
      %dma_start3A_530 = arith.constant 0 : i32
      %dma_start3A_531 = arith.constant 0 : i32
      %dma_start3A_532 = tpu.memref_slice %arg4[%arg1, %dma_start3A_530, %dma_start3A_531] : memref<16x250x80xi32, #tpu.memory_space<hbm>> -> memref<1x250x80xi32, #tpu.memory_space<hbm>>
      %dma_start3A_533 = tpu.memref_squeeze %dma_start3A_532 : memref<1x250x80xi32, #tpu.memory_space<hbm>> -> memref<250x80xi32, #tpu.memory_space<hbm>>
      %dma_start3A_534 = arith.constant 0 : i32
      %dma_start3A_535 = arith.constant 0 : i32
      %dma_start3A_536 = tpu.memref_slice %arg4[%arg1, %dma_start3A_534, %dma_start3A_535] : memref<16x250x80xi32, #tpu.memory_space<hbm>> -> memref<1x250x80xi32, #tpu.memory_space<hbm>>
      %dma_start3A_537 = tpu.memref_squeeze %dma_start3A_536 : memref<1x250x80xi32, #tpu.memory_space<hbm>> -> memref<250x80xi32, #tpu.memory_space<hbm>>
      tpu.enqueue_dma source(%dma_start3A_537 : memref<250x80xi32, #tpu.memory_space<hbm>>) target(%arg8 : memref<250x80xi32, #tpu.memory_space<vmem>>) target_semaphore(%run_scoped3A_529 : memref<!tpu.dma_semaphore, #tpu.memory_space<semaphore_mem>>)
      %dma_wait3A_538 = arith.constant 0 : i32
      %dma_wait3A_539 = arith.constant 0 : i32
      %dma_wait3A_540 = tpu.memref_slice %arg4[%arg1, %dma_wait3A_538, %dma_wait3A_539] : memref<16x250x80xi32, #tpu.memory_space<hbm>> -> memref<1x250x80xi32, #tpu.memory_space<hbm>>
      %dma_wait3A_541 = tpu.memref_squeeze %dma_wait3A_540 : memref<1x250x80xi32, #tpu.memory_space<hbm>> -> memref<250x80xi32, #tpu.memory_space<hbm>>
      %dma_wait3A_542 = arith.constant 0 : i32
      %dma_wait3A_543 = arith.constant 0 : i32
      %dma_wait3A_544 = tpu.memref_slice %arg4[%arg1, %dma_wait3A_542, %dma_wait3A_543] : memref<16x250x80xi32, #tpu.memory_space<hbm>> -> memref<1x250x80xi32, #tpu.memory_space<hbm>>
      %dma_wait3A_545 = tpu.memref_squeeze %dma_wait3A_544 : memref<1x250x80xi32, #tpu.memory_space<hbm>> -> memref<250x80xi32, #tpu.memory_space<hbm>>
      tpu.wait_dma2 semaphore(%run_scoped3A_529 : memref<!tpu.dma_semaphore, #tpu.memory_space<semaphore_mem>>) src(%dma_wait3A_545 : memref<250x80xi32, #tpu.memory_space<hbm>>) dst(%arg8 : memref<250x80xi32, #tpu.memory_space<vmem>>)
      tpu.yield
    }) : () -> ()
    "tpu.region"() ({
      %run_scoped3A_529 = tpu.sem_alloc : memref<!tpu.dma_semaphore, #tpu.memory_space<semaphore_mem>>
      %dma_start3A_530 = arith.constant 0 : i32
      %dma_start3A_531 = tpu.memref_slice %arg5[%arg1, %dma_start3A_530] : memref<16x20000xf32, #tpu.memory_space<hbm>> -> memref<1x20000xf32, #tpu.memory_space<hbm>>
      %dma_start3A_532 = tpu.memref_squeeze %dma_start3A_531 : memref<1x20000xf32, #tpu.memory_space<hbm>> -> memref<20000xf32, #tpu.memory_space<hbm>>
      %dma_start3A_533 = arith.constant 0 : i32
      %dma_start3A_534 = tpu.memref_slice %arg5[%arg1, %dma_start3A_533] : memref<16x20000xf32, #tpu.memory_space<hbm>> -> memref<1x20000xf32, #tpu.memory_space<hbm>>
      %dma_start3A_535 = tpu.memref_squeeze %dma_start3A_534 : memref<1x20000xf32, #tpu.memory_space<hbm>> -> memref<20000xf32, #tpu.memory_space<hbm>>
      tpu.enqueue_dma source(%dma_start3A_535 : memref<20000xf32, #tpu.memory_space<hbm>>) target(%arg9 : memref<20000xf32, #tpu.memory_space<vmem>>) target_semaphore(%run_scoped3A_529 : memref<!tpu.dma_semaphore, #tpu.memory_space<semaphore_mem>>)
      %dma_wait3A_536 = arith.constant 0 : i32
      %dma_wait3A_537 = tpu.memref_slice %arg5[%arg1, %dma_wait3A_536] : memref<16x20000xf32, #tpu.memory_space<hbm>> -> memref<1x20000xf32, #tpu.memory_space<hbm>>
      %dma_wait3A_538 = tpu.memref_squeeze %dma_wait3A_537 : memref<1x20000xf32, #tpu.memory_space<hbm>> -> memref<20000xf32, #tpu.memory_space<hbm>>
      %dma_wait3A_539 = arith.constant 0 : i32
      %dma_wait3A_540 = tpu.memref_slice %arg5[%arg1, %dma_wait3A_539] : memref<16x20000xf32, #tpu.memory_space<hbm>> -> memref<1x20000xf32, #tpu.memory_space<hbm>>
      %dma_wait3A_541 = tpu.memref_squeeze %dma_wait3A_540 : memref<1x20000xf32, #tpu.memory_space<hbm>> -> memref<20000xf32, #tpu.memory_space<hbm>>
      tpu.wait_dma2 semaphore(%run_scoped3A_529 : memref<!tpu.dma_semaphore, #tpu.memory_space<semaphore_mem>>) src(%dma_wait3A_541 : memref<20000xf32, #tpu.memory_space<hbm>>) dst(%arg9 : memref<20000xf32, #tpu.memory_space<vmem>>)
      tpu.yield
    }) : () -> ()
    %broadcast_in_dim3A = arith.constant 0.000000e+00 : f32
    %broadcast_in_dim3A_0 = vector.broadcast %broadcast_in_dim3A : f32 to vector<16xf32>
    %scan3A = arith.constant 0 : i32
    %scan3A_1 = arith.constant 0 : i32
    %scan3A_2 = arith.constant 80 : i32
    %scan3A_3 = arith.addi %scan3A_1, %scan3A_2 : i32
    %scan3A_4 = arith.constant 1 : i32
    scf.for %scan3A_529 = %scan3A_1 to %scan3A_3 step %scan3A_4  : i32 {
      %swap3A_530 = arith.constant 0 : i32
      %swap3A_531 = arith.constant 0 : i32
      %swap3A_532 = tpu.memref_slice %arg10[%scan3A, %swap3A_530, %swap3A_531] : memref<3x80x64xf32, #tpu.memory_space<vmem>> -> memref<1x80x64xf32, #tpu.memory_space<vmem>>
      %swap3A_533 = tpu.memref_squeeze %swap3A_532 : memref<1x80x64xf32, #tpu.memory_space<vmem>> -> memref<80x64xf32, #tpu.memory_space<vmem>>
      %swap3A_534 = arith.constant 0 : i32
      %swap3A_535 = tpu.memref_slice %swap3A_533[%scan3A_529, %swap3A_534] : memref<80x64xf32, #tpu.memory_space<vmem>> -> memref<1x64xf32, #tpu.memory_space<vmem>>
      %swap3A_536 = tpu.memref_squeeze %swap3A_535 : memref<1x64xf32, #tpu.memory_space<vmem>> -> memref<64xf32, #tpu.memory_space<vmem>>
      %swap3A_537 = arith.constant 0 : index
      %swap3A_538 = tpu.vector_load %swap3A_536[%swap3A_537] {strides = array<i32>} : memref<64xf32, #tpu.memory_space<vmem>>, vector<16xf32>,
      tpu.vector_store %swap3A_536[%swap3A_537], %broadcast_in_dim3A_0 {strides = array<i32>} : memref<64xf32, #tpu.memory_space<vmem>>, vector<16xf32>,
      %swap3A_539 = arith.constant 0 : i32
      %swap3A_540 = arith.constant 0 : i32
      %swap3A_541 = tpu.memref_slice %arg10[%scan3A, %swap3A_539, %swap3A_540] : memref<3x80x64xf32, #tpu.memory_space<vmem>> -> memref<1x80x64xf32, #tpu.memory_space<vmem>>
      %swap3A_542 = tpu.memref_squeeze %swap3A_541 : memref<1x80x64xf32, #tpu.memory_space<vmem>> -> memref<80x64xf32, #tpu.memory_space<vmem>>
      %swap3A_543 = arith.constant 0 : i32
      %swap3A_544 = tpu.memref_slice %swap3A_542[%scan3A_529, %swap3A_543] : memref<80x64xf32, #tpu.memory_space<vmem>> -> memref<1x64xf32, #tpu.memory_space<vmem>>
      %swap3A_545 = tpu.memref_squeeze %swap3A_544 : memref<1x64xf32, #tpu.memory_space<vmem>> -> memref<64xf32, #tpu.memory_space<vmem>>
      %swap3A_546 = arith.constant 16 : index
      %swap3A_547 = tpu.vector_load %swap3A_545[%swap3A_546] {strides = array<i32>} : memref<64xf32, #tpu.memory_space<vmem>>, vector<16xf32>,
      tpu.vector_store %swap3A_545[%swap3A_546], %broadcast_in_dim3A_0 {strides = array<i32>} : memref<64xf32, #tpu.memory_space<vmem>>, vector<16xf32>,
      %swap3A_548 = arith.constant 0 : i32
      %swap3A_549 = arith.constant 0 : i32
      %swap3A_550 = tpu.memref_slice %arg10[%scan3A, %swap3A_548, %swap3A_549] : memref<3x80x64xf32, #tpu.memory_space<vmem>> -> memref<1x80x64xf32, #tpu.memory_space<vmem>>
      %swap3A_551 = tpu.memref_squeeze %swap3A_550 : memref<1x80x64xf32, #tpu.memory_space<vmem>> -> memref<80x64xf32, #tpu.memory_space<vmem>>
      %swap3A_552 = arith.constant 0 : i32
      %swap3A_553 = tpu.memref_slice %swap3A_551[%scan3A_529, %swap3A_552] : memref<80x64xf32, #tpu.memory_space<vmem>> -> memref<1x64xf32, #tpu.memory_space<vmem>>
      %swap3A_554 = tpu.memref_squeeze %swap3A_553 : memref<1x64xf32, #tpu.memory_space<vmem>> -> memref<64xf32, #tpu.memory_space<vmem>>
      %swap3A_555 = arith.constant 32 : index
      %swap3A_556 = tpu.vector_load %swap3A_554[%swap3A_555] {strides = array<i32>} : memref<64xf32, #tpu.memory_space<vmem>>, vector<16xf32>,
      tpu.vector_store %swap3A_554[%swap3A_555], %broadcast_in_dim3A_0 {strides = array<i32>} : memref<64xf32, #tpu.memory_space<vmem>>, vector<16xf32>,
      %swap3A_557 = arith.constant 0 : i32
      %swap3A_558 = arith.constant 0 : i32
      %swap3A_559 = tpu.memref_slice %arg10[%scan3A, %swap3A_557, %swap3A_558] : memref<3x80x64xf32, #tpu.memory_space<vmem>> -> memref<1x80x64xf32, #tpu.memory_space<vmem>>
      %swap3A_560 = tpu.memref_squeeze %swap3A_559 : memref<1x80x64xf32, #tpu.memory_space<vmem>> -> memref<80x64xf32, #tpu.memory_space<vmem>>
      %swap3A_561 = arith.constant 0 : i32
      %swap3A_562 = tpu.memref_slice %swap3A_560[%scan3A_529, %swap3A_561] : memref<80x64xf32, #tpu.memory_space<vmem>> -> memref<1x64xf32, #tpu.memory_space<vmem>>
      %swap3A_563 = tpu.memref_squeeze %swap3A_562 : memref<1x64xf32, #tpu.memory_space<vmem>> -> memref<64xf32, #tpu.memory_space<vmem>>
      %swap3A_564 = arith.constant 48 : index
      %swap3A_565 = tpu.vector_load %swap3A_563[%swap3A_564] {strides = array<i32>} : memref<64xf32, #tpu.memory_space<vmem>>, vector<16xf32>,
      tpu.vector_store %swap3A_563[%swap3A_564], %broadcast_in_dim3A_0 {strides = array<i32>} : memref<64xf32, #tpu.memory_space<vmem>>, vector<16xf32>,
    }
    %scan3A_5 = arith.constant 80 : i32
    %mul3A = arith.constant 624 : i32
    %mul3A_6 = arith.muli %arg1, %mul3A : i32
    %add3A = arith.constant 0 : i32
    %add3A_7 = arith.addi %mul3A_6, %add3A : i32
    %run_scoped3A = arith.constant 0 : i32
    "tpu.region"() ({
      %run_scoped3A_529 = tpu.sem_alloc : memref<!tpu.dma_semaphore, #tpu.memory_space<semaphore_mem>>
      %dma_start3A_530 = arith.constant 0 : i32
      %dma_start3A_531 = arith.constant 0 : i32
      %dma_start3A_532 = tpu.memref_slice %arg10[%run_scoped3A, %dma_start3A_530, %dma_start3A_531] : memref<3x80x64xf32, #tpu.memory_space<vmem>> -> memref<1x80x64xf32, #tpu.memory_space<vmem>>
      %dma_start3A_533 = tpu.memref_squeeze %dma_start3A_532 : memref<1x80x64xf32, #tpu.memory_space<vmem>> -> memref<80x64xf32, #tpu.memory_space<vmem>>
      %dma_start3A_534 = arith.constant 0 : i32
      %dma_start3A_535 = tpu.memref_slice %arg11[%add3A_7, %dma_start3A_534] : memref<10000x64xf32, #tpu.memory_space<vmem_shared>> -> memref<80x64xf32, #tpu.memory_space<vmem_shared>>
      %dma_start3A_536 = arith.constant 0 : i32
      %dma_start3A_537 = tpu.memref_slice %arg11[%add3A_7, %dma_start3A_536] : memref<10000x64xf32, #tpu.memory_space<vmem_shared>> -> memref<80x64xf32, #tpu.memory_space<vmem_shared>>
      %dma_start3A_538 = arith.constant 0 : i32
      %dma_start3A_539 = arith.constant 0 : i32
      %dma_start3A_540 = tpu.memref_slice %arg10[%run_scoped3A, %dma_start3A_538, %dma_start3A_539] : memref<3x80x64xf32, #tpu.memory_space<vmem>> -> memref<1x80x64xf32, #tpu.memory_space<vmem>>
      %dma_start3A_541 = tpu.memref_squeeze %dma_start3A_540 : memref<1x80x64xf32, #tpu.memory_space<vmem>> -> memref<80x64xf32, #tpu.memory_space<vmem>>
      tpu.enqueue_dma source(%dma_start3A_541 : memref<80x64xf32, #tpu.memory_space<vmem>>) target(%dma_start3A_537 : memref<80x64xf32, #tpu.memory_space<vmem_shared>>) target_semaphore(%run_scoped3A_529 : memref<!tpu.dma_semaphore, #tpu.memory_space<semaphore_mem>>)
      %dma_wait3A_542 = arith.constant 0 : i32
      %dma_wait3A_543 = arith.constant 0 : i32
      %dma_wait3A_544 = tpu.memref_slice %arg10[%run_scoped3A, %dma_wait3A_542, %dma_wait3A_543] : memref<3x80x64xf32, #tpu.memory_space<vmem>> -> memref<1x80x64xf32, #tpu.memory_space<vmem>>
      %dma_wait3A_545 = tpu.memref_squeeze %dma_wait3A_544 : memref<1x80x64xf32, #tpu.memory_space<vmem>> -> memref<80x64xf32, #tpu.memory_space<vmem>>
      %dma_wait3A_546 = arith.constant 0 : i32
      %dma_wait3A_547 = tpu.memref_slice %arg11[%add3A_7, %dma_wait3A_546] : memref<10000x64xf32, #tpu.memory_space<vmem_shared>> -> memref<80x64xf32, #tpu.memory_space<vmem_shared>>
      %dma_wait3A_548 = arith.constant 0 : i32
      %dma_wait3A_549 = tpu.memref_slice %arg11[%add3A_7, %dma_wait3A_548] : memref<10000x64xf32, #tpu.memory_space<vmem_shared>> -> memref<80x64xf32, #tpu.memory_space<vmem_shared>>
      %dma_wait3A_550 = arith.constant 0 : i32
      %dma_wait3A_551 = arith.constant 0 : i32
      %dma_wait3A_552 = tpu.memref_slice %arg10[%run_scoped3A, %dma_wait3A_550, %dma_wait3A_551] : memref<3x80x64xf32, #tpu.memory_space<vmem>> -> memref<1x80x64xf32, #tpu.memory_space<vmem>>
      %dma_wait3A_553 = tpu.memref_squeeze %dma_wait3A_552 : memref<1x80x64xf32, #tpu.memory_space<vmem>> -> memref<80x64xf32, #tpu.memory_space<vmem>>
      tpu.wait_dma2 semaphore(%run_scoped3A_529 : memref<!tpu.dma_semaphore, #tpu.memory_space<semaphore_mem>>) src(%dma_wait3A_553 : memref<80x64xf32, #tpu.memory_space<vmem>>) dst(%dma_wait3A_549 : memref<80x64xf32, #tpu.memory_space<vmem_shared>>)
      tpu.yield
    }) : () -> ()
    %add3A_8 = arith.constant 80 : i32
    %add3A_9 = arith.addi %mul3A_6, %add3A_8 : i32
    %run_scoped3A_10 = arith.constant 0 : i32
    "tpu.region"() ({
      %run_scoped3A_529 = tpu.sem_alloc : memref<!tpu.dma_semaphore, #tpu.memory_space<semaphore_mem>>
      %dma_start3A_530 = arith.constant 0 : i32
      %dma_start3A_531 = arith.constant 0 : i32
      %dma_start3A_532 = tpu.memref_slice %arg10[%run_scoped3A_10, %dma_start3A_530, %dma_start3A_531] : memref<3x80x64xf32, #tpu.memory_space<vmem>> -> memref<1x80x64xf32, #tpu.memory_space<vmem>>
      %dma_start3A_533 = tpu.memref_squeeze %dma_start3A_532 : memref<1x80x64xf32, #tpu.memory_space<vmem>> -> memref<80x64xf32, #tpu.memory_space<vmem>>
      %dma_start3A_534 = arith.constant 0 : i32
      %dma_start3A_535 = tpu.memref_slice %arg11[%add3A_9, %dma_start3A_534] : memref<10000x64xf32, #tpu.memory_space<vmem_shared>> -> memref<80x64xf32, #tpu.memory_space<vmem_shared>>
      %dma_start3A_536 = arith.constant 0 : i32
      %dma_start3A_537 = tpu.memref_slice %arg11[%add3A_9, %dma_start3A_536] : memref<10000x64xf32, #tpu.memory_space<vmem_shared>> -> memref<80x64xf32, #tpu.memory_space<vmem_shared>>
      %dma_start3A_538 = arith.constant 0 : i32
      %dma_start3A_539 = arith.constant 0 : i32
      %dma_start3A_540 = tpu.memref_slice %arg10[%run_scoped3A_10, %dma_start3A_538, %dma_start3A_539] : memref<3x80x64xf32, #tpu.memory_space<vmem>> -> memref<1x80x64xf32, #tpu.memory_space<vmem>>
      %dma_start3A_541 = tpu.memref_squeeze %dma_start3A_540 : memref<1x80x64xf32, #tpu.memory_space<vmem>> -> memref<80x64xf32, #tpu.memory_space<vmem>>
      tpu.enqueue_dma source(%dma_start3A_541 : memref<80x64xf32, #tpu.memory_space<vmem>>) target(%dma_start3A_537 : memref<80x64xf32, #tpu.memory_space<vmem_shared>>) target_semaphore(%run_scoped3A_529 : memref<!tpu.dma_semaphore, #tpu.memory_space<semaphore_mem>>)
      %dma_wait3A_542 = arith.constant 0 : i32
      %dma_wait3A_543 = arith.constant 0 : i32
      %dma_wait3A_544 = tpu.memref_slice %arg10[%run_scoped3A_10, %dma_wait3A_542, %dma_wait3A_543] : memref<3x80x64xf32, #tpu.memory_space<vmem>> -> memref<1x80x64xf32, #tpu.memory_space<vmem>>
      %dma_wait3A_545 = tpu.memref_squeeze %dma_wait3A_544 : memref<1x80x64xf32, #tpu.memory_space<vmem>> -> memref<80x64xf32, #tpu.memory_space<vmem>>
      %dma_wait3A_546 = arith.constant 0 : i32
      %dma_wait3A_547 = tpu.memref_slice %arg11[%add3A_9, %dma_wait3A_546] : memref<10000x64xf32, #tpu.memory_space<vmem_shared>> -> memref<80x64xf32, #tpu.memory_space<vmem_shared>>
      %dma_wait3A_548 = arith.constant 0 : i32
      %dma_wait3A_549 = tpu.memref_slice %arg11[%add3A_9, %dma_wait3A_548] : memref<10000x64xf32, #tpu.memory_space<vmem_shared>> -> memref<80x64xf32, #tpu.memory_space<vmem_shared>>
      %dma_wait3A_550 = arith.constant 0 : i32
      %dma_wait3A_551 = arith.constant 0 : i32
      %dma_wait3A_552 = tpu.memref_slice %arg10[%run_scoped3A_10, %dma_wait3A_550, %dma_wait3A_551] : memref<3x80x64xf32, #tpu.memory_space<vmem>> -> memref<1x80x64xf32, #tpu.memory_space<vmem>>
      %dma_wait3A_553 = tpu.memref_squeeze %dma_wait3A_552 : memref<1x80x64xf32, #tpu.memory_space<vmem>> -> memref<80x64xf32, #tpu.memory_space<vmem>>
      tpu.wait_dma2 semaphore(%run_scoped3A_529 : memref<!tpu.dma_semaphore, #tpu.memory_space<semaphore_mem>>) src(%dma_wait3A_553 : memref<80x64xf32, #tpu.memory_space<vmem>>) dst(%dma_wait3A_549 : memref<80x64xf32, #tpu.memory_space<vmem_shared>>)
      tpu.yield
    }) : () -> ()
    %add3A_11 = arith.constant 160 : i32
    %add3A_12 = arith.addi %mul3A_6, %add3A_11 : i32
    %run_scoped3A_13 = arith.constant 0 : i32
    "tpu.region"() ({
      %run_scoped3A_529 = tpu.sem_alloc : memref<!tpu.dma_semaphore, #tpu.memory_space<semaphore_mem>>
      %dma_start3A_530 = arith.constant 0 : i32
      %dma_start3A_531 = arith.constant 0 : i32
      %dma_start3A_532 = tpu.memref_slice %arg10[%run_scoped3A_13, %dma_start3A_530, %dma_start3A_531] : memref<3x80x64xf32, #tpu.memory_space<vmem>> -> memref<1x80x64xf32, #tpu.memory_space<vmem>>
      %dma_start3A_533 = tpu.memref_squeeze %dma_start3A_532 : memref<1x80x64xf32, #tpu.memory_space<vmem>> -> memref<80x64xf32, #tpu.memory_space<vmem>>
      %dma_start3A_534 = arith.constant 0 : i32
      %dma_start3A_535 = tpu.memref_slice %arg11[%add3A_12, %dma_start3A_534] : memref<10000x64xf32, #tpu.memory_space<vmem_shared>> -> memref<80x64xf32, #tpu.memory_space<vmem_shared>>
      %dma_start3A_536 = arith.constant 0 : i32
      %dma_start3A_537 = tpu.memref_slice %arg11[%add3A_12, %dma_start3A_536] : memref<10000x64xf32, #tpu.memory_space<vmem_shared>> -> memref<80x64xf32, #tpu.memory_space<vmem_shared>>
      %dma_start3A_538 = arith.constant 0 : i32
      %dma_start3A_539 = arith.constant 0 : i32
      %dma_start3A_540 = tpu.memref_slice %arg10[%run_scoped3A_13, %dma_start3A_538, %dma_start3A_539] : memref<3x80x64xf32, #tpu.memory_space<vmem>> -> memref<1x80x64xf32, #tpu.memory_space<vmem>>
      %dma_start3A_541 = tpu.memref_squeeze %dma_start3A_540 : memref<1x80x64xf32, #tpu.memory_space<vmem>> -> memref<80x64xf32, #tpu.memory_space<vmem>>
      tpu.enqueue_dma source(%dma_start3A_541 : memref<80x64xf32, #tpu.memory_space<vmem>>) target(%dma_start3A_537 : memref<80x64xf32, #tpu.memory_space<vmem_shared>>) target_semaphore(%run_scoped3A_529 : memref<!tpu.dma_semaphore, #tpu.memory_space<semaphore_mem>>)
      %dma_wait3A_542 = arith.constant 0 : i32
      %dma_wait3A_543 = arith.constant 0 : i32
      %dma_wait3A_544 = tpu.memref_slice %arg10[%run_scoped3A_13, %dma_wait3A_542, %dma_wait3A_543] : memref<3x80x64xf32, #tpu.memory_space<vmem>> -> memref<1x80x64xf32, #tpu.memory_space<vmem>>
      %dma_wait3A_545 = tpu.memref_squeeze %dma_wait3A_544 : memref<1x80x64xf32, #tpu.memory_space<vmem>> -> memref<80x64xf32, #tpu.memory_space<vmem>>
      %dma_wait3A_546 = arith.constant 0 : i32
      %dma_wait3A_547 = tpu.memref_slice %arg11[%add3A_12, %dma_wait3A_546] : memref<10000x64xf32, #tpu.memory_space<vmem_shared>> -> memref<80x64xf32, #tpu.memory_space<vmem_shared>>
      %dma_wait3A_548 = arith.constant 0 : i32
      %dma_wait3A_549 = tpu.memref_slice %arg11[%add3A_12, %dma_wait3A_548] : memref<10000x64xf32, #tpu.memory_space<vmem_shared>> -> memref<80x64xf32, #tpu.memory_space<vmem_shared>>
      %dma_wait3A_550 = arith.constant 0 : i32
      %dma_wait3A_551 = arith.constant 0 : i32
      %dma_wait3A_552 = tpu.memref_slice %arg10[%run_scoped3A_13, %dma_wait3A_550, %dma_wait3A_551] : memref<3x80x64xf32, #tpu.memory_space<vmem>> -> memref<1x80x64xf32, #tpu.memory_space<vmem>>
      %dma_wait3A_553 = tpu.memref_squeeze %dma_wait3A_552 : memref<1x80x64xf32, #tpu.memory_space<vmem>> -> memref<80x64xf32, #tpu.memory_space<vmem>>
      tpu.wait_dma2 semaphore(%run_scoped3A_529 : memref<!tpu.dma_semaphore, #tpu.memory_space<semaphore_mem>>) src(%dma_wait3A_553 : memref<80x64xf32, #tpu.memory_space<vmem>>) dst(%dma_wait3A_549 : memref<80x64xf32, #tpu.memory_space<vmem_shared>>)
      tpu.yield
    }) : () -> ()
    %add3A_14 = arith.constant 240 : i32
    %add3A_15 = arith.addi %mul3A_6, %add3A_14 : i32
    %run_scoped3A_16 = arith.constant 0 : i32
    "tpu.region"() ({
      %run_scoped3A_529 = tpu.sem_alloc : memref<!tpu.dma_semaphore, #tpu.memory_space<semaphore_mem>>
      %dma_start3A_530 = arith.constant 0 : i32
      %dma_start3A_531 = arith.constant 0 : i32
      %dma_start3A_532 = tpu.memref_slice %arg10[%run_scoped3A_16, %dma_start3A_530, %dma_start3A_531] : memref<3x80x64xf32, #tpu.memory_space<vmem>> -> memref<1x80x64xf32, #tpu.memory_space<vmem>>
      %dma_start3A_533 = tpu.memref_squeeze %dma_start3A_532 : memref<1x80x64xf32, #tpu.memory_space<vmem>> -> memref<80x64xf32, #tpu.memory_space<vmem>>
      %dma_start3A_534 = arith.constant 0 : i32
      %dma_start3A_535 = tpu.memref_slice %arg11[%add3A_15, %dma_start3A_534] : memref<10000x64xf32, #tpu.memory_space<vmem_shared>> -> memref<80x64xf32, #tpu.memory_space<vmem_shared>>
      %dma_start3A_536 = arith.constant 0 : i32
      %dma_start3A_537 = tpu.memref_slice %arg11[%add3A_15, %dma_start3A_536] : memref<10000x64xf32, #tpu.memory_space<vmem_shared>> -> memref<80x64xf32, #tpu.memory_space<vmem_shared>>
      %dma_start3A_538 = arith.constant 0 : i32
      %dma_start3A_539 = arith.constant 0 : i32
      %dma_start3A_540 = tpu.memref_slice %arg10[%run_scoped3A_16, %dma_start3A_538, %dma_start3A_539] : memref<3x80x64xf32, #tpu.memory_space<vmem>> -> memref<1x80x64xf32, #tpu.memory_space<vmem>>
      %dma_start3A_541 = tpu.memref_squeeze %dma_start3A_540 : memref<1x80x64xf32, #tpu.memory_space<vmem>> -> memref<80x64xf32, #tpu.memory_space<vmem>>
      tpu.enqueue_dma source(%dma_start3A_541 : memref<80x64xf32, #tpu.memory_space<vmem>>) target(%dma_start3A_537 : memref<80x64xf32, #tpu.memory_space<vmem_shared>>) target_semaphore(%run_scoped3A_529 : memref<!tpu.dma_semaphore, #tpu.memory_space<semaphore_mem>>)
      %dma_wait3A_542 = arith.constant 0 : i32
      %dma_wait3A_543 = arith.constant 0 : i32
      %dma_wait3A_544 = tpu.memref_slice %arg10[%run_scoped3A_16, %dma_wait3A_542, %dma_wait3A_543] : memref<3x80x64xf32, #tpu.memory_space<vmem>> -> memref<1x80x64xf32, #tpu.memory_space<vmem>>
      %dma_wait3A_545 = tpu.memref_squeeze %dma_wait3A_544 : memref<1x80x64xf32, #tpu.memory_space<vmem>> -> memref<80x64xf32, #tpu.memory_space<vmem>>
      %dma_wait3A_546 = arith.constant 0 : i32
      %dma_wait3A_547 = tpu.memref_slice %arg11[%add3A_15, %dma_wait3A_546] : memref<10000x64xf32, #tpu.memory_space<vmem_shared>> -> memref<80x64xf32, #tpu.memory_space<vmem_shared>>
      %dma_wait3A_548 = arith.constant 0 : i32
      %dma_wait3A_549 = tpu.memref_slice %arg11[%add3A_15, %dma_wait3A_548] : memref<10000x64xf32, #tpu.memory_space<vmem_shared>> -> memref<80x64xf32, #tpu.memory_space<vmem_shared>>
      %dma_wait3A_550 = arith.constant 0 : i32
      %dma_wait3A_551 = arith.constant 0 : i32
      %dma_wait3A_552 = tpu.memref_slice %arg10[%run_scoped3A_16, %dma_wait3A_550, %dma_wait3A_551] : memref<3x80x64xf32, #tpu.memory_space<vmem>> -> memref<1x80x64xf32, #tpu.memory_space<vmem>>
      %dma_wait3A_553 = tpu.memref_squeeze %dma_wait3A_552 : memref<1x80x64xf32, #tpu.memory_space<vmem>> -> memref<80x64xf32, #tpu.memory_space<vmem>>
      tpu.wait_dma2 semaphore(%run_scoped3A_529 : memref<!tpu.dma_semaphore, #tpu.memory_space<semaphore_mem>>) src(%dma_wait3A_553 : memref<80x64xf32, #tpu.memory_space<vmem>>) dst(%dma_wait3A_549 : memref<80x64xf32, #tpu.memory_space<vmem_shared>>)
      tpu.yield
    }) : () -> ()
    %add3A_17 = arith.constant 320 : i32
    %add3A_18 = arith.addi %mul3A_6, %add3A_17 : i32
    %run_scoped3A_19 = arith.constant 0 : i32
    "tpu.region"() ({
      %run_scoped3A_529 = tpu.sem_alloc : memref<!tpu.dma_semaphore, #tpu.memory_space<semaphore_mem>>
      %dma_start3A_530 = arith.constant 0 : i32
      %dma_start3A_531 = arith.constant 0 : i32
      %dma_start3A_532 = tpu.memref_slice %arg10[%run_scoped3A_19, %dma_start3A_530, %dma_start3A_531] : memref<3x80x64xf32, #tpu.memory_space<vmem>> -> memref<1x80x64xf32, #tpu.memory_space<vmem>>
      %dma_start3A_533 = tpu.memref_squeeze %dma_start3A_532 : memref<1x80x64xf32, #tpu.memory_space<vmem>> -> memref<80x64xf32, #tpu.memory_space<vmem>>
      %dma_start3A_534 = arith.constant 0 : i32
      %dma_start3A_535 = tpu.memref_slice %arg11[%add3A_18, %dma_start3A_534] : memref<10000x64xf32, #tpu.memory_space<vmem_shared>> -> memref<80x64xf32, #tpu.memory_space<vmem_shared>>
      %dma_start3A_536 = arith.constant 0 : i32
      %dma_start3A_537 = tpu.memref_slice %arg11[%add3A_18, %dma_start3A_536] : memref<10000x64xf32, #tpu.memory_space<vmem_shared>> -> memref<80x64xf32, #tpu.memory_space<vmem_shared>>
      %dma_start3A_538 = arith.constant 0 : i32
      %dma_start3A_539 = arith.constant 0 : i32
      %dma_start3A_540 = tpu.memref_slice %arg10[%run_scoped3A_19, %dma_start3A_538, %dma_start3A_539] : memref<3x80x64xf32, #tpu.memory_space<vmem>> -> memref<1x80x64xf32, #tpu.memory_space<vmem>>
      %dma_start3A_541 = tpu.memref_squeeze %dma_start3A_540 : memref<1x80x64xf32, #tpu.memory_space<vmem>> -> memref<80x64xf32, #tpu.memory_space<vmem>>
      tpu.enqueue_dma source(%dma_start3A_541 : memref<80x64xf32, #tpu.memory_space<vmem>>) target(%dma_start3A_537 : memref<80x64xf32, #tpu.memory_space<vmem_shared>>) target_semaphore(%run_scoped3A_529 : memref<!tpu.dma_semaphore, #tpu.memory_space<semaphore_mem>>)
      %dma_wait3A_542 = arith.constant 0 : i32
      %dma_wait3A_543 = arith.constant 0 : i32
      %dma_wait3A_544 = tpu.memref_slice %arg10[%run_scoped3A_19, %dma_wait3A_542, %dma_wait3A_543] : memref<3x80x64xf32, #tpu.memory_space<vmem>> -> memref<1x80x64xf32, #tpu.memory_space<vmem>>
      %dma_wait3A_545 = tpu.memref_squeeze %dma_wait3A_544 : memref<1x80x64xf32, #tpu.memory_space<vmem>> -> memref<80x64xf32, #tpu.memory_space<vmem>>
      %dma_wait3A_546 = arith.constant 0 : i32
      %dma_wait3A_547 = tpu.memref_slice %arg11[%add3A_18, %dma_wait3A_546] : memref<10000x64xf32, #tpu.memory_space<vmem_shared>> -> memref<80x64xf32, #tpu.memory_space<vmem_shared>>
      %dma_wait3A_548 = arith.constant 0 : i32
      %dma_wait3A_549 = tpu.memref_slice %arg11[%add3A_18, %dma_wait3A_548] : memref<10000x64xf32, #tpu.memory_space<vmem_shared>> -> memref<80x64xf32, #tpu.memory_space<vmem_shared>>
      %dma_wait3A_550 = arith.constant 0 : i32
      %dma_wait3A_551 = arith.constant 0 : i32
      %dma_wait3A_552 = tpu.memref_slice %arg10[%run_scoped3A_19, %dma_wait3A_550, %dma_wait3A_551] : memref<3x80x64xf32, #tpu.memory_space<vmem>> -> memref<1x80x64xf32, #tpu.memory_space<vmem>>
      %dma_wait3A_553 = tpu.memref_squeeze %dma_wait3A_552 : memref<1x80x64xf32, #tpu.memory_space<vmem>> -> memref<80x64xf32, #tpu.memory_space<vmem>>
      tpu.wait_dma2 semaphore(%run_scoped3A_529 : memref<!tpu.dma_semaphore, #tpu.memory_space<semaphore_mem>>) src(%dma_wait3A_553 : memref<80x64xf32, #tpu.memory_space<vmem>>) dst(%dma_wait3A_549 : memref<80x64xf32, #tpu.memory_space<vmem_shared>>)
      tpu.yield
    }) : () -> ()
    %add3A_20 = arith.constant 400 : i32
    %add3A_21 = arith.addi %mul3A_6, %add3A_20 : i32
    %run_scoped3A_22 = arith.constant 0 : i32
    "tpu.region"() ({
      %run_scoped3A_529 = tpu.sem_alloc : memref<!tpu.dma_semaphore, #tpu.memory_space<semaphore_mem>>
      %dma_start3A_530 = arith.constant 0 : i32
      %dma_start3A_531 = arith.constant 0 : i32
      %dma_start3A_532 = tpu.memref_slice %arg10[%run_scoped3A_22, %dma_start3A_530, %dma_start3A_531] : memref<3x80x64xf32, #tpu.memory_space<vmem>> -> memref<1x80x64xf32, #tpu.memory_space<vmem>>
      %dma_start3A_533 = tpu.memref_squeeze %dma_start3A_532 : memref<1x80x64xf32, #tpu.memory_space<vmem>> -> memref<80x64xf32, #tpu.memory_space<vmem>>
      %dma_start3A_534 = arith.constant 0 : i32
      %dma_start3A_535 = tpu.memref_slice %arg11[%add3A_21, %dma_start3A_534] : memref<10000x64xf32, #tpu.memory_space<vmem_shared>> -> memref<80x64xf32, #tpu.memory_space<vmem_shared>>
      %dma_start3A_536 = arith.constant 0 : i32
      %dma_start3A_537 = tpu.memref_slice %arg11[%add3A_21, %dma_start3A_536] : memref<10000x64xf32, #tpu.memory_space<vmem_shared>> -> memref<80x64xf32, #tpu.memory_space<vmem_shared>>
      %dma_start3A_538 = arith.constant 0 : i32
      %dma_start3A_539 = arith.constant 0 : i32
      %dma_start3A_540 = tpu.memref_slice %arg10[%run_scoped3A_22, %dma_start3A_538, %dma_start3A_539] : memref<3x80x64xf32, #tpu.memory_space<vmem>> -> memref<1x80x64xf32, #tpu.memory_space<vmem>>
      %dma_start3A_541 = tpu.memref_squeeze %dma_start3A_540 : memref<1x80x64xf32, #tpu.memory_space<vmem>> -> memref<80x64xf32, #tpu.memory_space<vmem>>
      tpu.enqueue_dma source(%dma_start3A_541 : memref<80x64xf32, #tpu.memory_space<vmem>>) target(%dma_start3A_537 : memref<80x64xf32, #tpu.memory_space<vmem_shared>>) target_semaphore(%run_scoped3A_529 : memref<!tpu.dma_semaphore, #tpu.memory_space<semaphore_mem>>)
      %dma_wait3A_542 = arith.constant 0 : i32
      %dma_wait3A_543 = arith.constant 0 : i32
      %dma_wait3A_544 = tpu.memref_slice %arg10[%run_scoped3A_22, %dma_wait3A_542, %dma_wait3A_543] : memref<3x80x64xf32, #tpu.memory_space<vmem>> -> memref<1x80x64xf32, #tpu.memory_space<vmem>>
      %dma_wait3A_545 = tpu.memref_squeeze %dma_wait3A_544 : memref<1x80x64xf32, #tpu.memory_space<vmem>> -> memref<80x64xf32, #tpu.memory_space<vmem>>
      %dma_wait3A_546 = arith.constant 0 : i32
      %dma_wait3A_547 = tpu.memref_slice %arg11[%add3A_21, %dma_wait3A_546] : memref<10000x64xf32, #tpu.memory_space<vmem_shared>> -> memref<80x64xf32, #tpu.memory_space<vmem_shared>>
      %dma_wait3A_548 = arith.constant 0 : i32
      %dma_wait3A_549 = tpu.memref_slice %arg11[%add3A_21, %dma_wait3A_548] : memref<10000x64xf32, #tpu.memory_space<vmem_shared>> -> memref<80x64xf32, #tpu.memory_space<vmem_shared>>
      %dma_wait3A_550 = arith.constant 0 : i32
      %dma_wait3A_551 = arith.constant 0 : i32
      %dma_wait3A_552 = tpu.memref_slice %arg10[%run_scoped3A_22, %dma_wait3A_550, %dma_wait3A_551] : memref<3x80x64xf32, #tpu.memory_space<vmem>> -> memref<1x80x64xf32, #tpu.memory_space<vmem>>
      %dma_wait3A_553 = tpu.memref_squeeze %dma_wait3A_552 : memref<1x80x64xf32, #tpu.memory_space<vmem>> -> memref<80x64xf32, #tpu.memory_space<vmem>>
      tpu.wait_dma2 semaphore(%run_scoped3A_529 : memref<!tpu.dma_semaphore, #tpu.memory_space<semaphore_mem>>) src(%dma_wait3A_553 : memref<80x64xf32, #tpu.memory_space<vmem>>) dst(%dma_wait3A_549 : memref<80x64xf32, #tpu.memory_space<vmem_shared>>)
      tpu.yield
    }) : () -> ()
    %add3A_23 = arith.constant 480 : i32
    %add3A_24 = arith.addi %mul3A_6, %add3A_23 : i32
    %run_scoped3A_25 = arith.constant 0 : i32
    "tpu.region"() ({
      %run_scoped3A_529 = tpu.sem_alloc : memref<!tpu.dma_semaphore, #tpu.memory_space<semaphore_mem>>
      %dma_start3A_530 = arith.constant 0 : i32
      %dma_start3A_531 = arith.constant 0 : i32
      %dma_start3A_532 = tpu.memref_slice %arg10[%run_scoped3A_25, %dma_start3A_530, %dma_start3A_531] : memref<3x80x64xf32, #tpu.memory_space<vmem>> -> memref<1x80x64xf32, #tpu.memory_space<vmem>>
      %dma_start3A_533 = tpu.memref_squeeze %dma_start3A_532 : memref<1x80x64xf32, #tpu.memory_space<vmem>> -> memref<80x64xf32, #tpu.memory_space<vmem>>
      %dma_start3A_534 = arith.constant 0 : i32
      %dma_start3A_535 = tpu.memref_slice %arg11[%add3A_24, %dma_start3A_534] : memref<10000x64xf32, #tpu.memory_space<vmem_shared>> -> memref<80x64xf32, #tpu.memory_space<vmem_shared>>
      %dma_start3A_536 = arith.constant 0 : i32
      %dma_start3A_537 = tpu.memref_slice %arg11[%add3A_24, %dma_start3A_536] : memref<10000x64xf32, #tpu.memory_space<vmem_shared>> -> memref<80x64xf32, #tpu.memory_space<vmem_shared>>
      %dma_start3A_538 = arith.constant 0 : i32
      %dma_start3A_539 = arith.constant 0 : i32
      %dma_start3A_540 = tpu.memref_slice %arg10[%run_scoped3A_25, %dma_start3A_538, %dma_start3A_539] : memref<3x80x64xf32, #tpu.memory_space<vmem>> -> memref<1x80x64xf32, #tpu.memory_space<vmem>>
      %dma_start3A_541 = tpu.memref_squeeze %dma_start3A_540 : memref<1x80x64xf32, #tpu.memory_space<vmem>> -> memref<80x64xf32, #tpu.memory_space<vmem>>
      tpu.enqueue_dma source(%dma_start3A_541 : memref<80x64xf32, #tpu.memory_space<vmem>>) target(%dma_start3A_537 : memref<80x64xf32, #tpu.memory_space<vmem_shared>>) target_semaphore(%run_scoped3A_529 : memref<!tpu.dma_semaphore, #tpu.memory_space<semaphore_mem>>)
      %dma_wait3A_542 = arith.constant 0 : i32
      %dma_wait3A_543 = arith.constant 0 : i32
      %dma_wait3A_544 = tpu.memref_slice %arg10[%run_scoped3A_25, %dma_wait3A_542, %dma_wait3A_543] : memref<3x80x64xf32, #tpu.memory_space<vmem>> -> memref<1x80x64xf32, #tpu.memory_space<vmem>>
      %dma_wait3A_545 = tpu.memref_squeeze %dma_wait3A_544 : memref<1x80x64xf32, #tpu.memory_space<vmem>> -> memref<80x64xf32, #tpu.memory_space<vmem>>
      %dma_wait3A_546 = arith.constant 0 : i32
      %dma_wait3A_547 = tpu.memref_slice %arg11[%add3A_24, %dma_wait3A_546] : memref<10000x64xf32, #tpu.memory_space<vmem_shared>> -> memref<80x64xf32, #tpu.memory_space<vmem_shared>>
      %dma_wait3A_548 = arith.constant 0 : i32
      %dma_wait3A_549 = tpu.memref_slice %arg11[%add3A_24, %dma_wait3A_548] : memref<10000x64xf32, #tpu.memory_space<vmem_shared>> -> memref<80x64xf32, #tpu.memory_space<vmem_shared>>
      %dma_wait3A_550 = arith.constant 0 : i32
      %dma_wait3A_551 = arith.constant 0 : i32
      %dma_wait3A_552 = tpu.memref_slice %arg10[%run_scoped3A_25, %dma_wait3A_550, %dma_wait3A_551] : memref<3x80x64xf32, #tpu.memory_space<vmem>> -> memref<1x80x64xf32, #tpu.memory_space<vmem>>
      %dma_wait3A_553 = tpu.memref_squeeze %dma_wait3A_552 : memref<1x80x64xf32, #tpu.memory_space<vmem>> -> memref<80x64xf32, #tpu.memory_space<vmem>>
      tpu.wait_dma2 semaphore(%run_scoped3A_529 : memref<!tpu.dma_semaphore, #tpu.memory_space<semaphore_mem>>) src(%dma_wait3A_553 : memref<80x64xf32, #tpu.memory_space<vmem>>) dst(%dma_wait3A_549 : memref<80x64xf32, #tpu.memory_space<vmem_shared>>)
      tpu.yield
    }) : () -> ()
    %add3A_26 = arith.constant 560 : i32
    %add3A_27 = arith.addi %mul3A_6, %add3A_26 : i32
    %run_scoped3A_28 = arith.constant 0 : i32
    "tpu.region"() ({
      %run_scoped3A_529 = tpu.sem_alloc : memref<!tpu.dma_semaphore, #tpu.memory_space<semaphore_mem>>
      %dma_start3A_530 = arith.constant 0 : i32
      %dma_start3A_531 = arith.constant 0 : i32
      %dma_start3A_532 = tpu.memref_slice %arg10[%run_scoped3A_28, %dma_start3A_530, %dma_start3A_531] : memref<3x80x64xf32, #tpu.memory_space<vmem>> -> memref<1x80x64xf32, #tpu.memory_space<vmem>>
      %dma_start3A_533 = tpu.memref_squeeze %dma_start3A_532 : memref<1x80x64xf32, #tpu.memory_space<vmem>> -> memref<80x64xf32, #tpu.memory_space<vmem>>
      %dma_start3A_534 = arith.constant 0 : i32
      %dma_start3A_535 = tpu.memref_slice %arg11[%add3A_27, %dma_start3A_534] : memref<10000x64xf32, #tpu.memory_space<vmem_shared>> -> memref<80x64xf32, #tpu.memory_space<vmem_shared>>
      %dma_start3A_536 = arith.constant 0 : i32
      %dma_start3A_537 = tpu.memref_slice %arg11[%add3A_27, %dma_start3A_536] : memref<10000x64xf32, #tpu.memory_space<vmem_shared>> -> memref<80x64xf32, #tpu.memory_space<vmem_shared>>
      %dma_start3A_538 = arith.constant 0 : i32
      %dma_start3A_539 = arith.constant 0 : i32
      %dma_start3A_540 = tpu.memref_slice %arg10[%run_scoped3A_28, %dma_start3A_538, %dma_start3A_539] : memref<3x80x64xf32, #tpu.memory_space<vmem>> -> memref<1x80x64xf32, #tpu.memory_space<vmem>>
      %dma_start3A_541 = tpu.memref_squeeze %dma_start3A_540 : memref<1x80x64xf32, #tpu.memory_space<vmem>> -> memref<80x64xf32, #tpu.memory_space<vmem>>
      tpu.enqueue_dma source(%dma_start3A_541 : memref<80x64xf32, #tpu.memory_space<vmem>>) target(%dma_start3A_537 : memref<80x64xf32, #tpu.memory_space<vmem_shared>>) target_semaphore(%run_scoped3A_529 : memref<!tpu.dma_semaphore, #tpu.memory_space<semaphore_mem>>)
      %dma_wait3A_542 = arith.constant 0 : i32
      %dma_wait3A_543 = arith.constant 0 : i32
      %dma_wait3A_544 = tpu.memref_slice %arg10[%run_scoped3A_28, %dma_wait3A_542, %dma_wait3A_543] : memref<3x80x64xf32, #tpu.memory_space<vmem>> -> memref<1x80x64xf32, #tpu.memory_space<vmem>>
      %dma_wait3A_545 = tpu.memref_squeeze %dma_wait3A_544 : memref<1x80x64xf32, #tpu.memory_space<vmem>> -> memref<80x64xf32, #tpu.memory_space<vmem>>
      %dma_wait3A_546 = arith.constant 0 : i32
      %dma_wait3A_547 = tpu.memref_slice %arg11[%add3A_27, %dma_wait3A_546] : memref<10000x64xf32, #tpu.memory_space<vmem_shared>> -> memref<80x64xf32, #tpu.memory_space<vmem_shared>>
      %dma_wait3A_548 = arith.constant 0 : i32
      %dma_wait3A_549 = tpu.memref_slice %arg11[%add3A_27, %dma_wait3A_548] : memref<10000x64xf32, #tpu.memory_space<vmem_shared>> -> memref<80x64xf32, #tpu.memory_space<vmem_shared>>
      %dma_wait3A_550 = arith.constant 0 : i32
      %dma_wait3A_551 = arith.constant 0 : i32
      %dma_wait3A_552 = tpu.memref_slice %arg10[%run_scoped3A_28, %dma_wait3A_550, %dma_wait3A_551] : memref<3x80x64xf32, #tpu.memory_space<vmem>> -> memref<1x80x64xf32, #tpu.memory_space<vmem>>
      %dma_wait3A_553 = tpu.memref_squeeze %dma_wait3A_552 : memref<1x80x64xf32, #tpu.memory_space<vmem>> -> memref<80x64xf32, #tpu.memory_space<vmem>>
      tpu.wait_dma2 semaphore(%run_scoped3A_529 : memref<!tpu.dma_semaphore, #tpu.memory_space<semaphore_mem>>) src(%dma_wait3A_553 : memref<80x64xf32, #tpu.memory_space<vmem>>) dst(%dma_wait3A_549 : memref<80x64xf32, #tpu.memory_space<vmem_shared>>)
      tpu.yield
    }) : () -> ()
    %barrier3A = arith.constant 0 : index
    tpu.barrier barrier_id(%barrier3A)
    %broadcast_in_dim3A_29 = vector.broadcast %arg0 : i32 to vector<16xi32>
    %get3A = arith.constant 0 : i32
    %get3A_30 = arith.constant 0 : i32
    %get3A_31 = tpu.memref_slice %arg7[%get3A, %get3A_30] : memref<250x80xi32, #tpu.memory_space<vmem>> -> memref<1x80xi32, #tpu.memory_space<vmem>>
    %get3A_32 = tpu.memref_squeeze %get3A_31 : memref<1x80xi32, #tpu.memory_space<vmem>> -> memref<80xi32, #tpu.memory_space<vmem>>
    %get3A_33 = arith.constant 0 : index
    %get3A_34 = tpu.vector_load %get3A_32[%get3A_33] {strides = array<i32>} : memref<80xi32, #tpu.memory_space<vmem>>, vector<16xi32>,
    %add3A_35 = arith.addi %get3A_34, %get3A_34 : vector<16xi32>
    %add3A_36 = arith.addi %add3A_35, %broadcast_in_dim3A_29 : vector<16xi32>
    %swap3A = arith.constant 0 : i32
    %swap3A_37 = arith.constant 0 : i32
    %swap3A_38 = tpu.memref_slice %arg7[%swap3A, %swap3A_37] : memref<250x80xi32, #tpu.memory_space<vmem>> -> memref<1x80xi32, #tpu.memory_space<vmem>>
    %swap3A_39 = tpu.memref_squeeze %swap3A_38 : memref<1x80xi32, #tpu.memory_space<vmem>> -> memref<80xi32, #tpu.memory_space<vmem>>
    %swap3A_40 = arith.constant 0 : index
    %swap3A_41 = tpu.vector_load %swap3A_39[%swap3A_40] {strides = array<i32>} : memref<80xi32, #tpu.memory_space<vmem>>, vector<16xi32>,
    tpu.vector_store %swap3A_39[%swap3A_40], %add3A_36 {strides = array<i32>} : memref<80xi32, #tpu.memory_space<vmem>>, vector<16xi32>,
    %get3A_42 = arith.constant 0 : i32
    %get3A_43 = arith.constant 0 : i32
    %get3A_44 = tpu.memref_slice %arg7[%get3A_42, %get3A_43] : memref<250x80xi32, #tpu.memory_space<vmem>> -> memref<1x80xi32, #tpu.memory_space<vmem>>
    %get3A_45 = tpu.memref_squeeze %get3A_44 : memref<1x80xi32, #tpu.memory_space<vmem>> -> memref<80xi32, #tpu.memory_space<vmem>>
    %get3A_46 = arith.constant 16 : index
    %get3A_47 = tpu.vector_load %get3A_45[%get3A_46] {strides = array<i32>} : memref<80xi32, #tpu.memory_space<vmem>>, vector<16xi32>,
    %add3A_48 = arith.addi %get3A_47, %get3A_47 : vector<16xi32>
    %add3A_49 = arith.addi %add3A_48, %broadcast_in_dim3A_29 : vector<16xi32>
    %swap3A_50 = arith.constant 0 : i32
    %swap3A_51 = arith.constant 0 : i32
    %swap3A_52 = tpu.memref_slice %arg7[%swap3A_50, %swap3A_51] : memref<250x80xi32, #tpu.memory_space<vmem>> -> memref<1x80xi32, #tpu.memory_space<vmem>>
    %swap3A_53 = tpu.memref_squeeze %swap3A_52 : memref<1x80xi32, #tpu.memory_space<vmem>> -> memref<80xi32, #tpu.memory_space<vmem>>
    %swap3A_54 = arith.constant 16 : index
    %swap3A_55 = tpu.vector_load %swap3A_53[%swap3A_54] {strides = array<i32>} : memref<80xi32, #tpu.memory_space<vmem>>, vector<16xi32>,
    tpu.vector_store %swap3A_53[%swap3A_54], %add3A_49 {strides = array<i32>} : memref<80xi32, #tpu.memory_space<vmem>>, vector<16xi32>,
    %get3A_56 = arith.constant 0 : i32
    %get3A_57 = arith.constant 0 : i32
    %get3A_58 = tpu.memref_slice %arg7[%get3A_56, %get3A_57] : memref<250x80xi32, #tpu.memory_space<vmem>> -> memref<1x80xi32, #tpu.memory_space<vmem>>
    %get3A_59 = tpu.memref_squeeze %get3A_58 : memref<1x80xi32, #tpu.memory_space<vmem>> -> memref<80xi32, #tpu.memory_space<vmem>>
    %get3A_60 = arith.constant 32 : index
    %get3A_61 = tpu.vector_load %get3A_59[%get3A_60] {strides = array<i32>} : memref<80xi32, #tpu.memory_space<vmem>>, vector<16xi32>,
    %add3A_62 = arith.addi %get3A_61, %get3A_61 : vector<16xi32>
    %add3A_63 = arith.addi %add3A_62, %broadcast_in_dim3A_29 : vector<16xi32>
    %swap3A_64 = arith.constant 0 : i32
    %swap3A_65 = arith.constant 0 : i32
    %swap3A_66 = tpu.memref_slice %arg7[%swap3A_64, %swap3A_65] : memref<250x80xi32, #tpu.memory_space<vmem>> -> memref<1x80xi32, #tpu.memory_space<vmem>>
    %swap3A_67 = tpu.memref_squeeze %swap3A_66 : memref<1x80xi32, #tpu.memory_space<vmem>> -> memref<80xi32, #tpu.memory_space<vmem>>
    %swap3A_68 = arith.constant 32 : index
    %swap3A_69 = tpu.vector_load %swap3A_67[%swap3A_68] {strides = array<i32>} : memref<80xi32, #tpu.memory_space<vmem>>, vector<16xi32>,
    tpu.vector_store %swap3A_67[%swap3A_68], %add3A_63 {strides = array<i32>} : memref<80xi32, #tpu.memory_space<vmem>>, vector<16xi32>,
    %get3A_70 = arith.constant 0 : i32
    %get3A_71 = arith.constant 0 : i32
    %get3A_72 = tpu.memref_slice %arg7[%get3A_70, %get3A_71] : memref<250x80xi32, #tpu.memory_space<vmem>> -> memref<1x80xi32, #tpu.memory_space<vmem>>
    %get3A_73 = tpu.memref_squeeze %get3A_72 : memref<1x80xi32, #tpu.memory_space<vmem>> -> memref<80xi32, #tpu.memory_space<vmem>>
    %get3A_74 = arith.constant 48 : index
    %get3A_75 = tpu.vector_load %get3A_73[%get3A_74] {strides = array<i32>} : memref<80xi32, #tpu.memory_space<vmem>>, vector<16xi32>,
    %add3A_76 = arith.addi %get3A_75, %get3A_75 : vector<16xi32>
    %add3A_77 = arith.addi %add3A_76, %broadcast_in_dim3A_29 : vector<16xi32>
    %swap3A_78 = arith.constant 0 : i32
    %swap3A_79 = arith.constant 0 : i32
    %swap3A_80 = tpu.memref_slice %arg7[%swap3A_78, %swap3A_79] : memref<250x80xi32, #tpu.memory_space<vmem>> -> memref<1x80xi32, #tpu.memory_space<vmem>>
    %swap3A_81 = tpu.memref_squeeze %swap3A_80 : memref<1x80xi32, #tpu.memory_space<vmem>> -> memref<80xi32, #tpu.memory_space<vmem>>
    %swap3A_82 = arith.constant 48 : index
    %swap3A_83 = tpu.vector_load %swap3A_81[%swap3A_82] {strides = array<i32>} : memref<80xi32, #tpu.memory_space<vmem>>, vector<16xi32>,
    tpu.vector_store %swap3A_81[%swap3A_82], %add3A_77 {strides = array<i32>} : memref<80xi32, #tpu.memory_space<vmem>>, vector<16xi32>,
    %get3A_84 = arith.constant 0 : i32
    %get3A_85 = arith.constant 0 : i32
    %get3A_86 = tpu.memref_slice %arg7[%get3A_84, %get3A_85] : memref<250x80xi32, #tpu.memory_space<vmem>> -> memref<1x80xi32, #tpu.memory_space<vmem>>
    %get3A_87 = tpu.memref_squeeze %get3A_86 : memref<1x80xi32, #tpu.memory_space<vmem>> -> memref<80xi32, #tpu.memory_space<vmem>>
    %get3A_88 = arith.constant 64 : index
    %get3A_89 = tpu.vector_load %get3A_87[%get3A_88] {strides = array<i32>} : memref<80xi32, #tpu.memory_space<vmem>>, vector<16xi32>,
    %add3A_90 = arith.addi %get3A_89, %get3A_89 : vector<16xi32>
    %add3A_91 = arith.addi %add3A_90, %broadcast_in_dim3A_29 : vector<16xi32>
    %swap3A_92 = arith.constant 0 : i32
    %swap3A_93 = arith.constant 0 : i32
    %swap3A_94 = tpu.memref_slice %arg7[%swap3A_92, %swap3A_93] : memref<250x80xi32, #tpu.memory_space<vmem>> -> memref<1x80xi32, #tpu.memory_space<vmem>>
    %swap3A_95 = tpu.memref_squeeze %swap3A_94 : memref<1x80xi32, #tpu.memory_space<vmem>> -> memref<80xi32, #tpu.memory_space<vmem>>
    %swap3A_96 = arith.constant 64 : index
    %swap3A_97 = tpu.vector_load %swap3A_95[%swap3A_96] {strides = array<i32>} : memref<80xi32, #tpu.memory_space<vmem>>, vector<16xi32>,
    tpu.vector_store %swap3A_95[%swap3A_96], %add3A_91 {strides = array<i32>} : memref<80xi32, #tpu.memory_space<vmem>>, vector<16xi32>,
    %dma_start3A = arith.constant 0 : i32
    %dma_start3A_98 = arith.constant 0 : i32
    %dma_start3A_99 = arith.constant 0 : i32
    %dma_start3A_100 = arith.constant 0 : i32
    %dma_start3A_101 = tpu.memref_slice %arg10[%dma_start3A_98, %dma_start3A_99, %dma_start3A_100] : memref<3x80x64xf32, #tpu.memory_space<vmem>> -> memref<1x80x64xf32, #tpu.memory_space<vmem>>
    %dma_start3A_102 = tpu.memref_squeeze %dma_start3A_101 : memref<1x80x64xf32, #tpu.memory_space<vmem>> -> memref<80x64xf32, #tpu.memory_space<vmem>>
    %dma_start3A_103 = arith.constant 0 : i32
    %dma_start3A_104 = tpu.memref_slice %arg7[%dma_start3A, %dma_start3A_103] : memref<250x80xi32, #tpu.memory_space<vmem>> -> memref<1x80xi32, #tpu.memory_space<vmem>>
    %dma_start3A_105 = tpu.memref_squeeze %dma_start3A_104 : memref<1x80xi32, #tpu.memory_space<vmem>> -> memref<80xi32, #tpu.memory_space<vmem>>
    %dma_start3A_106 = arith.constant 0 : i32
    %dma_start3A_107 = arith.constant 0 : i32
    %dma_start3A_108 = tpu.memref_slice %arg2[%dma_start3A_106, %dma_start3A_107] : memref<20000x64xf32, #tpu.memory_space<hbm>> -> memref<20000x64xf32, #tpu.memory_space<hbm>>
    tpu.enqueue_indirect_dma source(%dma_start3A_108 : memref<20000x64xf32, #tpu.memory_space<hbm>>) target(%dma_start3A_102 : memref<80x64xf32, #tpu.memory_space<vmem>>) offsets(%dma_start3A_105 : memref<80xi32, #tpu.memory_space<vmem>>) semaphore(%arg12 : memref<!tpu.dma_semaphore, #tpu.memory_space<semaphore_mem>>)
    %get3A_109 = arith.constant 1 : i32
    %get3A_110 = arith.constant 0 : i32
    %get3A_111 = tpu.memref_slice %arg7[%get3A_109, %get3A_110] : memref<250x80xi32, #tpu.memory_space<vmem>> -> memref<1x80xi32, #tpu.memory_space<vmem>>
    %get3A_112 = tpu.memref_squeeze %get3A_111 : memref<1x80xi32, #tpu.memory_space<vmem>> -> memref<80xi32, #tpu.memory_space<vmem>>
    %get3A_113 = arith.constant 0 : index
    %get3A_114 = tpu.vector_load %get3A_112[%get3A_113] {strides = array<i32>} : memref<80xi32, #tpu.memory_space<vmem>>, vector<16xi32>,
    %add3A_115 = arith.addi %get3A_114, %get3A_114 : vector<16xi32>
    %add3A_116 = arith.addi %add3A_115, %broadcast_in_dim3A_29 : vector<16xi32>
    %swap3A_117 = arith.constant 1 : i32
    %swap3A_118 = arith.constant 0 : i32
    %swap3A_119 = tpu.memref_slice %arg7[%swap3A_117, %swap3A_118] : memref<250x80xi32, #tpu.memory_space<vmem>> -> memref<1x80xi32, #tpu.memory_space<vmem>>
    %swap3A_120 = tpu.memref_squeeze %swap3A_119 : memref<1x80xi32, #tpu.memory_space<vmem>> -> memref<80xi32, #tpu.memory_space<vmem>>
    %swap3A_121 = arith.constant 0 : index
    %swap3A_122 = tpu.vector_load %swap3A_120[%swap3A_121] {strides = array<i32>} : memref<80xi32, #tpu.memory_space<vmem>>, vector<16xi32>,
    tpu.vector_store %swap3A_120[%swap3A_121], %add3A_116 {strides = array<i32>} : memref<80xi32, #tpu.memory_space<vmem>>, vector<16xi32>,
    %get3A_123 = arith.constant 1 : i32
    %get3A_124 = arith.constant 0 : i32
    %get3A_125 = tpu.memref_slice %arg7[%get3A_123, %get3A_124] : memref<250x80xi32, #tpu.memory_space<vmem>> -> memref<1x80xi32, #tpu.memory_space<vmem>>
    %get3A_126 = tpu.memref_squeeze %get3A_125 : memref<1x80xi32, #tpu.memory_space<vmem>> -> memref<80xi32, #tpu.memory_space<vmem>>
    %get3A_127 = arith.constant 16 : index
    %get3A_128 = tpu.vector_load %get3A_126[%get3A_127] {strides = array<i32>} : memref<80xi32, #tpu.memory_space<vmem>>, vector<16xi32>,
    %add3A_129 = arith.addi %get3A_128, %get3A_128 : vector<16xi32>
    %add3A_130 = arith.addi %add3A_129, %broadcast_in_dim3A_29 : vector<16xi32>
    %swap3A_131 = arith.constant 1 : i32
    %swap3A_132 = arith.constant 0 : i32
    %swap3A_133 = tpu.memref_slice %arg7[%swap3A_131, %swap3A_132] : memref<250x80xi32, #tpu.memory_space<vmem>> -> memref<1x80xi32, #tpu.memory_space<vmem>>
    %swap3A_134 = tpu.memref_squeeze %swap3A_133 : memref<1x80xi32, #tpu.memory_space<vmem>> -> memref<80xi32, #tpu.memory_space<vmem>>
    %swap3A_135 = arith.constant 16 : index
    %swap3A_136 = tpu.vector_load %swap3A_134[%swap3A_135] {strides = array<i32>} : memref<80xi32, #tpu.memory_space<vmem>>, vector<16xi32>,
    tpu.vector_store %swap3A_134[%swap3A_135], %add3A_130 {strides = array<i32>} : memref<80xi32, #tpu.memory_space<vmem>>, vector<16xi32>,
    %get3A_137 = arith.constant 1 : i32
    %get3A_138 = arith.constant 0 : i32
    %get3A_139 = tpu.memref_slice %arg7[%get3A_137, %get3A_138] : memref<250x80xi32, #tpu.memory_space<vmem>> -> memref<1x80xi32, #tpu.memory_space<vmem>>
    %get3A_140 = tpu.memref_squeeze %get3A_139 : memref<1x80xi32, #tpu.memory_space<vmem>> -> memref<80xi32, #tpu.memory_space<vmem>>
    %get3A_141 = arith.constant 32 : index
    %get3A_142 = tpu.vector_load %get3A_140[%get3A_141] {strides = array<i32>} : memref<80xi32, #tpu.memory_space<vmem>>, vector<16xi32>,
    %add3A_143 = arith.addi %get3A_142, %get3A_142 : vector<16xi32>
    %add3A_144 = arith.addi %add3A_143, %broadcast_in_dim3A_29 : vector<16xi32>
    %swap3A_145 = arith.constant 1 : i32
    %swap3A_146 = arith.constant 0 : i32
    %swap3A_147 = tpu.memref_slice %arg7[%swap3A_145, %swap3A_146] : memref<250x80xi32, #tpu.memory_space<vmem>> -> memref<1x80xi32, #tpu.memory_space<vmem>>
    %swap3A_148 = tpu.memref_squeeze %swap3A_147 : memref<1x80xi32, #tpu.memory_space<vmem>> -> memref<80xi32, #tpu.memory_space<vmem>>
    %swap3A_149 = arith.constant 32 : index
    %swap3A_150 = tpu.vector_load %swap3A_148[%swap3A_149] {strides = array<i32>} : memref<80xi32, #tpu.memory_space<vmem>>, vector<16xi32>,
    tpu.vector_store %swap3A_148[%swap3A_149], %add3A_144 {strides = array<i32>} : memref<80xi32, #tpu.memory_space<vmem>>, vector<16xi32>,
    %get3A_151 = arith.constant 1 : i32
    %get3A_152 = arith.constant 0 : i32
    %get3A_153 = tpu.memref_slice %arg7[%get3A_151, %get3A_152] : memref<250x80xi32, #tpu.memory_space<vmem>> -> memref<1x80xi32, #tpu.memory_space<vmem>>
    %get3A_154 = tpu.memref_squeeze %get3A_153 : memref<1x80xi32, #tpu.memory_space<vmem>> -> memref<80xi32, #tpu.memory_space<vmem>>
    %get3A_155 = arith.constant 48 : index
    %get3A_156 = tpu.vector_load %get3A_154[%get3A_155] {strides = array<i32>} : memref<80xi32, #tpu.memory_space<vmem>>, vector<16xi32>,
    %add3A_157 = arith.addi %get3A_156, %get3A_156 : vector<16xi32>
    %add3A_158 = arith.addi %add3A_157, %broadcast_in_dim3A_29 : vector<16xi32>
    %swap3A_159 = arith.constant 1 : i32
    %swap3A_160 = arith.constant 0 : i32
    %swap3A_161 = tpu.memref_slice %arg7[%swap3A_159, %swap3A_160] : memref<250x80xi32, #tpu.memory_space<vmem>> -> memref<1x80xi32, #tpu.memory_space<vmem>>
    %swap3A_162 = tpu.memref_squeeze %swap3A_161 : memref<1x80xi32, #tpu.memory_space<vmem>> -> memref<80xi32, #tpu.memory_space<vmem>>
    %swap3A_163 = arith.constant 48 : index
    %swap3A_164 = tpu.vector_load %swap3A_162[%swap3A_163] {strides = array<i32>} : memref<80xi32, #tpu.memory_space<vmem>>, vector<16xi32>,
    tpu.vector_store %swap3A_162[%swap3A_163], %add3A_158 {strides = array<i32>} : memref<80xi32, #tpu.memory_space<vmem>>, vector<16xi32>,
    %get3A_165 = arith.constant 1 : i32
    %get3A_166 = arith.constant 0 : i32
    %get3A_167 = tpu.memref_slice %arg7[%get3A_165, %get3A_166] : memref<250x80xi32, #tpu.memory_space<vmem>> -> memref<1x80xi32, #tpu.memory_space<vmem>>
    %get3A_168 = tpu.memref_squeeze %get3A_167 : memref<1x80xi32, #tpu.memory_space<vmem>> -> memref<80xi32, #tpu.memory_space<vmem>>
    %get3A_169 = arith.constant 64 : index
    %get3A_170 = tpu.vector_load %get3A_168[%get3A_169] {strides = array<i32>} : memref<80xi32, #tpu.memory_space<vmem>>, vector<16xi32>,
    %add3A_171 = arith.addi %get3A_170, %get3A_170 : vector<16xi32>
    %add3A_172 = arith.addi %add3A_171, %broadcast_in_dim3A_29 : vector<16xi32>
    %swap3A_173 = arith.constant 1 : i32
    %swap3A_174 = arith.constant 0 : i32
    %swap3A_175 = tpu.memref_slice %arg7[%swap3A_173, %swap3A_174] : memref<250x80xi32, #tpu.memory_space<vmem>> -> memref<1x80xi32, #tpu.memory_space<vmem>>
    %swap3A_176 = tpu.memref_squeeze %swap3A_175 : memref<1x80xi32, #tpu.memory_space<vmem>> -> memref<80xi32, #tpu.memory_space<vmem>>
    %swap3A_177 = arith.constant 64 : index
    %swap3A_178 = tpu.vector_load %swap3A_176[%swap3A_177] {strides = array<i32>} : memref<80xi32, #tpu.memory_space<vmem>>, vector<16xi32>,
    tpu.vector_store %swap3A_176[%swap3A_177], %add3A_172 {strides = array<i32>} : memref<80xi32, #tpu.memory_space<vmem>>, vector<16xi32>,
    %dma_start3A_179 = arith.constant 1 : i32
    %dma_start3A_180 = arith.constant 1 : i32
    %dma_start3A_181 = arith.constant 0 : i32
    %dma_start3A_182 = arith.constant 0 : i32
    %dma_start3A_183 = tpu.memref_slice %arg10[%dma_start3A_180, %dma_start3A_181, %dma_start3A_182] : memref<3x80x64xf32, #tpu.memory_space<vmem>> -> memref<1x80x64xf32, #tpu.memory_space<vmem>>
    %dma_start3A_184 = tpu.memref_squeeze %dma_start3A_183 : memref<1x80x64xf32, #tpu.memory_space<vmem>> -> memref<80x64xf32, #tpu.memory_space<vmem>>
    %dma_start3A_185 = arith.constant 0 : i32
    %dma_start3A_186 = tpu.memref_slice %arg7[%dma_start3A_179, %dma_start3A_185] : memref<250x80xi32, #tpu.memory_space<vmem>> -> memref<1x80xi32, #tpu.memory_space<vmem>>
    %dma_start3A_187 = tpu.memref_squeeze %dma_start3A_186 : memref<1x80xi32, #tpu.memory_space<vmem>> -> memref<80xi32, #tpu.memory_space<vmem>>
    %dma_start3A_188 = arith.constant 0 : i32
    %dma_start3A_189 = arith.constant 0 : i32
    %dma_start3A_190 = tpu.memref_slice %arg2[%dma_start3A_188, %dma_start3A_189] : memref<20000x64xf32, #tpu.memory_space<hbm>> -> memref<20000x64xf32, #tpu.memory_space<hbm>>
    tpu.enqueue_indirect_dma source(%dma_start3A_190 : memref<20000x64xf32, #tpu.memory_space<hbm>>) target(%dma_start3A_184 : memref<80x64xf32, #tpu.memory_space<vmem>>) offsets(%dma_start3A_187 : memref<80xi32, #tpu.memory_space<vmem>>) semaphore(%arg13 : memref<!tpu.dma_semaphore, #tpu.memory_space<semaphore_mem>>)
    %dma_wait3A = arith.constant 0 : i32
    %dma_wait3A_191 = arith.constant 0 : i32
    %dma_wait3A_192 = arith.constant 0 : i32
    %dma_wait3A_193 = arith.constant 0 : i32
    %dma_wait3A_194 = tpu.memref_slice %arg10[%dma_wait3A_191, %dma_wait3A_192, %dma_wait3A_193] : memref<3x80x64xf32, #tpu.memory_space<vmem>> -> memref<1x80x64xf32, #tpu.memory_space<vmem>>
    %dma_wait3A_195 = tpu.memref_squeeze %dma_wait3A_194 : memref<1x80x64xf32, #tpu.memory_space<vmem>> -> memref<80x64xf32, #tpu.memory_space<vmem>>
    %dma_wait3A_196 = arith.constant 0 : i32
    %dma_wait3A_197 = tpu.memref_slice %arg7[%dma_wait3A, %dma_wait3A_196] : memref<250x80xi32, #tpu.memory_space<vmem>> -> memref<1x80xi32, #tpu.memory_space<vmem>>
    %dma_wait3A_198 = tpu.memref_squeeze %dma_wait3A_197 : memref<1x80xi32, #tpu.memory_space<vmem>> -> memref<80xi32, #tpu.memory_space<vmem>>
    %dma_wait3A_199 = arith.constant 0 : i32
    %dma_wait3A_200 = arith.constant 0 : i32
    %dma_wait3A_201 = tpu.memref_slice %arg2[%dma_wait3A_199, %dma_wait3A_200] : memref<20000x64xf32, #tpu.memory_space<hbm>> -> memref<20000x64xf32, #tpu.memory_space<hbm>>
    tpu.wait_indirect_dma semaphore(%arg12 : memref<!tpu.dma_semaphore, #tpu.memory_space<semaphore_mem>>) src(%dma_wait3A_201 : memref<20000x64xf32, #tpu.memory_space<hbm>>) dst(%dma_wait3A_195 : memref<80x64xf32, #tpu.memory_space<vmem>>)
    %broadcast_in_dim3A_202 = arith.constant 0 : i32
    %broadcast_in_dim3A_203 = vector.broadcast %broadcast_in_dim3A_202 : i32 to vector<16xi32>
    %parallel_loop3A = arith.constant 0 : i32
    %parallel_loop3A_204 = arith.constant 80 : i32
    %parallel_loop3A_205 = arith.constant 1 : i32
    %parallel_loop3A_206 = arith.constant 0 : i32
    scf.for %parallel_loop3A_529 = %parallel_loop3A to %parallel_loop3A_204 step %parallel_loop3A_205  : i32 {
      %parallel_loop3A_530 = vector.broadcast %parallel_loop3A_529 : i32 to vector<16xi32>
      %parallel_loop3A_531 = arith.addi %broadcast_in_dim3A_203, %parallel_loop3A_530 : vector<16xi32>
      %parallel_loop3A_532 = tpu.vector_load_idx %arg9[%parallel_loop3A_531] : memref<20000xf32, #tpu.memory_space<vmem>>[vector<16xi32>], vector<16xf32>,
      %parallel_loop3A_533 = arith.constant 0 : i32
      %parallel_loop3A_534 = arith.constant 0 : i32
      %parallel_loop3A_535 = tpu.memref_slice %arg10[%parallel_loop3A_206, %parallel_loop3A_533, %parallel_loop3A_534] : memref<3x80x64xf32, #tpu.memory_space<vmem>> -> memref<1x80x64xf32, #tpu.memory_space<vmem>>
      %parallel_loop3A_536 = tpu.memref_squeeze %parallel_loop3A_535 : memref<1x80x64xf32, #tpu.memory_space<vmem>> -> memref<80x64xf32, #tpu.memory_space<vmem>>
      %parallel_loop3A_537 = arith.constant 0 : i32
      %parallel_loop3A_538 = tpu.memref_slice %parallel_loop3A_536[%parallel_loop3A_529, %parallel_loop3A_537] : memref<80x64xf32, #tpu.memory_space<vmem>> -> memref<1x64xf32, #tpu.memory_space<vmem>>
      %parallel_loop3A_539 = tpu.memref_squeeze %parallel_loop3A_538 : memref<1x64xf32, #tpu.memory_space<vmem>> -> memref<64xf32, #tpu.memory_space<vmem>>
      %parallel_loop3A_540 = arith.constant 0 : index
      %parallel_loop3A_541 = tpu.vector_load %parallel_loop3A_539[%parallel_loop3A_540] {strides = array<i32>} : memref<64xf32, #tpu.memory_space<vmem>>, vector<16xf32>,
      %parallel_loop3A_542 = arith.mulf %parallel_loop3A_541, %parallel_loop3A_532 : vector<16xf32>
      %parallel_loop3A_543 = arith.constant 0 : i32
      %parallel_loop3A_544 = arith.constant 0 : i32
      %parallel_loop3A_545 = tpu.memref_slice %arg10[%parallel_loop3A_206, %parallel_loop3A_543, %parallel_loop3A_544] : memref<3x80x64xf32, #tpu.memory_space<vmem>> -> memref<1x80x64xf32, #tpu.memory_space<vmem>>
      %parallel_loop3A_546 = tpu.memref_squeeze %parallel_loop3A_545 : memref<1x80x64xf32, #tpu.memory_space<vmem>> -> memref<80x64xf32, #tpu.memory_space<vmem>>
      %parallel_loop3A_547 = arith.constant 0 : i32
      %parallel_loop3A_548 = tpu.memref_slice %parallel_loop3A_546[%parallel_loop3A_529, %parallel_loop3A_547] : memref<80x64xf32, #tpu.memory_space<vmem>> -> memref<1x64xf32, #tpu.memory_space<vmem>>
      %parallel_loop3A_549 = tpu.memref_squeeze %parallel_loop3A_548 : memref<1x64xf32, #tpu.memory_space<vmem>> -> memref<64xf32, #tpu.memory_space<vmem>>
      %parallel_loop3A_550 = arith.constant 0 : index
      %parallel_loop3A_551 = tpu.vector_load %parallel_loop3A_549[%parallel_loop3A_550] {strides = array<i32>} : memref<64xf32, #tpu.memory_space<vmem>>, vector<16xf32>,
      tpu.vector_store %parallel_loop3A_549[%parallel_loop3A_550], %parallel_loop3A_542 {strides = array<i32>} : memref<64xf32, #tpu.memory_space<vmem>>, vector<16xf32>,
      %parallel_loop3A_552 = arith.constant 0 : i32
      %parallel_loop3A_553 = arith.constant 0 : i32
      %parallel_loop3A_554 = tpu.memref_slice %arg10[%parallel_loop3A_206, %parallel_loop3A_552, %parallel_loop3A_553] : memref<3x80x64xf32, #tpu.memory_space<vmem>> -> memref<1x80x64xf32, #tpu.memory_space<vmem>>
      %parallel_loop3A_555 = tpu.memref_squeeze %parallel_loop3A_554 : memref<1x80x64xf32, #tpu.memory_space<vmem>> -> memref<80x64xf32, #tpu.memory_space<vmem>>
      %parallel_loop3A_556 = arith.constant 0 : i32
      %parallel_loop3A_557 = tpu.memref_slice %parallel_loop3A_555[%parallel_loop3A_529, %parallel_loop3A_556] : memref<80x64xf32, #tpu.memory_space<vmem>> -> memref<1x64xf32, #tpu.memory_space<vmem>>
      %parallel_loop3A_558 = tpu.memref_squeeze %parallel_loop3A_557 : memref<1x64xf32, #tpu.memory_space<vmem>> -> memref<64xf32, #tpu.memory_space<vmem>>
      %parallel_loop3A_559 = arith.constant 16 : index
      %parallel_loop3A_560 = tpu.vector_load %parallel_loop3A_558[%parallel_loop3A_559] {strides = array<i32>} : memref<64xf32, #tpu.memory_space<vmem>>, vector<16xf32>,
      %parallel_loop3A_561 = arith.mulf %parallel_loop3A_560, %parallel_loop3A_532 : vector<16xf32>
      %parallel_loop3A_562 = arith.constant 0 : i32
      %parallel_loop3A_563 = arith.constant 0 : i32
      %parallel_loop3A_564 = tpu.memref_slice %arg10[%parallel_loop3A_206, %parallel_loop3A_562, %parallel_loop3A_563] : memref<3x80x64xf32, #tpu.memory_space<vmem>> -> memref<1x80x64xf32, #tpu.memory_space<vmem>>
      %parallel_loop3A_565 = tpu.memref_squeeze %parallel_loop3A_564 : memref<1x80x64xf32, #tpu.memory_space<vmem>> -> memref<80x64xf32, #tpu.memory_space<vmem>>
      %parallel_loop3A_566 = arith.constant 0 : i32
      %parallel_loop3A_567 = tpu.memref_slice %parallel_loop3A_565[%parallel_loop3A_529, %parallel_loop3A_566] : memref<80x64xf32, #tpu.memory_space<vmem>> -> memref<1x64xf32, #tpu.memory_space<vmem>>
      %parallel_loop3A_568 = tpu.memref_squeeze %parallel_loop3A_567 : memref<1x64xf32, #tpu.memory_space<vmem>> -> memref<64xf32, #tpu.memory_space<vmem>>
      %parallel_loop3A_569 = arith.constant 16 : index
      %parallel_loop3A_570 = tpu.vector_load %parallel_loop3A_568[%parallel_loop3A_569] {strides = array<i32>} : memref<64xf32, #tpu.memory_space<vmem>>, vector<16xf32>,
      tpu.vector_store %parallel_loop3A_568[%parallel_loop3A_569], %parallel_loop3A_561 {strides = array<i32>} : memref<64xf32, #tpu.memory_space<vmem>>, vector<16xf32>,
      %parallel_loop3A_571 = arith.constant 0 : i32
      %parallel_loop3A_572 = arith.constant 0 : i32
      %parallel_loop3A_573 = tpu.memref_slice %arg10[%parallel_loop3A_206, %parallel_loop3A_571, %parallel_loop3A_572] : memref<3x80x64xf32, #tpu.memory_space<vmem>> -> memref<1x80x64xf32, #tpu.memory_space<vmem>>
      %parallel_loop3A_574 = tpu.memref_squeeze %parallel_loop3A_573 : memref<1x80x64xf32, #tpu.memory_space<vmem>> -> memref<80x64xf32, #tpu.memory_space<vmem>>
      %parallel_loop3A_575 = arith.constant 0 : i32
      %parallel_loop3A_576 = tpu.memref_slice %parallel_loop3A_574[%parallel_loop3A_529, %parallel_loop3A_575] : memref<80x64xf32, #tpu.memory_space<vmem>> -> memref<1x64xf32, #tpu.memory_space<vmem>>
      %parallel_loop3A_577 = tpu.memref_squeeze %parallel_loop3A_576 : memref<1x64xf32, #tpu.memory_space<vmem>> -> memref<64xf32, #tpu.memory_space<vmem>>
      %parallel_loop3A_578 = arith.constant 32 : index
      %parallel_loop3A_579 = tpu.vector_load %parallel_loop3A_577[%parallel_loop3A_578] {strides = array<i32>} : memref<64xf32, #tpu.memory_space<vmem>>, vector<16xf32>,
      %parallel_loop3A_580 = arith.mulf %parallel_loop3A_579, %parallel_loop3A_532 : vector<16xf32>
      %parallel_loop3A_581 = arith.constant 0 : i32
      %parallel_loop3A_582 = arith.constant 0 : i32
      %parallel_loop3A_583 = tpu.memref_slice %arg10[%parallel_loop3A_206, %parallel_loop3A_581, %parallel_loop3A_582] : memref<3x80x64xf32, #tpu.memory_space<vmem>> -> memref<1x80x64xf32, #tpu.memory_space<vmem>>
      %parallel_loop3A_584 = tpu.memref_squeeze %parallel_loop3A_583 : memref<1x80x64xf32, #tpu.memory_space<vmem>> -> memref<80x64xf32, #tpu.memory_space<vmem>>
      %parallel_loop3A_585 = arith.constant 0 : i32
      %parallel_loop3A_586 = tpu.memref_slice %parallel_loop3A_584[%parallel_loop3A_529, %parallel_loop3A_585] : memref<80x64xf32, #tpu.memory_space<vmem>> -> memref<1x64xf32, #tpu.memory_space<vmem>>
      %parallel_loop3A_587 = tpu.memref_squeeze %parallel_loop3A_586 : memref<1x64xf32, #tpu.memory_space<vmem>> -> memref<64xf32, #tpu.memory_space<vmem>>
      %parallel_loop3A_588 = arith.constant 32 : index
      %parallel_loop3A_589 = tpu.vector_load %parallel_loop3A_587[%parallel_loop3A_588] {strides = array<i32>} : memref<64xf32, #tpu.memory_space<vmem>>, vector<16xf32>,
      tpu.vector_store %parallel_loop3A_587[%parallel_loop3A_588], %parallel_loop3A_580 {strides = array<i32>} : memref<64xf32, #tpu.memory_space<vmem>>, vector<16xf32>,
      %parallel_loop3A_590 = arith.constant 0 : i32
      %parallel_loop3A_591 = arith.constant 0 : i32
      %parallel_loop3A_592 = tpu.memref_slice %arg10[%parallel_loop3A_206, %parallel_loop3A_590, %parallel_loop3A_591] : memref<3x80x64xf32, #tpu.memory_space<vmem>> -> memref<1x80x64xf32, #tpu.memory_space<vmem>>
      %parallel_loop3A_593 = tpu.memref_squeeze %parallel_loop3A_592 : memref<1x80x64xf32, #tpu.memory_space<vmem>> -> memref<80x64xf32, #tpu.memory_space<vmem>>
      %parallel_loop3A_594 = arith.constant 0 : i32
      %parallel_loop3A_595 = tpu.memref_slice %parallel_loop3A_593[%parallel_loop3A_529, %parallel_loop3A_594] : memref<80x64xf32, #tpu.memory_space<vmem>> -> memref<1x64xf32, #tpu.memory_space<vmem>>
      %parallel_loop3A_596 = tpu.memref_squeeze %parallel_loop3A_595 : memref<1x64xf32, #tpu.memory_space<vmem>> -> memref<64xf32, #tpu.memory_space<vmem>>
      %parallel_loop3A_597 = arith.constant 48 : index
      %parallel_loop3A_598 = tpu.vector_load %parallel_loop3A_596[%parallel_loop3A_597] {strides = array<i32>} : memref<64xf32, #tpu.memory_space<vmem>>, vector<16xf32>,
      %parallel_loop3A_599 = arith.mulf %parallel_loop3A_598, %parallel_loop3A_532 : vector<16xf32>
      %parallel_loop3A_600 = arith.constant 0 : i32
      %parallel_loop3A_601 = arith.constant 0 : i32
      %parallel_loop3A_602 = tpu.memref_slice %arg10[%parallel_loop3A_206, %parallel_loop3A_600, %parallel_loop3A_601] : memref<3x80x64xf32, #tpu.memory_space<vmem>> -> memref<1x80x64xf32, #tpu.memory_space<vmem>>
      %parallel_loop3A_603 = tpu.memref_squeeze %parallel_loop3A_602 : memref<1x80x64xf32, #tpu.memory_space<vmem>> -> memref<80x64xf32, #tpu.memory_space<vmem>>
      %parallel_loop3A_604 = arith.constant 0 : i32
      %parallel_loop3A_605 = tpu.memref_slice %parallel_loop3A_603[%parallel_loop3A_529, %parallel_loop3A_604] : memref<80x64xf32, #tpu.memory_space<vmem>> -> memref<1x64xf32, #tpu.memory_space<vmem>>
      %parallel_loop3A_606 = tpu.memref_squeeze %parallel_loop3A_605 : memref<1x64xf32, #tpu.memory_space<vmem>> -> memref<64xf32, #tpu.memory_space<vmem>>
      %parallel_loop3A_607 = arith.constant 48 : index
      %parallel_loop3A_608 = tpu.vector_load %parallel_loop3A_606[%parallel_loop3A_607] {strides = array<i32>} : memref<64xf32, #tpu.memory_space<vmem>>, vector<16xf32>,
      tpu.vector_store %parallel_loop3A_606[%parallel_loop3A_607], %parallel_loop3A_599 {strides = array<i32>} : memref<64xf32, #tpu.memory_space<vmem>>, vector<16xf32>,
    } {sc.loop_unroll_factor = 4 : i64, sc.parallel_access}
    %dma_start3A_207 = arith.constant 0 : i32
    %dma_start3A_208 = arith.constant 0 : i32
    %dma_start3A_209 = arith.constant 0 : i32
    %dma_start3A_210 = arith.constant 0 : i32
    %dma_start3A_211 = tpu.memref_slice %arg10[%dma_start3A_207, %dma_start3A_209, %dma_start3A_210] : memref<3x80x64xf32, #tpu.memory_space<vmem>> -> memref<1x80x64xf32, #tpu.memory_space<vmem>>
    %dma_start3A_212 = tpu.memref_squeeze %dma_start3A_211 : memref<1x80x64xf32, #tpu.memory_space<vmem>> -> memref<80x64xf32, #tpu.memory_space<vmem>>
    %dma_start3A_213 = arith.constant 0 : i32
    %dma_start3A_214 = tpu.memref_slice %arg8[%dma_start3A_208, %dma_start3A_213] : memref<250x80xi32, #tpu.memory_space<vmem>> -> memref<1x80xi32, #tpu.memory_space<vmem>>
    %dma_start3A_215 = tpu.memref_squeeze %dma_start3A_214 : memref<1x80xi32, #tpu.memory_space<vmem>> -> memref<80xi32, #tpu.memory_space<vmem>>
    %dma_start3A_216 = arith.constant 0 : i32
    %dma_start3A_217 = arith.constant 0 : i32
    %dma_start3A_218 = tpu.memref_slice %arg11[%dma_start3A_216, %dma_start3A_217] : memref<10000x64xf32, #tpu.memory_space<vmem_shared>> -> memref<10000x64xf32, #tpu.memory_space<vmem_shared>>
    tpu.enqueue_indirect_dma source(%dma_start3A_212 : memref<80x64xf32, #tpu.memory_space<vmem>>) target(%dma_start3A_218 : memref<10000x64xf32, #tpu.memory_space<vmem_shared>>) offsets(%dma_start3A_215 : memref<80xi32, #tpu.memory_space<vmem>>) semaphore(%arg15 : memref<!tpu.dma_semaphore, #tpu.memory_space<semaphore_mem>>) {add = true}
    %get3A_219 = arith.constant 2 : i32
    %get3A_220 = arith.constant 0 : i32
    %get3A_221 = tpu.memref_slice %arg7[%get3A_219, %get3A_220] : memref<250x80xi32, #tpu.memory_space<vmem>> -> memref<1x80xi32, #tpu.memory_space<vmem>>
    %get3A_222 = tpu.memref_squeeze %get3A_221 : memref<1x80xi32, #tpu.memory_space<vmem>> -> memref<80xi32, #tpu.memory_space<vmem>>
    %get3A_223 = arith.constant 0 : index
    %get3A_224 = tpu.vector_load %get3A_222[%get3A_223] {strides = array<i32>} : memref<80xi32, #tpu.memory_space<vmem>>, vector<16xi32>,
    %add3A_225 = arith.addi %get3A_224, %get3A_224 : vector<16xi32>
    %add3A_226 = arith.addi %add3A_225, %broadcast_in_dim3A_29 : vector<16xi32>
    %swap3A_227 = arith.constant 2 : i32
    %swap3A_228 = arith.constant 0 : i32
    %swap3A_229 = tpu.memref_slice %arg7[%swap3A_227, %swap3A_228] : memref<250x80xi32, #tpu.memory_space<vmem>> -> memref<1x80xi32, #tpu.memory_space<vmem>>
    %swap3A_230 = tpu.memref_squeeze %swap3A_229 : memref<1x80xi32, #tpu.memory_space<vmem>> -> memref<80xi32, #tpu.memory_space<vmem>>
    %swap3A_231 = arith.constant 0 : index
    %swap3A_232 = tpu.vector_load %swap3A_230[%swap3A_231] {strides = array<i32>} : memref<80xi32, #tpu.memory_space<vmem>>, vector<16xi32>,
    tpu.vector_store %swap3A_230[%swap3A_231], %add3A_226 {strides = array<i32>} : memref<80xi32, #tpu.memory_space<vmem>>, vector<16xi32>,
    %get3A_233 = arith.constant 2 : i32
    %get3A_234 = arith.constant 0 : i32
    %get3A_235 = tpu.memref_slice %arg7[%get3A_233, %get3A_234] : memref<250x80xi32, #tpu.memory_space<vmem>> -> memref<1x80xi32, #tpu.memory_space<vmem>>
    %get3A_236 = tpu.memref_squeeze %get3A_235 : memref<1x80xi32, #tpu.memory_space<vmem>> -> memref<80xi32, #tpu.memory_space<vmem>>
    %get3A_237 = arith.constant 16 : index
    %get3A_238 = tpu.vector_load %get3A_236[%get3A_237] {strides = array<i32>} : memref<80xi32, #tpu.memory_space<vmem>>, vector<16xi32>,
    %add3A_239 = arith.addi %get3A_238, %get3A_238 : vector<16xi32>
    %add3A_240 = arith.addi %add3A_239, %broadcast_in_dim3A_29 : vector<16xi32>
    %swap3A_241 = arith.constant 2 : i32
    %swap3A_242 = arith.constant 0 : i32
    %swap3A_243 = tpu.memref_slice %arg7[%swap3A_241, %swap3A_242] : memref<250x80xi32, #tpu.memory_space<vmem>> -> memref<1x80xi32, #tpu.memory_space<vmem>>
    %swap3A_244 = tpu.memref_squeeze %swap3A_243 : memref<1x80xi32, #tpu.memory_space<vmem>> -> memref<80xi32, #tpu.memory_space<vmem>>
    %swap3A_245 = arith.constant 16 : index
    %swap3A_246 = tpu.vector_load %swap3A_244[%swap3A_245] {strides = array<i32>} : memref<80xi32, #tpu.memory_space<vmem>>, vector<16xi32>,
    tpu.vector_store %swap3A_244[%swap3A_245], %add3A_240 {strides = array<i32>} : memref<80xi32, #tpu.memory_space<vmem>>, vector<16xi32>,
    %get3A_247 = arith.constant 2 : i32
    %get3A_248 = arith.constant 0 : i32
    %get3A_249 = tpu.memref_slice %arg7[%get3A_247, %get3A_248] : memref<250x80xi32, #tpu.memory_space<vmem>> -> memref<1x80xi32, #tpu.memory_space<vmem>>
    %get3A_250 = tpu.memref_squeeze %get3A_249 : memref<1x80xi32, #tpu.memory_space<vmem>> -> memref<80xi32, #tpu.memory_space<vmem>>
    %get3A_251 = arith.constant 32 : index
    %get3A_252 = tpu.vector_load %get3A_250[%get3A_251] {strides = array<i32>} : memref<80xi32, #tpu.memory_space<vmem>>, vector<16xi32>,
    %add3A_253 = arith.addi %get3A_252, %get3A_252 : vector<16xi32>
    %add3A_254 = arith.addi %add3A_253, %broadcast_in_dim3A_29 : vector<16xi32>
    %swap3A_255 = arith.constant 2 : i32
    %swap3A_256 = arith.constant 0 : i32
    %swap3A_257 = tpu.memref_slice %arg7[%swap3A_255, %swap3A_256] : memref<250x80xi32, #tpu.memory_space<vmem>> -> memref<1x80xi32, #tpu.memory_space<vmem>>
    %swap3A_258 = tpu.memref_squeeze %swap3A_257 : memref<1x80xi32, #tpu.memory_space<vmem>> -> memref<80xi32, #tpu.memory_space<vmem>>
    %swap3A_259 = arith.constant 32 : index
    %swap3A_260 = tpu.vector_load %swap3A_258[%swap3A_259] {strides = array<i32>} : memref<80xi32, #tpu.memory_space<vmem>>, vector<16xi32>,
    tpu.vector_store %swap3A_258[%swap3A_259], %add3A_254 {strides = array<i32>} : memref<80xi32, #tpu.memory_space<vmem>>, vector<16xi32>,
    %get3A_261 = arith.constant 2 : i32
    %get3A_262 = arith.constant 0 : i32
    %get3A_263 = tpu.memref_slice %arg7[%get3A_261, %get3A_262] : memref<250x80xi32, #tpu.memory_space<vmem>> -> memref<1x80xi32, #tpu.memory_space<vmem>>
    %get3A_264 = tpu.memref_squeeze %get3A_263 : memref<1x80xi32, #tpu.memory_space<vmem>> -> memref<80xi32, #tpu.memory_space<vmem>>
    %get3A_265 = arith.constant 48 : index
    %get3A_266 = tpu.vector_load %get3A_264[%get3A_265] {strides = array<i32>} : memref<80xi32, #tpu.memory_space<vmem>>, vector<16xi32>,
    %add3A_267 = arith.addi %get3A_266, %get3A_266 : vector<16xi32>
    %add3A_268 = arith.addi %add3A_267, %broadcast_in_dim3A_29 : vector<16xi32>
    %swap3A_269 = arith.constant 2 : i32
    %swap3A_270 = arith.constant 0 : i32
    %swap3A_271 = tpu.memref_slice %arg7[%swap3A_269, %swap3A_270] : memref<250x80xi32, #tpu.memory_space<vmem>> -> memref<1x80xi32, #tpu.memory_space<vmem>>
    %swap3A_272 = tpu.memref_squeeze %swap3A_271 : memref<1x80xi32, #tpu.memory_space<vmem>> -> memref<80xi32, #tpu.memory_space<vmem>>
    %swap3A_273 = arith.constant 48 : index
    %swap3A_274 = tpu.vector_load %swap3A_272[%swap3A_273] {strides = array<i32>} : memref<80xi32, #tpu.memory_space<vmem>>, vector<16xi32>,
    tpu.vector_store %swap3A_272[%swap3A_273], %add3A_268 {strides = array<i32>} : memref<80xi32, #tpu.memory_space<vmem>>, vector<16xi32>,
    %get3A_275 = arith.constant 2 : i32
    %get3A_276 = arith.constant 0 : i32
    %get3A_277 = tpu.memref_slice %arg7[%get3A_275, %get3A_276] : memref<250x80xi32, #tpu.memory_space<vmem>> -> memref<1x80xi32, #tpu.memory_space<vmem>>
    %get3A_278 = tpu.memref_squeeze %get3A_277 : memref<1x80xi32, #tpu.memory_space<vmem>> -> memref<80xi32, #tpu.memory_space<vmem>>
    %get3A_279 = arith.constant 64 : index
    %get3A_280 = tpu.vector_load %get3A_278[%get3A_279] {strides = array<i32>} : memref<80xi32, #tpu.memory_space<vmem>>, vector<16xi32>,
    %add3A_281 = arith.addi %get3A_280, %get3A_280 : vector<16xi32>
    %add3A_282 = arith.addi %add3A_281, %broadcast_in_dim3A_29 : vector<16xi32>
    %swap3A_283 = arith.constant 2 : i32
    %swap3A_284 = arith.constant 0 : i32
    %swap3A_285 = tpu.memref_slice %arg7[%swap3A_283, %swap3A_284] : memref<250x80xi32, #tpu.memory_space<vmem>> -> memref<1x80xi32, #tpu.memory_space<vmem>>
    %swap3A_286 = tpu.memref_squeeze %swap3A_285 : memref<1x80xi32, #tpu.memory_space<vmem>> -> memref<80xi32, #tpu.memory_space<vmem>>
    %swap3A_287 = arith.constant 64 : index
    %swap3A_288 = tpu.vector_load %swap3A_286[%swap3A_287] {strides = array<i32>} : memref<80xi32, #tpu.memory_space<vmem>>, vector<16xi32>,
    tpu.vector_store %swap3A_286[%swap3A_287], %add3A_282 {strides = array<i32>} : memref<80xi32, #tpu.memory_space<vmem>>, vector<16xi32>,
    %dma_start3A_289 = arith.constant 2 : i32
    %dma_start3A_290 = arith.constant 2 : i32
    %dma_start3A_291 = arith.constant 0 : i32
    %dma_start3A_292 = arith.constant 0 : i32
    %dma_start3A_293 = tpu.memref_slice %arg10[%dma_start3A_290, %dma_start3A_291, %dma_start3A_292] : memref<3x80x64xf32, #tpu.memory_space<vmem>> -> memref<1x80x64xf32, #tpu.memory_space<vmem>>
    %dma_start3A_294 = tpu.memref_squeeze %dma_start3A_293 : memref<1x80x64xf32, #tpu.memory_space<vmem>> -> memref<80x64xf32, #tpu.memory_space<vmem>>
    %dma_start3A_295 = arith.constant 0 : i32
    %dma_start3A_296 = tpu.memref_slice %arg7[%dma_start3A_289, %dma_start3A_295] : memref<250x80xi32, #tpu.memory_space<vmem>> -> memref<1x80xi32, #tpu.memory_space<vmem>>
    %dma_start3A_297 = tpu.memref_squeeze %dma_start3A_296 : memref<1x80xi32, #tpu.memory_space<vmem>> -> memref<80xi32, #tpu.memory_space<vmem>>
    %dma_start3A_298 = arith.constant 0 : i32
    %dma_start3A_299 = arith.constant 0 : i32
    %dma_start3A_300 = tpu.memref_slice %arg2[%dma_start3A_298, %dma_start3A_299] : memref<20000x64xf32, #tpu.memory_space<hbm>> -> memref<20000x64xf32, #tpu.memory_space<hbm>>
    tpu.enqueue_indirect_dma source(%dma_start3A_300 : memref<20000x64xf32, #tpu.memory_space<hbm>>) target(%dma_start3A_294 : memref<80x64xf32, #tpu.memory_space<vmem>>) offsets(%dma_start3A_297 : memref<80xi32, #tpu.memory_space<vmem>>) semaphore(%arg14 : memref<!tpu.dma_semaphore, #tpu.memory_space<semaphore_mem>>)
    %scan3A_301 = arith.constant 0 : i32
    %scan3A_302 = arith.constant 82 : i32
    %scan3A_303 = arith.addi %scan3A_301, %scan3A_302 : i32
    %scan3A_304 = arith.constant 1 : i32
    scf.for %scan3A_529 = %scan3A_301 to %scan3A_303 step %scan3A_304  : i32 {
      %mul3A_530 = arith.constant 3 : i32
      %mul3A_531 = arith.muli %mul3A_530, %scan3A_529 : i32
      %add3A_532 = arith.constant 1 : i32
      %add3A_533 = arith.addi %add3A_532, %mul3A_531 : i32
      %dma_wait3A_534 = arith.constant 1 : i32
      %dma_wait3A_535 = arith.constant 0 : i32
      %dma_wait3A_536 = arith.constant 0 : i32
      %dma_wait3A_537 = tpu.memref_slice %arg10[%dma_wait3A_534, %dma_wait3A_535, %dma_wait3A_536] : memref<3x80x64xf32, #tpu.memory_space<vmem>> -> memref<1x80x64xf32, #tpu.memory_space<vmem>>
      %dma_wait3A_538 = tpu.memref_squeeze %dma_wait3A_537 : memref<1x80x64xf32, #tpu.memory_space<vmem>> -> memref<80x64xf32, #tpu.memory_space<vmem>>
      %dma_wait3A_539 = arith.constant 0 : i32
      %dma_wait3A_540 = tpu.memref_slice %arg7[%add3A_533, %dma_wait3A_539] : memref<250x80xi32, #tpu.memory_space<vmem>> -> memref<1x80xi32, #tpu.memory_space<vmem>>
      %dma_wait3A_541 = tpu.memref_squeeze %dma_wait3A_540 : memref<1x80xi32, #tpu.memory_space<vmem>> -> memref<80xi32, #tpu.memory_space<vmem>>
      %dma_wait3A_542 = arith.constant 0 : i32
      %dma_wait3A_543 = arith.constant 0 : i32
      %dma_wait3A_544 = tpu.memref_slice %arg2[%dma_wait3A_542, %dma_wait3A_543] : memref<20000x64xf32, #tpu.memory_space<hbm>> -> memref<20000x64xf32, #tpu.memory_space<hbm>>
      tpu.wait_indirect_dma semaphore(%arg13 : memref<!tpu.dma_semaphore, #tpu.memory_space<semaphore_mem>>) src(%dma_wait3A_544 : memref<20000x64xf32, #tpu.memory_space<hbm>>) dst(%dma_wait3A_538 : memref<80x64xf32, #tpu.memory_space<vmem>>)
      %mul3A_545 = arith.constant 80 : i32
      %mul3A_546 = arith.muli %add3A_533, %mul3A_545 : i32
      %broadcast_in_dim3A_547 = vector.broadcast %mul3A_546 : i32 to vector<16xi32>
      %parallel_loop3A_548 = arith.constant 0 : i32
      %parallel_loop3A_549 = arith.constant 80 : i32
      %parallel_loop3A_550 = arith.constant 1 : i32
      %parallel_loop3A_551 = arith.constant 1 : i32
      scf.for %parallel_loop3A_882 = %parallel_loop3A_548 to %parallel_loop3A_549 step %parallel_loop3A_550  : i32 {
        %parallel_loop3A_883 = vector.broadcast %parallel_loop3A_882 : i32 to vector<16xi32>
        %parallel_loop3A_884 = arith.addi %broadcast_in_dim3A_547, %parallel_loop3A_883 : vector<16xi32>
        %parallel_loop3A_885 = tpu.vector_load_idx %arg9[%parallel_loop3A_884] : memref<20000xf32, #tpu.memory_space<vmem>>[vector<16xi32>], vector<16xf32>,
        %parallel_loop3A_886 = arith.constant 0 : i32
        %parallel_loop3A_887 = arith.constant 0 : i32
        %parallel_loop3A_888 = tpu.memref_slice %arg10[%parallel_loop3A_551, %parallel_loop3A_886, %parallel_loop3A_887] : memref<3x80x64xf32, #tpu.memory_space<vmem>> -> memref<1x80x64xf32, #tpu.memory_space<vmem>>
        %parallel_loop3A_889 = tpu.memref_squeeze %parallel_loop3A_888 : memref<1x80x64xf32, #tpu.memory_space<vmem>> -> memref<80x64xf32, #tpu.memory_space<vmem>>
        %parallel_loop3A_890 = arith.constant 0 : i32
        %parallel_loop3A_891 = tpu.memref_slice %parallel_loop3A_889[%parallel_loop3A_882, %parallel_loop3A_890] : memref<80x64xf32, #tpu.memory_space<vmem>> -> memref<1x64xf32, #tpu.memory_space<vmem>>
        %parallel_loop3A_892 = tpu.memref_squeeze %parallel_loop3A_891 : memref<1x64xf32, #tpu.memory_space<vmem>> -> memref<64xf32, #tpu.memory_space<vmem>>
        %parallel_loop3A_893 = arith.constant 0 : index
        %parallel_loop3A_894 = tpu.vector_load %parallel_loop3A_892[%parallel_loop3A_893] {strides = array<i32>} : memref<64xf32, #tpu.memory_space<vmem>>, vector<16xf32>,
        %parallel_loop3A_895 = arith.mulf %parallel_loop3A_894, %parallel_loop3A_885 : vector<16xf32>
        %parallel_loop3A_896 = arith.constant 0 : i32
        %parallel_loop3A_897 = arith.constant 0 : i32
        %parallel_loop3A_898 = tpu.memref_slice %arg10[%parallel_loop3A_551, %parallel_loop3A_896, %parallel_loop3A_897] : memref<3x80x64xf32, #tpu.memory_space<vmem>> -> memref<1x80x64xf32, #tpu.memory_space<vmem>>
        %parallel_loop3A_899 = tpu.memref_squeeze %parallel_loop3A_898 : memref<1x80x64xf32, #tpu.memory_space<vmem>> -> memref<80x64xf32, #tpu.memory_space<vmem>>
        %parallel_loop3A_900 = arith.constant 0 : i32
        %parallel_loop3A_901 = tpu.memref_slice %parallel_loop3A_899[%parallel_loop3A_882, %parallel_loop3A_900] : memref<80x64xf32, #tpu.memory_space<vmem>> -> memref<1x64xf32, #tpu.memory_space<vmem>>
        %parallel_loop3A_902 = tpu.memref_squeeze %parallel_loop3A_901 : memref<1x64xf32, #tpu.memory_space<vmem>> -> memref<64xf32, #tpu.memory_space<vmem>>
        %parallel_loop3A_903 = arith.constant 0 : index
        %parallel_loop3A_904 = tpu.vector_load %parallel_loop3A_902[%parallel_loop3A_903] {strides = array<i32>} : memref<64xf32, #tpu.memory_space<vmem>>, vector<16xf32>,
        tpu.vector_store %parallel_loop3A_902[%parallel_loop3A_903], %parallel_loop3A_895 {strides = array<i32>} : memref<64xf32, #tpu.memory_space<vmem>>, vector<16xf32>,
        %parallel_loop3A_905 = arith.constant 0 : i32
        %parallel_loop3A_906 = arith.constant 0 : i32
        %parallel_loop3A_907 = tpu.memref_slice %arg10[%parallel_loop3A_551, %parallel_loop3A_905, %parallel_loop3A_906] : memref<3x80x64xf32, #tpu.memory_space<vmem>> -> memref<1x80x64xf32, #tpu.memory_space<vmem>>
        %parallel_loop3A_908 = tpu.memref_squeeze %parallel_loop3A_907 : memref<1x80x64xf32, #tpu.memory_space<vmem>> -> memref<80x64xf32, #tpu.memory_space<vmem>>
        %parallel_loop3A_909 = arith.constant 0 : i32
        %parallel_loop3A_910 = tpu.memref_slice %parallel_loop3A_908[%parallel_loop3A_882, %parallel_loop3A_909] : memref<80x64xf32, #tpu.memory_space<vmem>> -> memref<1x64xf32, #tpu.memory_space<vmem>>
        %parallel_loop3A_911 = tpu.memref_squeeze %parallel_loop3A_910 : memref<1x64xf32, #tpu.memory_space<vmem>> -> memref<64xf32, #tpu.memory_space<vmem>>
        %parallel_loop3A_912 = arith.constant 16 : index
        %parallel_loop3A_913 = tpu.vector_load %parallel_loop3A_911[%parallel_loop3A_912] {strides = array<i32>} : memref<64xf32, #tpu.memory_space<vmem>>, vector<16xf32>,
        %parallel_loop3A_914 = arith.mulf %parallel_loop3A_913, %parallel_loop3A_885 : vector<16xf32>
        %parallel_loop3A_915 = arith.constant 0 : i32
        %parallel_loop3A_916 = arith.constant 0 : i32
        %parallel_loop3A_917 = tpu.memref_slice %arg10[%parallel_loop3A_551, %parallel_loop3A_915, %parallel_loop3A_916] : memref<3x80x64xf32, #tpu.memory_space<vmem>> -> memref<1x80x64xf32, #tpu.memory_space<vmem>>
        %parallel_loop3A_918 = tpu.memref_squeeze %parallel_loop3A_917 : memref<1x80x64xf32, #tpu.memory_space<vmem>> -> memref<80x64xf32, #tpu.memory_space<vmem>>
        %parallel_loop3A_919 = arith.constant 0 : i32
        %parallel_loop3A_920 = tpu.memref_slice %parallel_loop3A_918[%parallel_loop3A_882, %parallel_loop3A_919] : memref<80x64xf32, #tpu.memory_space<vmem>> -> memref<1x64xf32, #tpu.memory_space<vmem>>
        %parallel_loop3A_921 = tpu.memref_squeeze %parallel_loop3A_920 : memref<1x64xf32, #tpu.memory_space<vmem>> -> memref<64xf32, #tpu.memory_space<vmem>>
        %parallel_loop3A_922 = arith.constant 16 : index
        %parallel_loop3A_923 = tpu.vector_load %parallel_loop3A_921[%parallel_loop3A_922] {strides = array<i32>} : memref<64xf32, #tpu.memory_space<vmem>>, vector<16xf32>,
        tpu.vector_store %parallel_loop3A_921[%parallel_loop3A_922], %parallel_loop3A_914 {strides = array<i32>} : memref<64xf32, #tpu.memory_space<vmem>>, vector<16xf32>,
        %parallel_loop3A_924 = arith.constant 0 : i32
        %parallel_loop3A_925 = arith.constant 0 : i32
        %parallel_loop3A_926 = tpu.memref_slice %arg10[%parallel_loop3A_551, %parallel_loop3A_924, %parallel_loop3A_925] : memref<3x80x64xf32, #tpu.memory_space<vmem>> -> memref<1x80x64xf32, #tpu.memory_space<vmem>>
        %parallel_loop3A_927 = tpu.memref_squeeze %parallel_loop3A_926 : memref<1x80x64xf32, #tpu.memory_space<vmem>> -> memref<80x64xf32, #tpu.memory_space<vmem>>
        %parallel_loop3A_928 = arith.constant 0 : i32
        %parallel_loop3A_929 = tpu.memref_slice %parallel_loop3A_927[%parallel_loop3A_882, %parallel_loop3A_928] : memref<80x64xf32, #tpu.memory_space<vmem>> -> memref<1x64xf32, #tpu.memory_space<vmem>>
        %parallel_loop3A_930 = tpu.memref_squeeze %parallel_loop3A_929 : memref<1x64xf32, #tpu.memory_space<vmem>> -> memref<64xf32, #tpu.memory_space<vmem>>
        %parallel_loop3A_931 = arith.constant 32 : index
        %parallel_loop3A_932 = tpu.vector_load %parallel_loop3A_930[%parallel_loop3A_931] {strides = array<i32>} : memref<64xf32, #tpu.memory_space<vmem>>, vector<16xf32>,
        %parallel_loop3A_933 = arith.mulf %parallel_loop3A_932, %parallel_loop3A_885 : vector<16xf32>
        %parallel_loop3A_934 = arith.constant 0 : i32
        %parallel_loop3A_935 = arith.constant 0 : i32
        %parallel_loop3A_936 = tpu.memref_slice %arg10[%parallel_loop3A_551, %parallel_loop3A_934, %parallel_loop3A_935] : memref<3x80x64xf32, #tpu.memory_space<vmem>> -> memref<1x80x64xf32, #tpu.memory_space<vmem>>
        %parallel_loop3A_937 = tpu.memref_squeeze %parallel_loop3A_936 : memref<1x80x64xf32, #tpu.memory_space<vmem>> -> memref<80x64xf32, #tpu.memory_space<vmem>>
        %parallel_loop3A_938 = arith.constant 0 : i32
        %parallel_loop3A_939 = tpu.memref_slice %parallel_loop3A_937[%parallel_loop3A_882, %parallel_loop3A_938] : memref<80x64xf32, #tpu.memory_space<vmem>> -> memref<1x64xf32, #tpu.memory_space<vmem>>
        %parallel_loop3A_940 = tpu.memref_squeeze %parallel_loop3A_939 : memref<1x64xf32, #tpu.memory_space<vmem>> -> memref<64xf32, #tpu.memory_space<vmem>>
        %parallel_loop3A_941 = arith.constant 32 : index
        %parallel_loop3A_942 = tpu.vector_load %parallel_loop3A_940[%parallel_loop3A_941] {strides = array<i32>} : memref<64xf32, #tpu.memory_space<vmem>>, vector<16xf32>,
        tpu.vector_store %parallel_loop3A_940[%parallel_loop3A_941], %parallel_loop3A_933 {strides = array<i32>} : memref<64xf32, #tpu.memory_space<vmem>>, vector<16xf32>,
        %parallel_loop3A_943 = arith.constant 0 : i32
        %parallel_loop3A_944 = arith.constant 0 : i32
        %parallel_loop3A_945 = tpu.memref_slice %arg10[%parallel_loop3A_551, %parallel_loop3A_943, %parallel_loop3A_944] : memref<3x80x64xf32, #tpu.memory_space<vmem>> -> memref<1x80x64xf32, #tpu.memory_space<vmem>>
        %parallel_loop3A_946 = tpu.memref_squeeze %parallel_loop3A_945 : memref<1x80x64xf32, #tpu.memory_space<vmem>> -> memref<80x64xf32, #tpu.memory_space<vmem>>
        %parallel_loop3A_947 = arith.constant 0 : i32
        %parallel_loop3A_948 = tpu.memref_slice %parallel_loop3A_946[%parallel_loop3A_882, %parallel_loop3A_947] : memref<80x64xf32, #tpu.memory_space<vmem>> -> memref<1x64xf32, #tpu.memory_space<vmem>>
        %parallel_loop3A_949 = tpu.memref_squeeze %parallel_loop3A_948 : memref<1x64xf32, #tpu.memory_space<vmem>> -> memref<64xf32, #tpu.memory_space<vmem>>
        %parallel_loop3A_950 = arith.constant 48 : index
        %parallel_loop3A_951 = tpu.vector_load %parallel_loop3A_949[%parallel_loop3A_950] {strides = array<i32>} : memref<64xf32, #tpu.memory_space<vmem>>, vector<16xf32>,
        %parallel_loop3A_952 = arith.mulf %parallel_loop3A_951, %parallel_loop3A_885 : vector<16xf32>
        %parallel_loop3A_953 = arith.constant 0 : i32
        %parallel_loop3A_954 = arith.constant 0 : i32
        %parallel_loop3A_955 = tpu.memref_slice %arg10[%parallel_loop3A_551, %parallel_loop3A_953, %parallel_loop3A_954] : memref<3x80x64xf32, #tpu.memory_space<vmem>> -> memref<1x80x64xf32, #tpu.memory_space<vmem>>
        %parallel_loop3A_956 = tpu.memref_squeeze %parallel_loop3A_955 : memref<1x80x64xf32, #tpu.memory_space<vmem>> -> memref<80x64xf32, #tpu.memory_space<vmem>>
        %parallel_loop3A_957 = arith.constant 0 : i32
        %parallel_loop3A_958 = tpu.memref_slice %parallel_loop3A_956[%parallel_loop3A_882, %parallel_loop3A_957] : memref<80x64xf32, #tpu.memory_space<vmem>> -> memref<1x64xf32, #tpu.memory_space<vmem>>
        %parallel_loop3A_959 = tpu.memref_squeeze %parallel_loop3A_958 : memref<1x64xf32, #tpu.memory_space<vmem>> -> memref<64xf32, #tpu.memory_space<vmem>>
        %parallel_loop3A_960 = arith.constant 48 : index
        %parallel_loop3A_961 = tpu.vector_load %parallel_loop3A_959[%parallel_loop3A_960] {strides = array<i32>} : memref<64xf32, #tpu.memory_space<vmem>>, vector<16xf32>,
        tpu.vector_store %parallel_loop3A_959[%parallel_loop3A_960], %parallel_loop3A_952 {strides = array<i32>} : memref<64xf32, #tpu.memory_space<vmem>>, vector<16xf32>,
      } {sc.loop_unroll_factor = 4 : i64, sc.parallel_access}
      %dma_start3A_552 = arith.constant 1 : i32
      %dma_start3A_553 = arith.constant 0 : i32
      %dma_start3A_554 = arith.constant 0 : i32
      %dma_start3A_555 = tpu.memref_slice %arg10[%dma_start3A_552, %dma_start3A_553, %dma_start3A_554] : memref<3x80x64xf32, #tpu.memory_space<vmem>> -> memref<1x80x64xf32, #tpu.memory_space<vmem>>
      %dma_start3A_556 = tpu.memref_squeeze %dma_start3A_555 : memref<1x80x64xf32, #tpu.memory_space<vmem>> -> memref<80x64xf32, #tpu.memory_space<vmem>>
      %dma_start3A_557 = arith.constant 0 : i32
      %dma_start3A_558 = tpu.memref_slice %arg8[%add3A_533, %dma_start3A_557] : memref<250x80xi32, #tpu.memory_space<vmem>> -> memref<1x80xi32, #tpu.memory_space<vmem>>
      %dma_start3A_559 = tpu.memref_squeeze %dma_start3A_558 : memref<1x80xi32, #tpu.memory_space<vmem>> -> memref<80xi32, #tpu.memory_space<vmem>>
      %dma_start3A_560 = arith.constant 0 : i32
      %dma_start3A_561 = arith.constant 0 : i32
      %dma_start3A_562 = tpu.memref_slice %arg11[%dma_start3A_560, %dma_start3A_561] : memref<10000x64xf32, #tpu.memory_space<vmem_shared>> -> memref<10000x64xf32, #tpu.memory_space<vmem_shared>>
      tpu.enqueue_indirect_dma source(%dma_start3A_556 : memref<80x64xf32, #tpu.memory_space<vmem>>) target(%dma_start3A_562 : memref<10000x64xf32, #tpu.memory_space<vmem_shared>>) offsets(%dma_start3A_559 : memref<80xi32, #tpu.memory_space<vmem>>) semaphore(%arg16 : memref<!tpu.dma_semaphore, #tpu.memory_space<semaphore_mem>>) {add = true}
      %sub3A = arith.constant 1 : i32
      %sub3A_563 = arith.subi %add3A_533, %sub3A : i32
      %dma_wait3A_564 = arith.constant 0 : i32
      %dma_wait3A_565 = arith.constant 0 : i32
      %dma_wait3A_566 = arith.constant 0 : i32
      %dma_wait3A_567 = tpu.memref_slice %arg10[%dma_wait3A_564, %dma_wait3A_565, %dma_wait3A_566] : memref<3x80x64xf32, #tpu.memory_space<vmem>> -> memref<1x80x64xf32, #tpu.memory_space<vmem>>
      %dma_wait3A_568 = tpu.memref_squeeze %dma_wait3A_567 : memref<1x80x64xf32, #tpu.memory_space<vmem>> -> memref<80x64xf32, #tpu.memory_space<vmem>>
      %dma_wait3A_569 = arith.constant 0 : i32
      %dma_wait3A_570 = tpu.memref_slice %arg8[%sub3A_563, %dma_wait3A_569] : memref<250x80xi32, #tpu.memory_space<vmem>> -> memref<1x80xi32, #tpu.memory_space<vmem>>
      %dma_wait3A_571 = tpu.memref_squeeze %dma_wait3A_570 : memref<1x80xi32, #tpu.memory_space<vmem>> -> memref<80xi32, #tpu.memory_space<vmem>>
      %dma_wait3A_572 = arith.constant 0 : i32
      %dma_wait3A_573 = arith.constant 0 : i32
      %dma_wait3A_574 = tpu.memref_slice %arg11[%dma_wait3A_572, %dma_wait3A_573] : memref<10000x64xf32, #tpu.memory_space<vmem_shared>> -> memref<10000x64xf32, #tpu.memory_space<vmem_shared>>
      tpu.wait_indirect_dma semaphore(%arg15 : memref<!tpu.dma_semaphore, #tpu.memory_space<semaphore_mem>>) src(%dma_wait3A_568 : memref<80x64xf32, #tpu.memory_space<vmem>>) dst(%dma_wait3A_574 : memref<10000x64xf32, #tpu.memory_space<vmem_shared>>)
      %add3A_575 = arith.constant 2 : i32
      %add3A_576 = arith.addi %add3A_533, %add3A_575 : i32
      %get3A_577 = arith.constant 0 : i32
      %get3A_578 = tpu.memref_slice %arg7[%add3A_576, %get3A_577] : memref<250x80xi32, #tpu.memory_space<vmem>> -> memref<1x80xi32, #tpu.memory_space<vmem>>
      %get3A_579 = tpu.memref_squeeze %get3A_578 : memref<1x80xi32, #tpu.memory_space<vmem>> -> memref<80xi32, #tpu.memory_space<vmem>>
      %get3A_580 = arith.constant 0 : index
      %get3A_581 = tpu.vector_load %get3A_579[%get3A_580] {strides = array<i32>} : memref<80xi32, #tpu.memory_space<vmem>>, vector<16xi32>,
      %add3A_582 = arith.addi %get3A_581, %get3A_581 : vector<16xi32>
      %add3A_583 = arith.addi %add3A_582, %broadcast_in_dim3A_29 : vector<16xi32>
      %swap3A_584 = arith.constant 0 : i32
      %swap3A_585 = tpu.memref_slice %arg7[%add3A_576, %swap3A_584] : memref<250x80xi32, #tpu.memory_space<vmem>> -> memref<1x80xi32, #tpu.memory_space<vmem>>
      %swap3A_586 = tpu.memref_squeeze %swap3A_585 : memref<1x80xi32, #tpu.memory_space<vmem>> -> memref<80xi32, #tpu.memory_space<vmem>>
      %swap3A_587 = arith.constant 0 : index
      %swap3A_588 = tpu.vector_load %swap3A_586[%swap3A_587] {strides = array<i32>} : memref<80xi32, #tpu.memory_space<vmem>>, vector<16xi32>,
      tpu.vector_store %swap3A_586[%swap3A_587], %add3A_583 {strides = array<i32>} : memref<80xi32, #tpu.memory_space<vmem>>, vector<16xi32>,
      %get3A_589 = arith.constant 0 : i32
      %get3A_590 = tpu.memref_slice %arg7[%add3A_576, %get3A_589] : memref<250x80xi32, #tpu.memory_space<vmem>> -> memref<1x80xi32, #tpu.memory_space<vmem>>
      %get3A_591 = tpu.memref_squeeze %get3A_590 : memref<1x80xi32, #tpu.memory_space<vmem>> -> memref<80xi32, #tpu.memory_space<vmem>>
      %get3A_592 = arith.constant 16 : index
      %get3A_593 = tpu.vector_load %get3A_591[%get3A_592] {strides = array<i32>} : memref<80xi32, #tpu.memory_space<vmem>>, vector<16xi32>,
      %add3A_594 = arith.addi %get3A_593, %get3A_593 : vector<16xi32>
      %add3A_595 = arith.addi %add3A_594, %broadcast_in_dim3A_29 : vector<16xi32>
      %swap3A_596 = arith.constant 0 : i32
      %swap3A_597 = tpu.memref_slice %arg7[%add3A_576, %swap3A_596] : memref<250x80xi32, #tpu.memory_space<vmem>> -> memref<1x80xi32, #tpu.memory_space<vmem>>
      %swap3A_598 = tpu.memref_squeeze %swap3A_597 : memref<1x80xi32, #tpu.memory_space<vmem>> -> memref<80xi32, #tpu.memory_space<vmem>>
      %swap3A_599 = arith.constant 16 : index
      %swap3A_600 = tpu.vector_load %swap3A_598[%swap3A_599] {strides = array<i32>} : memref<80xi32, #tpu.memory_space<vmem>>, vector<16xi32>,
      tpu.vector_store %swap3A_598[%swap3A_599], %add3A_595 {strides = array<i32>} : memref<80xi32, #tpu.memory_space<vmem>>, vector<16xi32>,
      %get3A_601 = arith.constant 0 : i32
      %get3A_602 = tpu.memref_slice %arg7[%add3A_576, %get3A_601] : memref<250x80xi32, #tpu.memory_space<vmem>> -> memref<1x80xi32, #tpu.memory_space<vmem>>
      %get3A_603 = tpu.memref_squeeze %get3A_602 : memref<1x80xi32, #tpu.memory_space<vmem>> -> memref<80xi32, #tpu.memory_space<vmem>>
      %get3A_604 = arith.constant 32 : index
      %get3A_605 = tpu.vector_load %get3A_603[%get3A_604] {strides = array<i32>} : memref<80xi32, #tpu.memory_space<vmem>>, vector<16xi32>,
      %add3A_606 = arith.addi %get3A_605, %get3A_605 : vector<16xi32>
      %add3A_607 = arith.addi %add3A_606, %broadcast_in_dim3A_29 : vector<16xi32>
      %swap3A_608 = arith.constant 0 : i32
      %swap3A_609 = tpu.memref_slice %arg7[%add3A_576, %swap3A_608] : memref<250x80xi32, #tpu.memory_space<vmem>> -> memref<1x80xi32, #tpu.memory_space<vmem>>
      %swap3A_610 = tpu.memref_squeeze %swap3A_609 : memref<1x80xi32, #tpu.memory_space<vmem>> -> memref<80xi32, #tpu.memory_space<vmem>>
      %swap3A_611 = arith.constant 32 : index
      %swap3A_612 = tpu.vector_load %swap3A_610[%swap3A_611] {strides = array<i32>} : memref<80xi32, #tpu.memory_space<vmem>>, vector<16xi32>,
      tpu.vector_store %swap3A_610[%swap3A_611], %add3A_607 {strides = array<i32>} : memref<80xi32, #tpu.memory_space<vmem>>, vector<16xi32>,
      %get3A_613 = arith.constant 0 : i32
      %get3A_614 = tpu.memref_slice %arg7[%add3A_576, %get3A_613] : memref<250x80xi32, #tpu.memory_space<vmem>> -> memref<1x80xi32, #tpu.memory_space<vmem>>
      %get3A_615 = tpu.memref_squeeze %get3A_614 : memref<1x80xi32, #tpu.memory_space<vmem>> -> memref<80xi32, #tpu.memory_space<vmem>>
      %get3A_616 = arith.constant 48 : index
      %get3A_617 = tpu.vector_load %get3A_615[%get3A_616] {strides = array<i32>} : memref<80xi32, #tpu.memory_space<vmem>>, vector<16xi32>,
      %add3A_618 = arith.addi %get3A_617, %get3A_617 : vector<16xi32>
      %add3A_619 = arith.addi %add3A_618, %broadcast_in_dim3A_29 : vector<16xi32>
      %swap3A_620 = arith.constant 0 : i32
      %swap3A_621 = tpu.memref_slice %arg7[%add3A_576, %swap3A_620] : memref<250x80xi32, #tpu.memory_space<vmem>> -> memref<1x80xi32, #tpu.memory_space<vmem>>
      %swap3A_622 = tpu.memref_squeeze %swap3A_621 : memref<1x80xi32, #tpu.memory_space<vmem>> -> memref<80xi32, #tpu.memory_space<vmem>>
      %swap3A_623 = arith.constant 48 : index
      %swap3A_624 = tpu.vector_load %swap3A_622[%swap3A_623] {strides = array<i32>} : memref<80xi32, #tpu.memory_space<vmem>>, vector<16xi32>,
      tpu.vector_store %swap3A_622[%swap3A_623], %add3A_619 {strides = array<i32>} : memref<80xi32, #tpu.memory_space<vmem>>, vector<16xi32>,
      %get3A_625 = arith.constant 0 : i32
      %get3A_626 = tpu.memref_slice %arg7[%add3A_576, %get3A_625] : memref<250x80xi32, #tpu.memory_space<vmem>> -> memref<1x80xi32, #tpu.memory_space<vmem>>
      %get3A_627 = tpu.memref_squeeze %get3A_626 : memref<1x80xi32, #tpu.memory_space<vmem>> -> memref<80xi32, #tpu.memory_space<vmem>>
      %get3A_628 = arith.constant 64 : index
      %get3A_629 = tpu.vector_load %get3A_627[%get3A_628] {strides = array<i32>} : memref<80xi32, #tpu.memory_space<vmem>>, vector<16xi32>,
      %add3A_630 = arith.addi %get3A_629, %get3A_629 : vector<16xi32>
      %add3A_631 = arith.addi %add3A_630, %broadcast_in_dim3A_29 : vector<16xi32>
      %swap3A_632 = arith.constant 0 : i32
      %swap3A_633 = tpu.memref_slice %arg7[%add3A_576, %swap3A_632] : memref<250x80xi32, #tpu.memory_space<vmem>> -> memref<1x80xi32, #tpu.memory_space<vmem>>
      %swap3A_634 = tpu.memref_squeeze %swap3A_633 : memref<1x80xi32, #tpu.memory_space<vmem>> -> memref<80xi32, #tpu.memory_space<vmem>>
      %swap3A_635 = arith.constant 64 : index
      %swap3A_636 = tpu.vector_load %swap3A_634[%swap3A_635] {strides = array<i32>} : memref<80xi32, #tpu.memory_space<vmem>>, vector<16xi32>,
      tpu.vector_store %swap3A_634[%swap3A_635], %add3A_631 {strides = array<i32>} : memref<80xi32, #tpu.memory_space<vmem>>, vector<16xi32>,
      %dma_start3A_637 = arith.constant 0 : i32
      %dma_start3A_638 = arith.constant 0 : i32
      %dma_start3A_639 = arith.constant 0 : i32
      %dma_start3A_640 = tpu.memref_slice %arg10[%dma_start3A_637, %dma_start3A_638, %dma_start3A_639] : memref<3x80x64xf32, #tpu.memory_space<vmem>> -> memref<1x80x64xf32, #tpu.memory_space<vmem>>
      %dma_start3A_641 = tpu.memref_squeeze %dma_start3A_640 : memref<1x80x64xf32, #tpu.memory_space<vmem>> -> memref<80x64xf32, #tpu.memory_space<vmem>>
      %dma_start3A_642 = arith.constant 0 : i32
      %dma_start3A_643 = tpu.memref_slice %arg7[%add3A_576, %dma_start3A_642] : memref<250x80xi32, #tpu.memory_space<vmem>> -> memref<1x80xi32, #tpu.memory_space<vmem>>
      %dma_start3A_644 = tpu.memref_squeeze %dma_start3A_643 : memref<1x80xi32, #tpu.memory_space<vmem>> -> memref<80xi32, #tpu.memory_space<vmem>>
      %dma_start3A_645 = arith.constant 0 : i32
      %dma_start3A_646 = arith.constant 0 : i32
      %dma_start3A_647 = tpu.memref_slice %arg2[%dma_start3A_645, %dma_start3A_646] : memref<20000x64xf32, #tpu.memory_space<hbm>> -> memref<20000x64xf32, #tpu.memory_space<hbm>>
      tpu.enqueue_indirect_dma source(%dma_start3A_647 : memref<20000x64xf32, #tpu.memory_space<hbm>>) target(%dma_start3A_641 : memref<80x64xf32, #tpu.memory_space<vmem>>) offsets(%dma_start3A_644 : memref<80xi32, #tpu.memory_space<vmem>>) semaphore(%arg12 : memref<!tpu.dma_semaphore, #tpu.memory_space<semaphore_mem>>)
      %add3A_648 = arith.constant 1 : i32
      %add3A_649 = arith.addi %add3A_533, %add3A_648 : i32
      %dma_wait3A_650 = arith.constant 2 : i32
      %dma_wait3A_651 = arith.constant 0 : i32
      %dma_wait3A_652 = arith.constant 0 : i32
      %dma_wait3A_653 = tpu.memref_slice %arg10[%dma_wait3A_650, %dma_wait3A_651, %dma_wait3A_652] : memref<3x80x64xf32, #tpu.memory_space<vmem>> -> memref<1x80x64xf32, #tpu.memory_space<vmem>>
      %dma_wait3A_654 = tpu.memref_squeeze %dma_wait3A_653 : memref<1x80x64xf32, #tpu.memory_space<vmem>> -> memref<80x64xf32, #tpu.memory_space<vmem>>
      %dma_wait3A_655 = arith.constant 0 : i32
      %dma_wait3A_656 = tpu.memref_slice %arg7[%add3A_649, %dma_wait3A_655] : memref<250x80xi32, #tpu.memory_space<vmem>> -> memref<1x80xi32, #tpu.memory_space<vmem>>
      %dma_wait3A_657 = tpu.memref_squeeze %dma_wait3A_656 : memref<1x80xi32, #tpu.memory_space<vmem>> -> memref<80xi32, #tpu.memory_space<vmem>>
      %dma_wait3A_658 = arith.constant 0 : i32
      %dma_wait3A_659 = arith.constant 0 : i32
      %dma_wait3A_660 = tpu.memref_slice %arg2[%dma_wait3A_658, %dma_wait3A_659] : memref<20000x64xf32, #tpu.memory_space<hbm>> -> memref<20000x64xf32, #tpu.memory_space<hbm>>
      tpu.wait_indirect_dma semaphore(%arg14 : memref<!tpu.dma_semaphore, #tpu.memory_space<semaphore_mem>>) src(%dma_wait3A_660 : memref<20000x64xf32, #tpu.memory_space<hbm>>) dst(%dma_wait3A_654 : memref<80x64xf32, #tpu.memory_space<vmem>>)
      %mul3A_661 = arith.constant 80 : i32
      %mul3A_662 = arith.muli %add3A_649, %mul3A_661 : i32
      %broadcast_in_dim3A_663 = vector.broadcast %mul3A_662 : i32 to vector<16xi32>
      %parallel_loop3A_664 = arith.constant 0 : i32
      %parallel_loop3A_665 = arith.constant 80 : i32
      %parallel_loop3A_666 = arith.constant 1 : i32
      %parallel_loop3A_667 = arith.constant 2 : i32
      scf.for %parallel_loop3A_882 = %parallel_loop3A_664 to %parallel_loop3A_665 step %parallel_loop3A_666  : i32 {
        %parallel_loop3A_883 = vector.broadcast %parallel_loop3A_882 : i32 to vector<16xi32>
        %parallel_loop3A_884 = arith.addi %broadcast_in_dim3A_663, %parallel_loop3A_883 : vector<16xi32>
        %parallel_loop3A_885 = tpu.vector_load_idx %arg9[%parallel_loop3A_884] : memref<20000xf32, #tpu.memory_space<vmem>>[vector<16xi32>], vector<16xf32>,
        %parallel_loop3A_886 = arith.constant 0 : i32
        %parallel_loop3A_887 = arith.constant 0 : i32
        %parallel_loop3A_888 = tpu.memref_slice %arg10[%parallel_loop3A_667, %parallel_loop3A_886, %parallel_loop3A_887] : memref<3x80x64xf32, #tpu.memory_space<vmem>> -> memref<1x80x64xf32, #tpu.memory_space<vmem>>
        %parallel_loop3A_889 = tpu.memref_squeeze %parallel_loop3A_888 : memref<1x80x64xf32, #tpu.memory_space<vmem>> -> memref<80x64xf32, #tpu.memory_space<vmem>>
        %parallel_loop3A_890 = arith.constant 0 : i32
        %parallel_loop3A_891 = tpu.memref_slice %parallel_loop3A_889[%parallel_loop3A_882, %parallel_loop3A_890] : memref<80x64xf32, #tpu.memory_space<vmem>> -> memref<1x64xf32, #tpu.memory_space<vmem>>
        %parallel_loop3A_892 = tpu.memref_squeeze %parallel_loop3A_891 : memref<1x64xf32, #tpu.memory_space<vmem>> -> memref<64xf32, #tpu.memory_space<vmem>>
        %parallel_loop3A_893 = arith.constant 0 : index
        %parallel_loop3A_894 = tpu.vector_load %parallel_loop3A_892[%parallel_loop3A_893] {strides = array<i32>} : memref<64xf32, #tpu.memory_space<vmem>>, vector<16xf32>,
        %parallel_loop3A_895 = arith.mulf %parallel_loop3A_894, %parallel_loop3A_885 : vector<16xf32>
        %parallel_loop3A_896 = arith.constant 0 : i32
        %parallel_loop3A_897 = arith.constant 0 : i32
        %parallel_loop3A_898 = tpu.memref_slice %arg10[%parallel_loop3A_667, %parallel_loop3A_896, %parallel_loop3A_897] : memref<3x80x64xf32, #tpu.memory_space<vmem>> -> memref<1x80x64xf32, #tpu.memory_space<vmem>>
        %parallel_loop3A_899 = tpu.memref_squeeze %parallel_loop3A_898 : memref<1x80x64xf32, #tpu.memory_space<vmem>> -> memref<80x64xf32, #tpu.memory_space<vmem>>
        %parallel_loop3A_900 = arith.constant 0 : i32
        %parallel_loop3A_901 = tpu.memref_slice %parallel_loop3A_899[%parallel_loop3A_882, %parallel_loop3A_900] : memref<80x64xf32, #tpu.memory_space<vmem>> -> memref<1x64xf32, #tpu.memory_space<vmem>>
        %parallel_loop3A_902 = tpu.memref_squeeze %parallel_loop3A_901 : memref<1x64xf32, #tpu.memory_space<vmem>> -> memref<64xf32, #tpu.memory_space<vmem>>
        %parallel_loop3A_903 = arith.constant 0 : index
        %parallel_loop3A_904 = tpu.vector_load %parallel_loop3A_902[%parallel_loop3A_903] {strides = array<i32>} : memref<64xf32, #tpu.memory_space<vmem>>, vector<16xf32>,
        tpu.vector_store %parallel_loop3A_902[%parallel_loop3A_903], %parallel_loop3A_895 {strides = array<i32>} : memref<64xf32, #tpu.memory_space<vmem>>, vector<16xf32>,
        %parallel_loop3A_905 = arith.constant 0 : i32
        %parallel_loop3A_906 = arith.constant 0 : i32
        %parallel_loop3A_907 = tpu.memref_slice %arg10[%parallel_loop3A_667, %parallel_loop3A_905, %parallel_loop3A_906] : memref<3x80x64xf32, #tpu.memory_space<vmem>> -> memref<1x80x64xf32, #tpu.memory_space<vmem>>
        %parallel_loop3A_908 = tpu.memref_squeeze %parallel_loop3A_907 : memref<1x80x64xf32, #tpu.memory_space<vmem>> -> memref<80x64xf32, #tpu.memory_space<vmem>>
        %parallel_loop3A_909 = arith.constant 0 : i32
        %parallel_loop3A_910 = tpu.memref_slice %parallel_loop3A_908[%parallel_loop3A_882, %parallel_loop3A_909] : memref<80x64xf32, #tpu.memory_space<vmem>> -> memref<1x64xf32, #tpu.memory_space<vmem>>
        %parallel_loop3A_911 = tpu.memref_squeeze %parallel_loop3A_910 : memref<1x64xf32, #tpu.memory_space<vmem>> -> memref<64xf32, #tpu.memory_space<vmem>>
        %parallel_loop3A_912 = arith.constant 16 : index
        %parallel_loop3A_913 = tpu.vector_load %parallel_loop3A_911[%parallel_loop3A_912] {strides = array<i32>} : memref<64xf32, #tpu.memory_space<vmem>>, vector<16xf32>,
        %parallel_loop3A_914 = arith.mulf %parallel_loop3A_913, %parallel_loop3A_885 : vector<16xf32>
        %parallel_loop3A_915 = arith.constant 0 : i32
        %parallel_loop3A_916 = arith.constant 0 : i32
        %parallel_loop3A_917 = tpu.memref_slice %arg10[%parallel_loop3A_667, %parallel_loop3A_915, %parallel_loop3A_916] : memref<3x80x64xf32, #tpu.memory_space<vmem>> -> memref<1x80x64xf32, #tpu.memory_space<vmem>>
        %parallel_loop3A_918 = tpu.memref_squeeze %parallel_loop3A_917 : memref<1x80x64xf32, #tpu.memory_space<vmem>> -> memref<80x64xf32, #tpu.memory_space<vmem>>
        %parallel_loop3A_919 = arith.constant 0 : i32
        %parallel_loop3A_920 = tpu.memref_slice %parallel_loop3A_918[%parallel_loop3A_882, %parallel_loop3A_919] : memref<80x64xf32, #tpu.memory_space<vmem>> -> memref<1x64xf32, #tpu.memory_space<vmem>>
        %parallel_loop3A_921 = tpu.memref_squeeze %parallel_loop3A_920 : memref<1x64xf32, #tpu.memory_space<vmem>> -> memref<64xf32, #tpu.memory_space<vmem>>
        %parallel_loop3A_922 = arith.constant 16 : index
        %parallel_loop3A_923 = tpu.vector_load %parallel_loop3A_921[%parallel_loop3A_922] {strides = array<i32>} : memref<64xf32, #tpu.memory_space<vmem>>, vector<16xf32>,
        tpu.vector_store %parallel_loop3A_921[%parallel_loop3A_922], %parallel_loop3A_914 {strides = array<i32>} : memref<64xf32, #tpu.memory_space<vmem>>, vector<16xf32>,
        %parallel_loop3A_924 = arith.constant 0 : i32
        %parallel_loop3A_925 = arith.constant 0 : i32
        %parallel_loop3A_926 = tpu.memref_slice %arg10[%parallel_loop3A_667, %parallel_loop3A_924, %parallel_loop3A_925] : memref<3x80x64xf32, #tpu.memory_space<vmem>> -> memref<1x80x64xf32, #tpu.memory_space<vmem>>
        %parallel_loop3A_927 = tpu.memref_squeeze %parallel_loop3A_926 : memref<1x80x64xf32, #tpu.memory_space<vmem>> -> memref<80x64xf32, #tpu.memory_space<vmem>>
        %parallel_loop3A_928 = arith.constant 0 : i32
        %parallel_loop3A_929 = tpu.memref_slice %parallel_loop3A_927[%parallel_loop3A_882, %parallel_loop3A_928] : memref<80x64xf32, #tpu.memory_space<vmem>> -> memref<1x64xf32, #tpu.memory_space<vmem>>
        %parallel_loop3A_930 = tpu.memref_squeeze %parallel_loop3A_929 : memref<1x64xf32, #tpu.memory_space<vmem>> -> memref<64xf32, #tpu.memory_space<vmem>>
        %parallel_loop3A_931 = arith.constant 32 : index
        %parallel_loop3A_932 = tpu.vector_load %parallel_loop3A_930[%parallel_loop3A_931] {strides = array<i32>} : memref<64xf32, #tpu.memory_space<vmem>>, vector<16xf32>,
        %parallel_loop3A_933 = arith.mulf %parallel_loop3A_932, %parallel_loop3A_885 : vector<16xf32>
        %parallel_loop3A_934 = arith.constant 0 : i32
        %parallel_loop3A_935 = arith.constant 0 : i32
        %parallel_loop3A_936 = tpu.memref_slice %arg10[%parallel_loop3A_667, %parallel_loop3A_934, %parallel_loop3A_935] : memref<3x80x64xf32, #tpu.memory_space<vmem>> -> memref<1x80x64xf32, #tpu.memory_space<vmem>>
        %parallel_loop3A_937 = tpu.memref_squeeze %parallel_loop3A_936 : memref<1x80x64xf32, #tpu.memory_space<vmem>> -> memref<80x64xf32, #tpu.memory_space<vmem>>
        %parallel_loop3A_938 = arith.constant 0 : i32
        %parallel_loop3A_939 = tpu.memref_slice %parallel_loop3A_937[%parallel_loop3A_882, %parallel_loop3A_938] : memref<80x64xf32, #tpu.memory_space<vmem>> -> memref<1x64xf32, #tpu.memory_space<vmem>>
        %parallel_loop3A_940 = tpu.memref_squeeze %parallel_loop3A_939 : memref<1x64xf32, #tpu.memory_space<vmem>> -> memref<64xf32, #tpu.memory_space<vmem>>
        %parallel_loop3A_941 = arith.constant 32 : index
        %parallel_loop3A_942 = tpu.vector_load %parallel_loop3A_940[%parallel_loop3A_941] {strides = array<i32>} : memref<64xf32, #tpu.memory_space<vmem>>, vector<16xf32>,
        tpu.vector_store %parallel_loop3A_940[%parallel_loop3A_941], %parallel_loop3A_933 {strides = array<i32>} : memref<64xf32, #tpu.memory_space<vmem>>, vector<16xf32>,
        %parallel_loop3A_943 = arith.constant 0 : i32
        %parallel_loop3A_944 = arith.constant 0 : i32
        %parallel_loop3A_945 = tpu.memref_slice %arg10[%parallel_loop3A_667, %parallel_loop3A_943, %parallel_loop3A_944] : memref<3x80x64xf32, #tpu.memory_space<vmem>> -> memref<1x80x64xf32, #tpu.memory_space<vmem>>
        %parallel_loop3A_946 = tpu.memref_squeeze %parallel_loop3A_945 : memref<1x80x64xf32, #tpu.memory_space<vmem>> -> memref<80x64xf32, #tpu.memory_space<vmem>>
        %parallel_loop3A_947 = arith.constant 0 : i32
        %parallel_loop3A_948 = tpu.memref_slice %parallel_loop3A_946[%parallel_loop3A_882, %parallel_loop3A_947] : memref<80x64xf32, #tpu.memory_space<vmem>> -> memref<1x64xf32, #tpu.memory_space<vmem>>
        %parallel_loop3A_949 = tpu.memref_squeeze %parallel_loop3A_948 : memref<1x64xf32, #tpu.memory_space<vmem>> -> memref<64xf32, #tpu.memory_space<vmem>>
        %parallel_loop3A_950 = arith.constant 48 : index
        %parallel_loop3A_951 = tpu.vector_load %parallel_loop3A_949[%parallel_loop3A_950] {strides = array<i32>} : memref<64xf32, #tpu.memory_space<vmem>>, vector<16xf32>,
        %parallel_loop3A_952 = arith.mulf %parallel_loop3A_951, %parallel_loop3A_885 : vector<16xf32>
        %parallel_loop3A_953 = arith.constant 0 : i32
        %parallel_loop3A_954 = arith.constant 0 : i32
        %parallel_loop3A_955 = tpu.memref_slice %arg10[%parallel_loop3A_667, %parallel_loop3A_953, %parallel_loop3A_954] : memref<3x80x64xf32, #tpu.memory_space<vmem>> -> memref<1x80x64xf32, #tpu.memory_space<vmem>>
        %parallel_loop3A_956 = tpu.memref_squeeze %parallel_loop3A_955 : memref<1x80x64xf32, #tpu.memory_space<vmem>> -> memref<80x64xf32, #tpu.memory_space<vmem>>
        %parallel_loop3A_957 = arith.constant 0 : i32
        %parallel_loop3A_958 = tpu.memref_slice %parallel_loop3A_956[%parallel_loop3A_882, %parallel_loop3A_957] : memref<80x64xf32, #tpu.memory_space<vmem>> -> memref<1x64xf32, #tpu.memory_space<vmem>>
        %parallel_loop3A_959 = tpu.memref_squeeze %parallel_loop3A_958 : memref<1x64xf32, #tpu.memory_space<vmem>> -> memref<64xf32, #tpu.memory_space<vmem>>
        %parallel_loop3A_960 = arith.constant 48 : index
        %parallel_loop3A_961 = tpu.vector_load %parallel_loop3A_959[%parallel_loop3A_960] {strides = array<i32>} : memref<64xf32, #tpu.memory_space<vmem>>, vector<16xf32>,
        tpu.vector_store %parallel_loop3A_959[%parallel_loop3A_960], %parallel_loop3A_952 {strides = array<i32>} : memref<64xf32, #tpu.memory_space<vmem>>, vector<16xf32>,
      } {sc.loop_unroll_factor = 4 : i64, sc.parallel_access}
      %dma_start3A_668 = arith.constant 2 : i32
      %dma_start3A_669 = arith.constant 0 : i32
      %dma_start3A_670 = arith.constant 0 : i32
      %dma_start3A_671 = tpu.memref_slice %arg10[%dma_start3A_668, %dma_start3A_669, %dma_start3A_670] : memref<3x80x64xf32, #tpu.memory_space<vmem>> -> memref<1x80x64xf32, #tpu.memory_space<vmem>>
      %dma_start3A_672 = tpu.memref_squeeze %dma_start3A_671 : memref<1x80x64xf32, #tpu.memory_space<vmem>> -> memref<80x64xf32, #tpu.memory_space<vmem>>
      %dma_start3A_673 = arith.constant 0 : i32
      %dma_start3A_674 = tpu.memref_slice %arg8[%add3A_649, %dma_start3A_673] : memref<250x80xi32, #tpu.memory_space<vmem>> -> memref<1x80xi32, #tpu.memory_space<vmem>>
      %dma_start3A_675 = tpu.memref_squeeze %dma_start3A_674 : memref<1x80xi32, #tpu.memory_space<vmem>> -> memref<80xi32, #tpu.memory_space<vmem>>
      %dma_start3A_676 = arith.constant 0 : i32
      %dma_start3A_677 = arith.constant 0 : i32
      %dma_start3A_678 = tpu.memref_slice %arg11[%dma_start3A_676, %dma_start3A_677] : memref<10000x64xf32, #tpu.memory_space<vmem_shared>> -> memref<10000x64xf32, #tpu.memory_space<vmem_shared>>
      tpu.enqueue_indirect_dma source(%dma_start3A_672 : memref<80x64xf32, #tpu.memory_space<vmem>>) target(%dma_start3A_678 : memref<10000x64xf32, #tpu.memory_space<vmem_shared>>) offsets(%dma_start3A_675 : memref<80xi32, #tpu.memory_space<vmem>>) semaphore(%arg17 : memref<!tpu.dma_semaphore, #tpu.memory_space<semaphore_mem>>) {add = true}
      %sub3A_679 = arith.constant 1 : i32
      %sub3A_680 = arith.subi %add3A_649, %sub3A_679 : i32
      %dma_wait3A_681 = arith.constant 1 : i32
      %dma_wait3A_682 = arith.constant 0 : i32
      %dma_wait3A_683 = arith.constant 0 : i32
      %dma_wait3A_684 = tpu.memref_slice %arg10[%dma_wait3A_681, %dma_wait3A_682, %dma_wait3A_683] : memref<3x80x64xf32, #tpu.memory_space<vmem>> -> memref<1x80x64xf32, #tpu.memory_space<vmem>>
      %dma_wait3A_685 = tpu.memref_squeeze %dma_wait3A_684 : memref<1x80x64xf32, #tpu.memory_space<vmem>> -> memref<80x64xf32, #tpu.memory_space<vmem>>
      %dma_wait3A_686 = arith.constant 0 : i32
      %dma_wait3A_687 = tpu.memref_slice %arg8[%sub3A_680, %dma_wait3A_686] : memref<250x80xi32, #tpu.memory_space<vmem>> -> memref<1x80xi32, #tpu.memory_space<vmem>>
      %dma_wait3A_688 = tpu.memref_squeeze %dma_wait3A_687 : memref<1x80xi32, #tpu.memory_space<vmem>> -> memref<80xi32, #tpu.memory_space<vmem>>
      %dma_wait3A_689 = arith.constant 0 : i32
      %dma_wait3A_690 = arith.constant 0 : i32
      %dma_wait3A_691 = tpu.memref_slice %arg11[%dma_wait3A_689, %dma_wait3A_690] : memref<10000x64xf32, #tpu.memory_space<vmem_shared>> -> memref<10000x64xf32, #tpu.memory_space<vmem_shared>>
      tpu.wait_indirect_dma semaphore(%arg16 : memref<!tpu.dma_semaphore, #tpu.memory_space<semaphore_mem>>) src(%dma_wait3A_685 : memref<80x64xf32, #tpu.memory_space<vmem>>) dst(%dma_wait3A_691 : memref<10000x64xf32, #tpu.memory_space<vmem_shared>>)
      %add3A_692 = arith.constant 2 : i32
      %add3A_693 = arith.addi %add3A_649, %add3A_692 : i32
      %get3A_694 = arith.constant 0 : i32
      %get3A_695 = tpu.memref_slice %arg7[%add3A_693, %get3A_694] : memref<250x80xi32, #tpu.memory_space<vmem>> -> memref<1x80xi32, #tpu.memory_space<vmem>>
      %get3A_696 = tpu.memref_squeeze %get3A_695 : memref<1x80xi32, #tpu.memory_space<vmem>> -> memref<80xi32, #tpu.memory_space<vmem>>
      %get3A_697 = arith.constant 0 : index
      %get3A_698 = tpu.vector_load %get3A_696[%get3A_697] {strides = array<i32>} : memref<80xi32, #tpu.memory_space<vmem>>, vector<16xi32>,
      %add3A_699 = arith.addi %get3A_698, %get3A_698 : vector<16xi32>
      %add3A_700 = arith.addi %add3A_699, %broadcast_in_dim3A_29 : vector<16xi32>
      %swap3A_701 = arith.constant 0 : i32
      %swap3A_702 = tpu.memref_slice %arg7[%add3A_693, %swap3A_701] : memref<250x80xi32, #tpu.memory_space<vmem>> -> memref<1x80xi32, #tpu.memory_space<vmem>>
      %swap3A_703 = tpu.memref_squeeze %swap3A_702 : memref<1x80xi32, #tpu.memory_space<vmem>> -> memref<80xi32, #tpu.memory_space<vmem>>
      %swap3A_704 = arith.constant 0 : index
      %swap3A_705 = tpu.vector_load %swap3A_703[%swap3A_704] {strides = array<i32>} : memref<80xi32, #tpu.memory_space<vmem>>, vector<16xi32>,
      tpu.vector_store %swap3A_703[%swap3A_704], %add3A_700 {strides = array<i32>} : memref<80xi32, #tpu.memory_space<vmem>>, vector<16xi32>,
      %get3A_706 = arith.constant 0 : i32
      %get3A_707 = tpu.memref_slice %arg7[%add3A_693, %get3A_706] : memref<250x80xi32, #tpu.memory_space<vmem>> -> memref<1x80xi32, #tpu.memory_space<vmem>>
      %get3A_708 = tpu.memref_squeeze %get3A_707 : memref<1x80xi32, #tpu.memory_space<vmem>> -> memref<80xi32, #tpu.memory_space<vmem>>
      %get3A_709 = arith.constant 16 : index
      %get3A_710 = tpu.vector_load %get3A_708[%get3A_709] {strides = array<i32>} : memref<80xi32, #tpu.memory_space<vmem>>, vector<16xi32>,
      %add3A_711 = arith.addi %get3A_710, %get3A_710 : vector<16xi32>
      %add3A_712 = arith.addi %add3A_711, %broadcast_in_dim3A_29 : vector<16xi32>
      %swap3A_713 = arith.constant 0 : i32
      %swap3A_714 = tpu.memref_slice %arg7[%add3A_693, %swap3A_713] : memref<250x80xi32, #tpu.memory_space<vmem>> -> memref<1x80xi32, #tpu.memory_space<vmem>>
      %swap3A_715 = tpu.memref_squeeze %swap3A_714 : memref<1x80xi32, #tpu.memory_space<vmem>> -> memref<80xi32, #tpu.memory_space<vmem>>
      %swap3A_716 = arith.constant 16 : index
      %swap3A_717 = tpu.vector_load %swap3A_715[%swap3A_716] {strides = array<i32>} : memref<80xi32, #tpu.memory_space<vmem>>, vector<16xi32>,
      tpu.vector_store %swap3A_715[%swap3A_716], %add3A_712 {strides = array<i32>} : memref<80xi32, #tpu.memory_space<vmem>>, vector<16xi32>,
      %get3A_718 = arith.constant 0 : i32
      %get3A_719 = tpu.memref_slice %arg7[%add3A_693, %get3A_718] : memref<250x80xi32, #tpu.memory_space<vmem>> -> memref<1x80xi32, #tpu.memory_space<vmem>>
      %get3A_720 = tpu.memref_squeeze %get3A_719 : memref<1x80xi32, #tpu.memory_space<vmem>> -> memref<80xi32, #tpu.memory_space<vmem>>
      %get3A_721 = arith.constant 32 : index
      %get3A_722 = tpu.vector_load %get3A_720[%get3A_721] {strides = array<i32>} : memref<80xi32, #tpu.memory_space<vmem>>, vector<16xi32>,
      %add3A_723 = arith.addi %get3A_722, %get3A_722 : vector<16xi32>
      %add3A_724 = arith.addi %add3A_723, %broadcast_in_dim3A_29 : vector<16xi32>
      %swap3A_725 = arith.constant 0 : i32
      %swap3A_726 = tpu.memref_slice %arg7[%add3A_693, %swap3A_725] : memref<250x80xi32, #tpu.memory_space<vmem>> -> memref<1x80xi32, #tpu.memory_space<vmem>>
      %swap3A_727 = tpu.memref_squeeze %swap3A_726 : memref<1x80xi32, #tpu.memory_space<vmem>> -> memref<80xi32, #tpu.memory_space<vmem>>
      %swap3A_728 = arith.constant 32 : index
      %swap3A_729 = tpu.vector_load %swap3A_727[%swap3A_728] {strides = array<i32>} : memref<80xi32, #tpu.memory_space<vmem>>, vector<16xi32>,
      tpu.vector_store %swap3A_727[%swap3A_728], %add3A_724 {strides = array<i32>} : memref<80xi32, #tpu.memory_space<vmem>>, vector<16xi32>,
      %get3A_730 = arith.constant 0 : i32
      %get3A_731 = tpu.memref_slice %arg7[%add3A_693, %get3A_730] : memref<250x80xi32, #tpu.memory_space<vmem>> -> memref<1x80xi32, #tpu.memory_space<vmem>>
      %get3A_732 = tpu.memref_squeeze %get3A_731 : memref<1x80xi32, #tpu.memory_space<vmem>> -> memref<80xi32, #tpu.memory_space<vmem>>
      %get3A_733 = arith.constant 48 : index
      %get3A_734 = tpu.vector_load %get3A_732[%get3A_733] {strides = array<i32>} : memref<80xi32, #tpu.memory_space<vmem>>, vector<16xi32>,
      %add3A_735 = arith.addi %get3A_734, %get3A_734 : vector<16xi32>
      %add3A_736 = arith.addi %add3A_735, %broadcast_in_dim3A_29 : vector<16xi32>
      %swap3A_737 = arith.constant 0 : i32
      %swap3A_738 = tpu.memref_slice %arg7[%add3A_693, %swap3A_737] : memref<250x80xi32, #tpu.memory_space<vmem>> -> memref<1x80xi32, #tpu.memory_space<vmem>>
      %swap3A_739 = tpu.memref_squeeze %swap3A_738 : memref<1x80xi32, #tpu.memory_space<vmem>> -> memref<80xi32, #tpu.memory_space<vmem>>
      %swap3A_740 = arith.constant 48 : index
      %swap3A_741 = tpu.vector_load %swap3A_739[%swap3A_740] {strides = array<i32>} : memref<80xi32, #tpu.memory_space<vmem>>, vector<16xi32>,
      tpu.vector_store %swap3A_739[%swap3A_740], %add3A_736 {strides = array<i32>} : memref<80xi32, #tpu.memory_space<vmem>>, vector<16xi32>,
      %get3A_742 = arith.constant 0 : i32
      %get3A_743 = tpu.memref_slice %arg7[%add3A_693, %get3A_742] : memref<250x80xi32, #tpu.memory_space<vmem>> -> memref<1x80xi32, #tpu.memory_space<vmem>>
      %get3A_744 = tpu.memref_squeeze %get3A_743 : memref<1x80xi32, #tpu.memory_space<vmem>> -> memref<80xi32, #tpu.memory_space<vmem>>
      %get3A_745 = arith.constant 64 : index
      %get3A_746 = tpu.vector_load %get3A_744[%get3A_745] {strides = array<i32>} : memref<80xi32, #tpu.memory_space<vmem>>, vector<16xi32>,
      %add3A_747 = arith.addi %get3A_746, %get3A_746 : vector<16xi32>
      %add3A_748 = arith.addi %add3A_747, %broadcast_in_dim3A_29 : vector<16xi32>
      %swap3A_749 = arith.constant 0 : i32
      %swap3A_750 = tpu.memref_slice %arg7[%add3A_693, %swap3A_749] : memref<250x80xi32, #tpu.memory_space<vmem>> -> memref<1x80xi32, #tpu.memory_space<vmem>>
      %swap3A_751 = tpu.memref_squeeze %swap3A_750 : memref<1x80xi32, #tpu.memory_space<vmem>> -> memref<80xi32, #tpu.memory_space<vmem>>
      %swap3A_752 = arith.constant 64 : index
      %swap3A_753 = tpu.vector_load %swap3A_751[%swap3A_752] {strides = array<i32>} : memref<80xi32, #tpu.memory_space<vmem>>, vector<16xi32>,
      tpu.vector_store %swap3A_751[%swap3A_752], %add3A_748 {strides = array<i32>} : memref<80xi32, #tpu.memory_space<vmem>>, vector<16xi32>,
      %dma_start3A_754 = arith.constant 1 : i32
      %dma_start3A_755 = arith.constant 0 : i32
      %dma_start3A_756 = arith.constant 0 : i32
      %dma_start3A_757 = tpu.memref_slice %arg10[%dma_start3A_754, %dma_start3A_755, %dma_start3A_756] : memref<3x80x64xf32, #tpu.memory_space<vmem>> -> memref<1x80x64xf32, #tpu.memory_space<vmem>>
      %dma_start3A_758 = tpu.memref_squeeze %dma_start3A_757 : memref<1x80x64xf32, #tpu.memory_space<vmem>> -> memref<80x64xf32, #tpu.memory_space<vmem>>
      %dma_start3A_759 = arith.constant 0 : i32
      %dma_start3A_760 = tpu.memref_slice %arg7[%add3A_693, %dma_start3A_759] : memref<250x80xi32, #tpu.memory_space<vmem>> -> memref<1x80xi32, #tpu.memory_space<vmem>>
      %dma_start3A_761 = tpu.memref_squeeze %dma_start3A_760 : memref<1x80xi32, #tpu.memory_space<vmem>> -> memref<80xi32, #tpu.memory_space<vmem>>
      %dma_start3A_762 = arith.constant 0 : i32
      %dma_start3A_763 = arith.constant 0 : i32
      %dma_start3A_764 = tpu.memref_slice %arg2[%dma_start3A_762, %dma_start3A_763] : memref<20000x64xf32, #tpu.memory_space<hbm>> -> memref<20000x64xf32, #tpu.memory_space<hbm>>
      tpu.enqueue_indirect_dma source(%dma_start3A_764 : memref<20000x64xf32, #tpu.memory_space<hbm>>) target(%dma_start3A_758 : memref<80x64xf32, #tpu.memory_space<vmem>>) offsets(%dma_start3A_761 : memref<80xi32, #tpu.memory_space<vmem>>) semaphore(%arg13 : memref<!tpu.dma_semaphore, #tpu.memory_space<semaphore_mem>>)
      %add3A_765 = arith.constant 2 : i32
      %add3A_766 = arith.addi %add3A_533, %add3A_765 : i32
      %dma_wait3A_767 = arith.constant 0 : i32
      %dma_wait3A_768 = arith.constant 0 : i32
      %dma_wait3A_769 = arith.constant 0 : i32
      %dma_wait3A_770 = tpu.memref_slice %arg10[%dma_wait3A_767, %dma_wait3A_768, %dma_wait3A_769] : memref<3x80x64xf32, #tpu.memory_space<vmem>> -> memref<1x80x64xf32, #tpu.memory_space<vmem>>
      %dma_wait3A_771 = tpu.memref_squeeze %dma_wait3A_770 : memref<1x80x64xf32, #tpu.memory_space<vmem>> -> memref<80x64xf32, #tpu.memory_space<vmem>>
      %dma_wait3A_772 = arith.constant 0 : i32
      %dma_wait3A_773 = tpu.memref_slice %arg7[%add3A_766, %dma_wait3A_772] : memref<250x80xi32, #tpu.memory_space<vmem>> -> memref<1x80xi32, #tpu.memory_space<vmem>>
      %dma_wait3A_774 = tpu.memref_squeeze %dma_wait3A_773 : memref<1x80xi32, #tpu.memory_space<vmem>> -> memref<80xi32, #tpu.memory_space<vmem>>
      %dma_wait3A_775 = arith.constant 0 : i32
      %dma_wait3A_776 = arith.constant 0 : i32
      %dma_wait3A_777 = tpu.memref_slice %arg2[%dma_wait3A_775, %dma_wait3A_776] : memref<20000x64xf32, #tpu.memory_space<hbm>> -> memref<20000x64xf32, #tpu.memory_space<hbm>>
      tpu.wait_indirect_dma semaphore(%arg12 : memref<!tpu.dma_semaphore, #tpu.memory_space<semaphore_mem>>) src(%dma_wait3A_777 : memref<20000x64xf32, #tpu.memory_space<hbm>>) dst(%dma_wait3A_771 : memref<80x64xf32, #tpu.memory_space<vmem>>)
      %mul3A_778 = arith.constant 80 : i32
      %mul3A_779 = arith.muli %add3A_766, %mul3A_778 : i32
      %broadcast_in_dim3A_780 = vector.broadcast %mul3A_779 : i32 to vector<16xi32>
      %parallel_loop3A_781 = arith.constant 0 : i32
      %parallel_loop3A_782 = arith.constant 80 : i32
      %parallel_loop3A_783 = arith.constant 1 : i32
      %parallel_loop3A_784 = arith.constant 0 : i32
      scf.for %parallel_loop3A_882 = %parallel_loop3A_781 to %parallel_loop3A_782 step %parallel_loop3A_783  : i32 {
        %parallel_loop3A_883 = vector.broadcast %parallel_loop3A_882 : i32 to vector<16xi32>
        %parallel_loop3A_884 = arith.addi %broadcast_in_dim3A_780, %parallel_loop3A_883 : vector<16xi32>
        %parallel_loop3A_885 = tpu.vector_load_idx %arg9[%parallel_loop3A_884] : memref<20000xf32, #tpu.memory_space<vmem>>[vector<16xi32>], vector<16xf32>,
        %parallel_loop3A_886 = arith.constant 0 : i32
        %parallel_loop3A_887 = arith.constant 0 : i32
        %parallel_loop3A_888 = tpu.memref_slice %arg10[%parallel_loop3A_784, %parallel_loop3A_886, %parallel_loop3A_887] : memref<3x80x64xf32, #tpu.memory_space<vmem>> -> memref<1x80x64xf32, #tpu.memory_space<vmem>>
        %parallel_loop3A_889 = tpu.memref_squeeze %parallel_loop3A_888 : memref<1x80x64xf32, #tpu.memory_space<vmem>> -> memref<80x64xf32, #tpu.memory_space<vmem>>
        %parallel_loop3A_890 = arith.constant 0 : i32
        %parallel_loop3A_891 = tpu.memref_slice %parallel_loop3A_889[%parallel_loop3A_882, %parallel_loop3A_890] : memref<80x64xf32, #tpu.memory_space<vmem>> -> memref<1x64xf32, #tpu.memory_space<vmem>>
        %parallel_loop3A_892 = tpu.memref_squeeze %parallel_loop3A_891 : memref<1x64xf32, #tpu.memory_space<vmem>> -> memref<64xf32, #tpu.memory_space<vmem>>
        %parallel_loop3A_893 = arith.constant 0 : index
        %parallel_loop3A_894 = tpu.vector_load %parallel_loop3A_892[%parallel_loop3A_893] {strides = array<i32>} : memref<64xf32, #tpu.memory_space<vmem>>, vector<16xf32>,
        %parallel_loop3A_895 = arith.mulf %parallel_loop3A_894, %parallel_loop3A_885 : vector<16xf32>
        %parallel_loop3A_896 = arith.constant 0 : i32
        %parallel_loop3A_897 = arith.constant 0 : i32
        %parallel_loop3A_898 = tpu.memref_slice %arg10[%parallel_loop3A_784, %parallel_loop3A_896, %parallel_loop3A_897] : memref<3x80x64xf32, #tpu.memory_space<vmem>> -> memref<1x80x64xf32, #tpu.memory_space<vmem>>
        %parallel_loop3A_899 = tpu.memref_squeeze %parallel_loop3A_898 : memref<1x80x64xf32, #tpu.memory_space<vmem>> -> memref<80x64xf32, #tpu.memory_space<vmem>>
        %parallel_loop3A_900 = arith.constant 0 : i32
        %parallel_loop3A_901 = tpu.memref_slice %parallel_loop3A_899[%parallel_loop3A_882, %parallel_loop3A_900] : memref<80x64xf32, #tpu.memory_space<vmem>> -> memref<1x64xf32, #tpu.memory_space<vmem>>
        %parallel_loop3A_902 = tpu.memref_squeeze %parallel_loop3A_901 : memref<1x64xf32, #tpu.memory_space<vmem>> -> memref<64xf32, #tpu.memory_space<vmem>>
        %parallel_loop3A_903 = arith.constant 0 : index
        %parallel_loop3A_904 = tpu.vector_load %parallel_loop3A_902[%parallel_loop3A_903] {strides = array<i32>} : memref<64xf32, #tpu.memory_space<vmem>>, vector<16xf32>,
        tpu.vector_store %parallel_loop3A_902[%parallel_loop3A_903], %parallel_loop3A_895 {strides = array<i32>} : memref<64xf32, #tpu.memory_space<vmem>>, vector<16xf32>,
        %parallel_loop3A_905 = arith.constant 0 : i32
        %parallel_loop3A_906 = arith.constant 0 : i32
        %parallel_loop3A_907 = tpu.memref_slice %arg10[%parallel_loop3A_784, %parallel_loop3A_905, %parallel_loop3A_906] : memref<3x80x64xf32, #tpu.memory_space<vmem>> -> memref<1x80x64xf32, #tpu.memory_space<vmem>>
        %parallel_loop3A_908 = tpu.memref_squeeze %parallel_loop3A_907 : memref<1x80x64xf32, #tpu.memory_space<vmem>> -> memref<80x64xf32, #tpu.memory_space<vmem>>
        %parallel_loop3A_909 = arith.constant 0 : i32
        %parallel_loop3A_910 = tpu.memref_slice %parallel_loop3A_908[%parallel_loop3A_882, %parallel_loop3A_909] : memref<80x64xf32, #tpu.memory_space<vmem>> -> memref<1x64xf32, #tpu.memory_space<vmem>>
        %parallel_loop3A_911 = tpu.memref_squeeze %parallel_loop3A_910 : memref<1x64xf32, #tpu.memory_space<vmem>> -> memref<64xf32, #tpu.memory_space<vmem>>
        %parallel_loop3A_912 = arith.constant 16 : index
        %parallel_loop3A_913 = tpu.vector_load %parallel_loop3A_911[%parallel_loop3A_912] {strides = array<i32>} : memref<64xf32, #tpu.memory_space<vmem>>, vector<16xf32>,
        %parallel_loop3A_914 = arith.mulf %parallel_loop3A_913, %parallel_loop3A_885 : vector<16xf32>
        %parallel_loop3A_915 = arith.constant 0 : i32
        %parallel_loop3A_916 = arith.constant 0 : i32
        %parallel_loop3A_917 = tpu.memref_slice %arg10[%parallel_loop3A_784, %parallel_loop3A_915, %parallel_loop3A_916] : memref<3x80x64xf32, #tpu.memory_space<vmem>> -> memref<1x80x64xf32, #tpu.memory_space<vmem>>
        %parallel_loop3A_918 = tpu.memref_squeeze %parallel_loop3A_917 : memref<1x80x64xf32, #tpu.memory_space<vmem>> -> memref<80x64xf32, #tpu.memory_space<vmem>>
        %parallel_loop3A_919 = arith.constant 0 : i32
        %parallel_loop3A_920 = tpu.memref_slice %parallel_loop3A_918[%parallel_loop3A_882, %parallel_loop3A_919] : memref<80x64xf32, #tpu.memory_space<vmem>> -> memref<1x64xf32, #tpu.memory_space<vmem>>
        %parallel_loop3A_921 = tpu.memref_squeeze %parallel_loop3A_920 : memref<1x64xf32, #tpu.memory_space<vmem>> -> memref<64xf32, #tpu.memory_space<vmem>>
        %parallel_loop3A_922 = arith.constant 16 : index
        %parallel_loop3A_923 = tpu.vector_load %parallel_loop3A_921[%parallel_loop3A_922] {strides = array<i32>} : memref<64xf32, #tpu.memory_space<vmem>>, vector<16xf32>,
        tpu.vector_store %parallel_loop3A_921[%parallel_loop3A_922], %parallel_loop3A_914 {strides = array<i32>} : memref<64xf32, #tpu.memory_space<vmem>>, vector<16xf32>,
        %parallel_loop3A_924 = arith.constant 0 : i32
        %parallel_loop3A_925 = arith.constant 0 : i32
        %parallel_loop3A_926 = tpu.memref_slice %arg10[%parallel_loop3A_784, %parallel_loop3A_924, %parallel_loop3A_925] : memref<3x80x64xf32, #tpu.memory_space<vmem>> -> memref<1x80x64xf32, #tpu.memory_space<vmem>>
        %parallel_loop3A_927 = tpu.memref_squeeze %parallel_loop3A_926 : memref<1x80x64xf32, #tpu.memory_space<vmem>> -> memref<80x64xf32, #tpu.memory_space<vmem>>
        %parallel_loop3A_928 = arith.constant 0 : i32
        %parallel_loop3A_929 = tpu.memref_slice %parallel_loop3A_927[%parallel_loop3A_882, %parallel_loop3A_928] : memref<80x64xf32, #tpu.memory_space<vmem>> -> memref<1x64xf32, #tpu.memory_space<vmem>>
        %parallel_loop3A_930 = tpu.memref_squeeze %parallel_loop3A_929 : memref<1x64xf32, #tpu.memory_space<vmem>> -> memref<64xf32, #tpu.memory_space<vmem>>
        %parallel_loop3A_931 = arith.constant 32 : index
        %parallel_loop3A_932 = tpu.vector_load %parallel_loop3A_930[%parallel_loop3A_931] {strides = array<i32>} : memref<64xf32, #tpu.memory_space<vmem>>, vector<16xf32>,
        %parallel_loop3A_933 = arith.mulf %parallel_loop3A_932, %parallel_loop3A_885 : vector<16xf32>
        %parallel_loop3A_934 = arith.constant 0 : i32
        %parallel_loop3A_935 = arith.constant 0 : i32
        %parallel_loop3A_936 = tpu.memref_slice %arg10[%parallel_loop3A_784, %parallel_loop3A_934, %parallel_loop3A_935] : memref<3x80x64xf32, #tpu.memory_space<vmem>> -> memref<1x80x64xf32, #tpu.memory_space<vmem>>
        %parallel_loop3A_937 = tpu.memref_squeeze %parallel_loop3A_936 : memref<1x80x64xf32, #tpu.memory_space<vmem>> -> memref<80x64xf32, #tpu.memory_space<vmem>>
        %parallel_loop3A_938 = arith.constant 0 : i32
        %parallel_loop3A_939 = tpu.memref_slice %parallel_loop3A_937[%parallel_loop3A_882, %parallel_loop3A_938] : memref<80x64xf32, #tpu.memory_space<vmem>> -> memref<1x64xf32, #tpu.memory_space<vmem>>
        %parallel_loop3A_940 = tpu.memref_squeeze %parallel_loop3A_939 : memref<1x64xf32, #tpu.memory_space<vmem>> -> memref<64xf32, #tpu.memory_space<vmem>>
        %parallel_loop3A_941 = arith.constant 32 : index
        %parallel_loop3A_942 = tpu.vector_load %parallel_loop3A_940[%parallel_loop3A_941] {strides = array<i32>} : memref<64xf32, #tpu.memory_space<vmem>>, vector<16xf32>,
        tpu.vector_store %parallel_loop3A_940[%parallel_loop3A_941], %parallel_loop3A_933 {strides = array<i32>} : memref<64xf32, #tpu.memory_space<vmem>>, vector<16xf32>,
        %parallel_loop3A_943 = arith.constant 0 : i32
        %parallel_loop3A_944 = arith.constant 0 : i32
        %parallel_loop3A_945 = tpu.memref_slice %arg10[%parallel_loop3A_784, %parallel_loop3A_943, %parallel_loop3A_944] : memref<3x80x64xf32, #tpu.memory_space<vmem>> -> memref<1x80x64xf32, #tpu.memory_space<vmem>>
        %parallel_loop3A_946 = tpu.memref_squeeze %parallel_loop3A_945 : memref<1x80x64xf32, #tpu.memory_space<vmem>> -> memref<80x64xf32, #tpu.memory_space<vmem>>
        %parallel_loop3A_947 = arith.constant 0 : i32
        %parallel_loop3A_948 = tpu.memref_slice %parallel_loop3A_946[%parallel_loop3A_882, %parallel_loop3A_947] : memref<80x64xf32, #tpu.memory_space<vmem>> -> memref<1x64xf32, #tpu.memory_space<vmem>>
        %parallel_loop3A_949 = tpu.memref_squeeze %parallel_loop3A_948 : memref<1x64xf32, #tpu.memory_space<vmem>> -> memref<64xf32, #tpu.memory_space<vmem>>
        %parallel_loop3A_950 = arith.constant 48 : index
        %parallel_loop3A_951 = tpu.vector_load %parallel_loop3A_949[%parallel_loop3A_950] {strides = array<i32>} : memref<64xf32, #tpu.memory_space<vmem>>, vector<16xf32>,
        %parallel_loop3A_952 = arith.mulf %parallel_loop3A_951, %parallel_loop3A_885 : vector<16xf32>
        %parallel_loop3A_953 = arith.constant 0 : i32
        %parallel_loop3A_954 = arith.constant 0 : i32
        %parallel_loop3A_955 = tpu.memref_slice %arg10[%parallel_loop3A_784, %parallel_loop3A_953, %parallel_loop3A_954] : memref<3x80x64xf32, #tpu.memory_space<vmem>> -> memref<1x80x64xf32, #tpu.memory_space<vmem>>
        %parallel_loop3A_956 = tpu.memref_squeeze %parallel_loop3A_955 : memref<1x80x64xf32, #tpu.memory_space<vmem>> -> memref<80x64xf32, #tpu.memory_space<vmem>>
        %parallel_loop3A_957 = arith.constant 0 : i32
        %parallel_loop3A_958 = tpu.memref_slice %parallel_loop3A_956[%parallel_loop3A_882, %parallel_loop3A_957] : memref<80x64xf32, #tpu.memory_space<vmem>> -> memref<1x64xf32, #tpu.memory_space<vmem>>
        %parallel_loop3A_959 = tpu.memref_squeeze %parallel_loop3A_958 : memref<1x64xf32, #tpu.memory_space<vmem>> -> memref<64xf32, #tpu.memory_space<vmem>>
        %parallel_loop3A_960 = arith.constant 48 : index
        %parallel_loop3A_961 = tpu.vector_load %parallel_loop3A_959[%parallel_loop3A_960] {strides = array<i32>} : memref<64xf32, #tpu.memory_space<vmem>>, vector<16xf32>,
        tpu.vector_store %parallel_loop3A_959[%parallel_loop3A_960], %parallel_loop3A_952 {strides = array<i32>} : memref<64xf32, #tpu.memory_space<vmem>>, vector<16xf32>,
      } {sc.loop_unroll_factor = 4 : i64, sc.parallel_access}
      %dma_start3A_785 = arith.constant 0 : i32
      %dma_start3A_786 = arith.constant 0 : i32
      %dma_start3A_787 = arith.constant 0 : i32
      %dma_start3A_788 = tpu.memref_slice %arg10[%dma_start3A_785, %dma_start3A_786, %dma_start3A_787] : memref<3x80x64xf32, #tpu.memory_space<vmem>> -> memref<1x80x64xf32, #tpu.memory_space<vmem>>
      %dma_start3A_789 = tpu.memref_squeeze %dma_start3A_788 : memref<1x80x64xf32, #tpu.memory_space<vmem>> -> memref<80x64xf32, #tpu.memory_space<vmem>>
      %dma_start3A_790 = arith.constant 0 : i32
      %dma_start3A_791 = tpu.memref_slice %arg8[%add3A_766, %dma_start3A_790] : memref<250x80xi32, #tpu.memory_space<vmem>> -> memref<1x80xi32, #tpu.memory_space<vmem>>
      %dma_start3A_792 = tpu.memref_squeeze %dma_start3A_791 : memref<1x80xi32, #tpu.memory_space<vmem>> -> memref<80xi32, #tpu.memory_space<vmem>>
      %dma_start3A_793 = arith.constant 0 : i32
      %dma_start3A_794 = arith.constant 0 : i32
      %dma_start3A_795 = tpu.memref_slice %arg11[%dma_start3A_793, %dma_start3A_794] : memref<10000x64xf32, #tpu.memory_space<vmem_shared>> -> memref<10000x64xf32, #tpu.memory_space<vmem_shared>>
      tpu.enqueue_indirect_dma source(%dma_start3A_789 : memref<80x64xf32, #tpu.memory_space<vmem>>) target(%dma_start3A_795 : memref<10000x64xf32, #tpu.memory_space<vmem_shared>>) offsets(%dma_start3A_792 : memref<80xi32, #tpu.memory_space<vmem>>) semaphore(%arg15 : memref<!tpu.dma_semaphore, #tpu.memory_space<semaphore_mem>>) {add = true}
      %sub3A_796 = arith.constant 1 : i32
      %sub3A_797 = arith.subi %add3A_766, %sub3A_796 : i32
      %dma_wait3A_798 = arith.constant 2 : i32
      %dma_wait3A_799 = arith.constant 0 : i32
      %dma_wait3A_800 = arith.constant 0 : i32
      %dma_wait3A_801 = tpu.memref_slice %arg10[%dma_wait3A_798, %dma_wait3A_799, %dma_wait3A_800] : memref<3x80x64xf32, #tpu.memory_space<vmem>> -> memref<1x80x64xf32, #tpu.memory_space<vmem>>
      %dma_wait3A_802 = tpu.memref_squeeze %dma_wait3A_801 : memref<1x80x64xf32, #tpu.memory_space<vmem>> -> memref<80x64xf32, #tpu.memory_space<vmem>>
      %dma_wait3A_803 = arith.constant 0 : i32
      %dma_wait3A_804 = tpu.memref_slice %arg8[%sub3A_797, %dma_wait3A_803] : memref<250x80xi32, #tpu.memory_space<vmem>> -> memref<1x80xi32, #tpu.memory_space<vmem>>
      %dma_wait3A_805 = tpu.memref_squeeze %dma_wait3A_804 : memref<1x80xi32, #tpu.memory_space<vmem>> -> memref<80xi32, #tpu.memory_space<vmem>>
      %dma_wait3A_806 = arith.constant 0 : i32
      %dma_wait3A_807 = arith.constant 0 : i32
      %dma_wait3A_808 = tpu.memref_slice %arg11[%dma_wait3A_806, %dma_wait3A_807] : memref<10000x64xf32, #tpu.memory_space<vmem_shared>> -> memref<10000x64xf32, #tpu.memory_space<vmem_shared>>
      tpu.wait_indirect_dma semaphore(%arg17 : memref<!tpu.dma_semaphore, #tpu.memory_space<semaphore_mem>>) src(%dma_wait3A_802 : memref<80x64xf32, #tpu.memory_space<vmem>>) dst(%dma_wait3A_808 : memref<10000x64xf32, #tpu.memory_space<vmem_shared>>)
      %add3A_809 = arith.constant 2 : i32
      %add3A_810 = arith.addi %add3A_766, %add3A_809 : i32
      %get3A_811 = arith.constant 0 : i32
      %get3A_812 = tpu.memref_slice %arg7[%add3A_810, %get3A_811] : memref<250x80xi32, #tpu.memory_space<vmem>> -> memref<1x80xi32, #tpu.memory_space<vmem>>
      %get3A_813 = tpu.memref_squeeze %get3A_812 : memref<1x80xi32, #tpu.memory_space<vmem>> -> memref<80xi32, #tpu.memory_space<vmem>>
      %get3A_814 = arith.constant 0 : index
      %get3A_815 = tpu.vector_load %get3A_813[%get3A_814] {strides = array<i32>} : memref<80xi32, #tpu.memory_space<vmem>>, vector<16xi32>,
      %add3A_816 = arith.addi %get3A_815, %get3A_815 : vector<16xi32>
      %add3A_817 = arith.addi %add3A_816, %broadcast_in_dim3A_29 : vector<16xi32>
      %swap3A_818 = arith.constant 0 : i32
      %swap3A_819 = tpu.memref_slice %arg7[%add3A_810, %swap3A_818] : memref<250x80xi32, #tpu.memory_space<vmem>> -> memref<1x80xi32, #tpu.memory_space<vmem>>
      %swap3A_820 = tpu.memref_squeeze %swap3A_819 : memref<1x80xi32, #tpu.memory_space<vmem>> -> memref<80xi32, #tpu.memory_space<vmem>>
      %swap3A_821 = arith.constant 0 : index
      %swap3A_822 = tpu.vector_load %swap3A_820[%swap3A_821] {strides = array<i32>} : memref<80xi32, #tpu.memory_space<vmem>>, vector<16xi32>,
      tpu.vector_store %swap3A_820[%swap3A_821], %add3A_817 {strides = array<i32>} : memref<80xi32, #tpu.memory_space<vmem>>, vector<16xi32>,
      %get3A_823 = arith.constant 0 : i32
      %get3A_824 = tpu.memref_slice %arg7[%add3A_810, %get3A_823] : memref<250x80xi32, #tpu.memory_space<vmem>> -> memref<1x80xi32, #tpu.memory_space<vmem>>
      %get3A_825 = tpu.memref_squeeze %get3A_824 : memref<1x80xi32, #tpu.memory_space<vmem>> -> memref<80xi32, #tpu.memory_space<vmem>>
      %get3A_826 = arith.constant 16 : index
      %get3A_827 = tpu.vector_load %get3A_825[%get3A_826] {strides = array<i32>} : memref<80xi32, #tpu.memory_space<vmem>>, vector<16xi32>,
      %add3A_828 = arith.addi %get3A_827, %get3A_827 : vector<16xi32>
      %add3A_829 = arith.addi %add3A_828, %broadcast_in_dim3A_29 : vector<16xi32>
      %swap3A_830 = arith.constant 0 : i32
      %swap3A_831 = tpu.memref_slice %arg7[%add3A_810, %swap3A_830] : memref<250x80xi32, #tpu.memory_space<vmem>> -> memref<1x80xi32, #tpu.memory_space<vmem>>
      %swap3A_832 = tpu.memref_squeeze %swap3A_831 : memref<1x80xi32, #tpu.memory_space<vmem>> -> memref<80xi32, #tpu.memory_space<vmem>>
      %swap3A_833 = arith.constant 16 : index
      %swap3A_834 = tpu.vector_load %swap3A_832[%swap3A_833] {strides = array<i32>} : memref<80xi32, #tpu.memory_space<vmem>>, vector<16xi32>,
      tpu.vector_store %swap3A_832[%swap3A_833], %add3A_829 {strides = array<i32>} : memref<80xi32, #tpu.memory_space<vmem>>, vector<16xi32>,
      %get3A_835 = arith.constant 0 : i32
      %get3A_836 = tpu.memref_slice %arg7[%add3A_810, %get3A_835] : memref<250x80xi32, #tpu.memory_space<vmem>> -> memref<1x80xi32, #tpu.memory_space<vmem>>
      %get3A_837 = tpu.memref_squeeze %get3A_836 : memref<1x80xi32, #tpu.memory_space<vmem>> -> memref<80xi32, #tpu.memory_space<vmem>>
      %get3A_838 = arith.constant 32 : index
      %get3A_839 = tpu.vector_load %get3A_837[%get3A_838] {strides = array<i32>} : memref<80xi32, #tpu.memory_space<vmem>>, vector<16xi32>,
      %add3A_840 = arith.addi %get3A_839, %get3A_839 : vector<16xi32>
      %add3A_841 = arith.addi %add3A_840, %broadcast_in_dim3A_29 : vector<16xi32>
      %swap3A_842 = arith.constant 0 : i32
      %swap3A_843 = tpu.memref_slice %arg7[%add3A_810, %swap3A_842] : memref<250x80xi32, #tpu.memory_space<vmem>> -> memref<1x80xi32, #tpu.memory_space<vmem>>
      %swap3A_844 = tpu.memref_squeeze %swap3A_843 : memref<1x80xi32, #tpu.memory_space<vmem>> -> memref<80xi32, #tpu.memory_space<vmem>>
      %swap3A_845 = arith.constant 32 : index
      %swap3A_846 = tpu.vector_load %swap3A_844[%swap3A_845] {strides = array<i32>} : memref<80xi32, #tpu.memory_space<vmem>>, vector<16xi32>,
      tpu.vector_store %swap3A_844[%swap3A_845], %add3A_841 {strides = array<i32>} : memref<80xi32, #tpu.memory_space<vmem>>, vector<16xi32>,
      %get3A_847 = arith.constant 0 : i32
      %get3A_848 = tpu.memref_slice %arg7[%add3A_810, %get3A_847] : memref<250x80xi32, #tpu.memory_space<vmem>> -> memref<1x80xi32, #tpu.memory_space<vmem>>
      %get3A_849 = tpu.memref_squeeze %get3A_848 : memref<1x80xi32, #tpu.memory_space<vmem>> -> memref<80xi32, #tpu.memory_space<vmem>>
      %get3A_850 = arith.constant 48 : index
      %get3A_851 = tpu.vector_load %get3A_849[%get3A_850] {strides = array<i32>} : memref<80xi32, #tpu.memory_space<vmem>>, vector<16xi32>,
      %add3A_852 = arith.addi %get3A_851, %get3A_851 : vector<16xi32>
      %add3A_853 = arith.addi %add3A_852, %broadcast_in_dim3A_29 : vector<16xi32>
      %swap3A_854 = arith.constant 0 : i32
      %swap3A_855 = tpu.memref_slice %arg7[%add3A_810, %swap3A_854] : memref<250x80xi32, #tpu.memory_space<vmem>> -> memref<1x80xi32, #tpu.memory_space<vmem>>
      %swap3A_856 = tpu.memref_squeeze %swap3A_855 : memref<1x80xi32, #tpu.memory_space<vmem>> -> memref<80xi32, #tpu.memory_space<vmem>>
      %swap3A_857 = arith.constant 48 : index
      %swap3A_858 = tpu.vector_load %swap3A_856[%swap3A_857] {strides = array<i32>} : memref<80xi32, #tpu.memory_space<vmem>>, vector<16xi32>,
      tpu.vector_store %swap3A_856[%swap3A_857], %add3A_853 {strides = array<i32>} : memref<80xi32, #tpu.memory_space<vmem>>, vector<16xi32>,
      %get3A_859 = arith.constant 0 : i32
      %get3A_860 = tpu.memref_slice %arg7[%add3A_810, %get3A_859] : memref<250x80xi32, #tpu.memory_space<vmem>> -> memref<1x80xi32, #tpu.memory_space<vmem>>
      %get3A_861 = tpu.memref_squeeze %get3A_860 : memref<1x80xi32, #tpu.memory_space<vmem>> -> memref<80xi32, #tpu.memory_space<vmem>>
      %get3A_862 = arith.constant 64 : index
      %get3A_863 = tpu.vector_load %get3A_861[%get3A_862] {strides = array<i32>} : memref<80xi32, #tpu.memory_space<vmem>>, vector<16xi32>,
      %add3A_864 = arith.addi %get3A_863, %get3A_863 : vector<16xi32>
      %add3A_865 = arith.addi %add3A_864, %broadcast_in_dim3A_29 : vector<16xi32>
      %swap3A_866 = arith.constant 0 : i32
      %swap3A_867 = tpu.memref_slice %arg7[%add3A_810, %swap3A_866] : memref<250x80xi32, #tpu.memory_space<vmem>> -> memref<1x80xi32, #tpu.memory_space<vmem>>
      %swap3A_868 = tpu.memref_squeeze %swap3A_867 : memref<1x80xi32, #tpu.memory_space<vmem>> -> memref<80xi32, #tpu.memory_space<vmem>>
      %swap3A_869 = arith.constant 64 : index
      %swap3A_870 = tpu.vector_load %swap3A_868[%swap3A_869] {strides = array<i32>} : memref<80xi32, #tpu.memory_space<vmem>>, vector<16xi32>,
      tpu.vector_store %swap3A_868[%swap3A_869], %add3A_865 {strides = array<i32>} : memref<80xi32, #tpu.memory_space<vmem>>, vector<16xi32>,
      %dma_start3A_871 = arith.constant 2 : i32
      %dma_start3A_872 = arith.constant 0 : i32
      %dma_start3A_873 = arith.constant 0 : i32
      %dma_start3A_874 = tpu.memref_slice %arg10[%dma_start3A_871, %dma_start3A_872, %dma_start3A_873] : memref<3x80x64xf32, #tpu.memory_space<vmem>> -> memref<1x80x64xf32, #tpu.memory_space<vmem>>
      %dma_start3A_875 = tpu.memref_squeeze %dma_start3A_874 : memref<1x80x64xf32, #tpu.memory_space<vmem>> -> memref<80x64xf32, #tpu.memory_space<vmem>>
      %dma_start3A_876 = arith.constant 0 : i32
      %dma_start3A_877 = tpu.memref_slice %arg7[%add3A_810, %dma_start3A_876] : memref<250x80xi32, #tpu.memory_space<vmem>> -> memref<1x80xi32, #tpu.memory_space<vmem>>
      %dma_start3A_878 = tpu.memref_squeeze %dma_start3A_877 : memref<1x80xi32, #tpu.memory_space<vmem>> -> memref<80xi32, #tpu.memory_space<vmem>>
      %dma_start3A_879 = arith.constant 0 : i32
      %dma_start3A_880 = arith.constant 0 : i32
      %dma_start3A_881 = tpu.memref_slice %arg2[%dma_start3A_879, %dma_start3A_880] : memref<20000x64xf32, #tpu.memory_space<hbm>> -> memref<20000x64xf32, #tpu.memory_space<hbm>>
      tpu.enqueue_indirect_dma source(%dma_start3A_881 : memref<20000x64xf32, #tpu.memory_space<hbm>>) target(%dma_start3A_875 : memref<80x64xf32, #tpu.memory_space<vmem>>) offsets(%dma_start3A_878 : memref<80xi32, #tpu.memory_space<vmem>>) semaphore(%arg14 : memref<!tpu.dma_semaphore, #tpu.memory_space<semaphore_mem>>)
    }
    %scan3A_305 = arith.constant 82 : i32
    %dma_wait3A_306 = arith.constant 247 : i32
    %dma_wait3A_307 = arith.constant 1 : i32
    %dma_wait3A_308 = arith.constant 0 : i32
    %dma_wait3A_309 = arith.constant 0 : i32
    %dma_wait3A_310 = tpu.memref_slice %arg10[%dma_wait3A_307, %dma_wait3A_308, %dma_wait3A_309] : memref<3x80x64xf32, #tpu.memory_space<vmem>> -> memref<1x80x64xf32, #tpu.memory_space<vmem>>
    %dma_wait3A_311 = tpu.memref_squeeze %dma_wait3A_310 : memref<1x80x64xf32, #tpu.memory_space<vmem>> -> memref<80x64xf32, #tpu.memory_space<vmem>>
    %dma_wait3A_312 = arith.constant 0 : i32
    %dma_wait3A_313 = tpu.memref_slice %arg7[%dma_wait3A_306, %dma_wait3A_312] : memref<250x80xi32, #tpu.memory_space<vmem>> -> memref<1x80xi32, #tpu.memory_space<vmem>>
    %dma_wait3A_314 = tpu.memref_squeeze %dma_wait3A_313 : memref<1x80xi32, #tpu.memory_space<vmem>> -> memref<80xi32, #tpu.memory_space<vmem>>
    %dma_wait3A_315 = arith.constant 0 : i32
    %dma_wait3A_316 = arith.constant 0 : i32
    %dma_wait3A_317 = tpu.memref_slice %arg2[%dma_wait3A_315, %dma_wait3A_316] : memref<20000x64xf32, #tpu.memory_space<hbm>> -> memref<20000x64xf32, #tpu.memory_space<hbm>>
    tpu.wait_indirect_dma semaphore(%arg13 : memref<!tpu.dma_semaphore, #tpu.memory_space<semaphore_mem>>) src(%dma_wait3A_317 : memref<20000x64xf32, #tpu.memory_space<hbm>>) dst(%dma_wait3A_311 : memref<80x64xf32, #tpu.memory_space<vmem>>)
    %broadcast_in_dim3A_318 = arith.constant 19760 : i32
    %broadcast_in_dim3A_319 = vector.broadcast %broadcast_in_dim3A_318 : i32 to vector<16xi32>
    %parallel_loop3A_320 = arith.constant 0 : i32
    %parallel_loop3A_321 = arith.constant 80 : i32
    %parallel_loop3A_322 = arith.constant 1 : i32
    %parallel_loop3A_323 = arith.constant 1 : i32
    scf.for %parallel_loop3A_529 = %parallel_loop3A_320 to %parallel_loop3A_321 step %parallel_loop3A_322  : i32 {
      %parallel_loop3A_530 = vector.broadcast %parallel_loop3A_529 : i32 to vector<16xi32>
      %parallel_loop3A_531 = arith.addi %broadcast_in_dim3A_319, %parallel_loop3A_530 : vector<16xi32>
      %parallel_loop3A_532 = tpu.vector_load_idx %arg9[%parallel_loop3A_531] : memref<20000xf32, #tpu.memory_space<vmem>>[vector<16xi32>], vector<16xf32>,
      %parallel_loop3A_533 = arith.constant 0 : i32
      %parallel_loop3A_534 = arith.constant 0 : i32
      %parallel_loop3A_535 = tpu.memref_slice %arg10[%parallel_loop3A_323, %parallel_loop3A_533, %parallel_loop3A_534] : memref<3x80x64xf32, #tpu.memory_space<vmem>> -> memref<1x80x64xf32, #tpu.memory_space<vmem>>
      %parallel_loop3A_536 = tpu.memref_squeeze %parallel_loop3A_535 : memref<1x80x64xf32, #tpu.memory_space<vmem>> -> memref<80x64xf32, #tpu.memory_space<vmem>>
      %parallel_loop3A_537 = arith.constant 0 : i32
      %parallel_loop3A_538 = tpu.memref_slice %parallel_loop3A_536[%parallel_loop3A_529, %parallel_loop3A_537] : memref<80x64xf32, #tpu.memory_space<vmem>> -> memref<1x64xf32, #tpu.memory_space<vmem>>
      %parallel_loop3A_539 = tpu.memref_squeeze %parallel_loop3A_538 : memref<1x64xf32, #tpu.memory_space<vmem>> -> memref<64xf32, #tpu.memory_space<vmem>>
      %parallel_loop3A_540 = arith.constant 0 : index
      %parallel_loop3A_541 = tpu.vector_load %parallel_loop3A_539[%parallel_loop3A_540] {strides = array<i32>} : memref<64xf32, #tpu.memory_space<vmem>>, vector<16xf32>,
      %parallel_loop3A_542 = arith.mulf %parallel_loop3A_541, %parallel_loop3A_532 : vector<16xf32>
      %parallel_loop3A_543 = arith.constant 0 : i32
      %parallel_loop3A_544 = arith.constant 0 : i32
      %parallel_loop3A_545 = tpu.memref_slice %arg10[%parallel_loop3A_323, %parallel_loop3A_543, %parallel_loop3A_544] : memref<3x80x64xf32, #tpu.memory_space<vmem>> -> memref<1x80x64xf32, #tpu.memory_space<vmem>>
      %parallel_loop3A_546 = tpu.memref_squeeze %parallel_loop3A_545 : memref<1x80x64xf32, #tpu.memory_space<vmem>> -> memref<80x64xf32, #tpu.memory_space<vmem>>
      %parallel_loop3A_547 = arith.constant 0 : i32
      %parallel_loop3A_548 = tpu.memref_slice %parallel_loop3A_546[%parallel_loop3A_529, %parallel_loop3A_547] : memref<80x64xf32, #tpu.memory_space<vmem>> -> memref<1x64xf32, #tpu.memory_space<vmem>>
      %parallel_loop3A_549 = tpu.memref_squeeze %parallel_loop3A_548 : memref<1x64xf32, #tpu.memory_space<vmem>> -> memref<64xf32, #tpu.memory_space<vmem>>
      %parallel_loop3A_550 = arith.constant 0 : index
      %parallel_loop3A_551 = tpu.vector_load %parallel_loop3A_549[%parallel_loop3A_550] {strides = array<i32>} : memref<64xf32, #tpu.memory_space<vmem>>, vector<16xf32>,
      tpu.vector_store %parallel_loop3A_549[%parallel_loop3A_550], %parallel_loop3A_542 {strides = array<i32>} : memref<64xf32, #tpu.memory_space<vmem>>, vector<16xf32>,
      %parallel_loop3A_552 = arith.constant 0 : i32
      %parallel_loop3A_553 = arith.constant 0 : i32
      %parallel_loop3A_554 = tpu.memref_slice %arg10[%parallel_loop3A_323, %parallel_loop3A_552, %parallel_loop3A_553] : memref<3x80x64xf32, #tpu.memory_space<vmem>> -> memref<1x80x64xf32, #tpu.memory_space<vmem>>
      %parallel_loop3A_555 = tpu.memref_squeeze %parallel_loop3A_554 : memref<1x80x64xf32, #tpu.memory_space<vmem>> -> memref<80x64xf32, #tpu.memory_space<vmem>>
      %parallel_loop3A_556 = arith.constant 0 : i32
      %parallel_loop3A_557 = tpu.memref_slice %parallel_loop3A_555[%parallel_loop3A_529, %parallel_loop3A_556] : memref<80x64xf32, #tpu.memory_space<vmem>> -> memref<1x64xf32, #tpu.memory_space<vmem>>
      %parallel_loop3A_558 = tpu.memref_squeeze %parallel_loop3A_557 : memref<1x64xf32, #tpu.memory_space<vmem>> -> memref<64xf32, #tpu.memory_space<vmem>>
      %parallel_loop3A_559 = arith.constant 16 : index
      %parallel_loop3A_560 = tpu.vector_load %parallel_loop3A_558[%parallel_loop3A_559] {strides = array<i32>} : memref<64xf32, #tpu.memory_space<vmem>>, vector<16xf32>,
      %parallel_loop3A_561 = arith.mulf %parallel_loop3A_560, %parallel_loop3A_532 : vector<16xf32>
      %parallel_loop3A_562 = arith.constant 0 : i32
      %parallel_loop3A_563 = arith.constant 0 : i32
      %parallel_loop3A_564 = tpu.memref_slice %arg10[%parallel_loop3A_323, %parallel_loop3A_562, %parallel_loop3A_563] : memref<3x80x64xf32, #tpu.memory_space<vmem>> -> memref<1x80x64xf32, #tpu.memory_space<vmem>>
      %parallel_loop3A_565 = tpu.memref_squeeze %parallel_loop3A_564 : memref<1x80x64xf32, #tpu.memory_space<vmem>> -> memref<80x64xf32, #tpu.memory_space<vmem>>
      %parallel_loop3A_566 = arith.constant 0 : i32
      %parallel_loop3A_567 = tpu.memref_slice %parallel_loop3A_565[%parallel_loop3A_529, %parallel_loop3A_566] : memref<80x64xf32, #tpu.memory_space<vmem>> -> memref<1x64xf32, #tpu.memory_space<vmem>>
      %parallel_loop3A_568 = tpu.memref_squeeze %parallel_loop3A_567 : memref<1x64xf32, #tpu.memory_space<vmem>> -> memref<64xf32, #tpu.memory_space<vmem>>
      %parallel_loop3A_569 = arith.constant 16 : index
      %parallel_loop3A_570 = tpu.vector_load %parallel_loop3A_568[%parallel_loop3A_569] {strides = array<i32>} : memref<64xf32, #tpu.memory_space<vmem>>, vector<16xf32>,
      tpu.vector_store %parallel_loop3A_568[%parallel_loop3A_569], %parallel_loop3A_561 {strides = array<i32>} : memref<64xf32, #tpu.memory_space<vmem>>, vector<16xf32>,
      %parallel_loop3A_571 = arith.constant 0 : i32
      %parallel_loop3A_572 = arith.constant 0 : i32
      %parallel_loop3A_573 = tpu.memref_slice %arg10[%parallel_loop3A_323, %parallel_loop3A_571, %parallel_loop3A_572] : memref<3x80x64xf32, #tpu.memory_space<vmem>> -> memref<1x80x64xf32, #tpu.memory_space<vmem>>
      %parallel_loop3A_574 = tpu.memref_squeeze %parallel_loop3A_573 : memref<1x80x64xf32, #tpu.memory_space<vmem>> -> memref<80x64xf32, #tpu.memory_space<vmem>>
      %parallel_loop3A_575 = arith.constant 0 : i32
      %parallel_loop3A_576 = tpu.memref_slice %parallel_loop3A_574[%parallel_loop3A_529, %parallel_loop3A_575] : memref<80x64xf32, #tpu.memory_space<vmem>> -> memref<1x64xf32, #tpu.memory_space<vmem>>
      %parallel_loop3A_577 = tpu.memref_squeeze %parallel_loop3A_576 : memref<1x64xf32, #tpu.memory_space<vmem>> -> memref<64xf32, #tpu.memory_space<vmem>>
      %parallel_loop3A_578 = arith.constant 32 : index
      %parallel_loop3A_579 = tpu.vector_load %parallel_loop3A_577[%parallel_loop3A_578] {strides = array<i32>} : memref<64xf32, #tpu.memory_space<vmem>>, vector<16xf32>,
      %parallel_loop3A_580 = arith.mulf %parallel_loop3A_579, %parallel_loop3A_532 : vector<16xf32>
      %parallel_loop3A_581 = arith.constant 0 : i32
      %parallel_loop3A_582 = arith.constant 0 : i32
      %parallel_loop3A_583 = tpu.memref_slice %arg10[%parallel_loop3A_323, %parallel_loop3A_581, %parallel_loop3A_582] : memref<3x80x64xf32, #tpu.memory_space<vmem>> -> memref<1x80x64xf32, #tpu.memory_space<vmem>>
      %parallel_loop3A_584 = tpu.memref_squeeze %parallel_loop3A_583 : memref<1x80x64xf32, #tpu.memory_space<vmem>> -> memref<80x64xf32, #tpu.memory_space<vmem>>
      %parallel_loop3A_585 = arith.constant 0 : i32
      %parallel_loop3A_586 = tpu.memref_slice %parallel_loop3A_584[%parallel_loop3A_529, %parallel_loop3A_585] : memref<80x64xf32, #tpu.memory_space<vmem>> -> memref<1x64xf32, #tpu.memory_space<vmem>>
      %parallel_loop3A_587 = tpu.memref_squeeze %parallel_loop3A_586 : memref<1x64xf32, #tpu.memory_space<vmem>> -> memref<64xf32, #tpu.memory_space<vmem>>
      %parallel_loop3A_588 = arith.constant 32 : index
      %parallel_loop3A_589 = tpu.vector_load %parallel_loop3A_587[%parallel_loop3A_588] {strides = array<i32>} : memref<64xf32, #tpu.memory_space<vmem>>, vector<16xf32>,
      tpu.vector_store %parallel_loop3A_587[%parallel_loop3A_588], %parallel_loop3A_580 {strides = array<i32>} : memref<64xf32, #tpu.memory_space<vmem>>, vector<16xf32>,
      %parallel_loop3A_590 = arith.constant 0 : i32
      %parallel_loop3A_591 = arith.constant 0 : i32
      %parallel_loop3A_592 = tpu.memref_slice %arg10[%parallel_loop3A_323, %parallel_loop3A_590, %parallel_loop3A_591] : memref<3x80x64xf32, #tpu.memory_space<vmem>> -> memref<1x80x64xf32, #tpu.memory_space<vmem>>
      %parallel_loop3A_593 = tpu.memref_squeeze %parallel_loop3A_592 : memref<1x80x64xf32, #tpu.memory_space<vmem>> -> memref<80x64xf32, #tpu.memory_space<vmem>>
      %parallel_loop3A_594 = arith.constant 0 : i32
      %parallel_loop3A_595 = tpu.memref_slice %parallel_loop3A_593[%parallel_loop3A_529, %parallel_loop3A_594] : memref<80x64xf32, #tpu.memory_space<vmem>> -> memref<1x64xf32, #tpu.memory_space<vmem>>
      %parallel_loop3A_596 = tpu.memref_squeeze %parallel_loop3A_595 : memref<1x64xf32, #tpu.memory_space<vmem>> -> memref<64xf32, #tpu.memory_space<vmem>>
      %parallel_loop3A_597 = arith.constant 48 : index
      %parallel_loop3A_598 = tpu.vector_load %parallel_loop3A_596[%parallel_loop3A_597] {strides = array<i32>} : memref<64xf32, #tpu.memory_space<vmem>>, vector<16xf32>,
      %parallel_loop3A_599 = arith.mulf %parallel_loop3A_598, %parallel_loop3A_532 : vector<16xf32>
      %parallel_loop3A_600 = arith.constant 0 : i32
      %parallel_loop3A_601 = arith.constant 0 : i32
      %parallel_loop3A_602 = tpu.memref_slice %arg10[%parallel_loop3A_323, %parallel_loop3A_600, %parallel_loop3A_601] : memref<3x80x64xf32, #tpu.memory_space<vmem>> -> memref<1x80x64xf32, #tpu.memory_space<vmem>>
      %parallel_loop3A_603 = tpu.memref_squeeze %parallel_loop3A_602 : memref<1x80x64xf32, #tpu.memory_space<vmem>> -> memref<80x64xf32, #tpu.memory_space<vmem>>
      %parallel_loop3A_604 = arith.constant 0 : i32
      %parallel_loop3A_605 = tpu.memref_slice %parallel_loop3A_603[%parallel_loop3A_529, %parallel_loop3A_604] : memref<80x64xf32, #tpu.memory_space<vmem>> -> memref<1x64xf32, #tpu.memory_space<vmem>>
      %parallel_loop3A_606 = tpu.memref_squeeze %parallel_loop3A_605 : memref<1x64xf32, #tpu.memory_space<vmem>> -> memref<64xf32, #tpu.memory_space<vmem>>
      %parallel_loop3A_607 = arith.constant 48 : index
      %parallel_loop3A_608 = tpu.vector_load %parallel_loop3A_606[%parallel_loop3A_607] {strides = array<i32>} : memref<64xf32, #tpu.memory_space<vmem>>, vector<16xf32>,
      tpu.vector_store %parallel_loop3A_606[%parallel_loop3A_607], %parallel_loop3A_599 {strides = array<i32>} : memref<64xf32, #tpu.memory_space<vmem>>, vector<16xf32>,
    } {sc.loop_unroll_factor = 4 : i64, sc.parallel_access}
    %dma_start3A_324 = arith.constant 1 : i32
    %dma_start3A_325 = arith.constant 247 : i32
    %dma_start3A_326 = arith.constant 0 : i32
    %dma_start3A_327 = arith.constant 0 : i32
    %dma_start3A_328 = tpu.memref_slice %arg10[%dma_start3A_324, %dma_start3A_326, %dma_start3A_327] : memref<3x80x64xf32, #tpu.memory_space<vmem>> -> memref<1x80x64xf32, #tpu.memory_space<vmem>>
    %dma_start3A_329 = tpu.memref_squeeze %dma_start3A_328 : memref<1x80x64xf32, #tpu.memory_space<vmem>> -> memref<80x64xf32, #tpu.memory_space<vmem>>
    %dma_start3A_330 = arith.constant 0 : i32
    %dma_start3A_331 = tpu.memref_slice %arg8[%dma_start3A_325, %dma_start3A_330] : memref<250x80xi32, #tpu.memory_space<vmem>> -> memref<1x80xi32, #tpu.memory_space<vmem>>
    %dma_start3A_332 = tpu.memref_squeeze %dma_start3A_331 : memref<1x80xi32, #tpu.memory_space<vmem>> -> memref<80xi32, #tpu.memory_space<vmem>>
    %dma_start3A_333 = arith.constant 0 : i32
    %dma_start3A_334 = arith.constant 0 : i32
    %dma_start3A_335 = tpu.memref_slice %arg11[%dma_start3A_333, %dma_start3A_334] : memref<10000x64xf32, #tpu.memory_space<vmem_shared>> -> memref<10000x64xf32, #tpu.memory_space<vmem_shared>>
    tpu.enqueue_indirect_dma source(%dma_start3A_329 : memref<80x64xf32, #tpu.memory_space<vmem>>) target(%dma_start3A_335 : memref<10000x64xf32, #tpu.memory_space<vmem_shared>>) offsets(%dma_start3A_332 : memref<80xi32, #tpu.memory_space<vmem>>) semaphore(%arg16 : memref<!tpu.dma_semaphore, #tpu.memory_space<semaphore_mem>>) {add = true}
    %dma_wait3A_336 = arith.constant 0 : i32
    %dma_wait3A_337 = arith.constant 246 : i32
    %dma_wait3A_338 = arith.constant 0 : i32
    %dma_wait3A_339 = arith.constant 0 : i32
    %dma_wait3A_340 = tpu.memref_slice %arg10[%dma_wait3A_336, %dma_wait3A_338, %dma_wait3A_339] : memref<3x80x64xf32, #tpu.memory_space<vmem>> -> memref<1x80x64xf32, #tpu.memory_space<vmem>>
    %dma_wait3A_341 = tpu.memref_squeeze %dma_wait3A_340 : memref<1x80x64xf32, #tpu.memory_space<vmem>> -> memref<80x64xf32, #tpu.memory_space<vmem>>
    %dma_wait3A_342 = arith.constant 0 : i32
    %dma_wait3A_343 = tpu.memref_slice %arg8[%dma_wait3A_337, %dma_wait3A_342] : memref<250x80xi32, #tpu.memory_space<vmem>> -> memref<1x80xi32, #tpu.memory_space<vmem>>
    %dma_wait3A_344 = tpu.memref_squeeze %dma_wait3A_343 : memref<1x80xi32, #tpu.memory_space<vmem>> -> memref<80xi32, #tpu.memory_space<vmem>>
    %dma_wait3A_345 = arith.constant 0 : i32
    %dma_wait3A_346 = arith.constant 0 : i32
    %dma_wait3A_347 = tpu.memref_slice %arg11[%dma_wait3A_345, %dma_wait3A_346] : memref<10000x64xf32, #tpu.memory_space<vmem_shared>> -> memref<10000x64xf32, #tpu.memory_space<vmem_shared>>
    tpu.wait_indirect_dma semaphore(%arg15 : memref<!tpu.dma_semaphore, #tpu.memory_space<semaphore_mem>>) src(%dma_wait3A_341 : memref<80x64xf32, #tpu.memory_space<vmem>>) dst(%dma_wait3A_347 : memref<10000x64xf32, #tpu.memory_space<vmem_shared>>)
    %get3A_348 = arith.constant 249 : i32
    %get3A_349 = arith.constant 0 : i32
    %get3A_350 = tpu.memref_slice %arg7[%get3A_348, %get3A_349] : memref<250x80xi32, #tpu.memory_space<vmem>> -> memref<1x80xi32, #tpu.memory_space<vmem>>
    %get3A_351 = tpu.memref_squeeze %get3A_350 : memref<1x80xi32, #tpu.memory_space<vmem>> -> memref<80xi32, #tpu.memory_space<vmem>>
    %get3A_352 = arith.constant 0 : index
    %get3A_353 = tpu.vector_load %get3A_351[%get3A_352] {strides = array<i32>} : memref<80xi32, #tpu.memory_space<vmem>>, vector<16xi32>,
    %add3A_354 = arith.addi %get3A_353, %get3A_353 : vector<16xi32>
    %add3A_355 = arith.addi %add3A_354, %broadcast_in_dim3A_29 : vector<16xi32>
    %swap3A_356 = arith.constant 249 : i32
    %swap3A_357 = arith.constant 0 : i32
    %swap3A_358 = tpu.memref_slice %arg7[%swap3A_356, %swap3A_357] : memref<250x80xi32, #tpu.memory_space<vmem>> -> memref<1x80xi32, #tpu.memory_space<vmem>>
    %swap3A_359 = tpu.memref_squeeze %swap3A_358 : memref<1x80xi32, #tpu.memory_space<vmem>> -> memref<80xi32, #tpu.memory_space<vmem>>
    %swap3A_360 = arith.constant 0 : index
    %swap3A_361 = tpu.vector_load %swap3A_359[%swap3A_360] {strides = array<i32>} : memref<80xi32, #tpu.memory_space<vmem>>, vector<16xi32>,
    tpu.vector_store %swap3A_359[%swap3A_360], %add3A_355 {strides = array<i32>} : memref<80xi32, #tpu.memory_space<vmem>>, vector<16xi32>,
    %get3A_362 = arith.constant 249 : i32
    %get3A_363 = arith.constant 0 : i32
    %get3A_364 = tpu.memref_slice %arg7[%get3A_362, %get3A_363] : memref<250x80xi32, #tpu.memory_space<vmem>> -> memref<1x80xi32, #tpu.memory_space<vmem>>
    %get3A_365 = tpu.memref_squeeze %get3A_364 : memref<1x80xi32, #tpu.memory_space<vmem>> -> memref<80xi32, #tpu.memory_space<vmem>>
    %get3A_366 = arith.constant 16 : index
    %get3A_367 = tpu.vector_load %get3A_365[%get3A_366] {strides = array<i32>} : memref<80xi32, #tpu.memory_space<vmem>>, vector<16xi32>,
    %add3A_368 = arith.addi %get3A_367, %get3A_367 : vector<16xi32>
    %add3A_369 = arith.addi %add3A_368, %broadcast_in_dim3A_29 : vector<16xi32>
    %swap3A_370 = arith.constant 249 : i32
    %swap3A_371 = arith.constant 0 : i32
    %swap3A_372 = tpu.memref_slice %arg7[%swap3A_370, %swap3A_371] : memref<250x80xi32, #tpu.memory_space<vmem>> -> memref<1x80xi32, #tpu.memory_space<vmem>>
    %swap3A_373 = tpu.memref_squeeze %swap3A_372 : memref<1x80xi32, #tpu.memory_space<vmem>> -> memref<80xi32, #tpu.memory_space<vmem>>
    %swap3A_374 = arith.constant 16 : index
    %swap3A_375 = tpu.vector_load %swap3A_373[%swap3A_374] {strides = array<i32>} : memref<80xi32, #tpu.memory_space<vmem>>, vector<16xi32>,
    tpu.vector_store %swap3A_373[%swap3A_374], %add3A_369 {strides = array<i32>} : memref<80xi32, #tpu.memory_space<vmem>>, vector<16xi32>,
    %get3A_376 = arith.constant 249 : i32
    %get3A_377 = arith.constant 0 : i32
    %get3A_378 = tpu.memref_slice %arg7[%get3A_376, %get3A_377] : memref<250x80xi32, #tpu.memory_space<vmem>> -> memref<1x80xi32, #tpu.memory_space<vmem>>
    %get3A_379 = tpu.memref_squeeze %get3A_378 : memref<1x80xi32, #tpu.memory_space<vmem>> -> memref<80xi32, #tpu.memory_space<vmem>>
    %get3A_380 = arith.constant 32 : index
    %get3A_381 = tpu.vector_load %get3A_379[%get3A_380] {strides = array<i32>} : memref<80xi32, #tpu.memory_space<vmem>>, vector<16xi32>,
    %add3A_382 = arith.addi %get3A_381, %get3A_381 : vector<16xi32>
    %add3A_383 = arith.addi %add3A_382, %broadcast_in_dim3A_29 : vector<16xi32>
    %swap3A_384 = arith.constant 249 : i32
    %swap3A_385 = arith.constant 0 : i32
    %swap3A_386 = tpu.memref_slice %arg7[%swap3A_384, %swap3A_385] : memref<250x80xi32, #tpu.memory_space<vmem>> -> memref<1x80xi32, #tpu.memory_space<vmem>>
    %swap3A_387 = tpu.memref_squeeze %swap3A_386 : memref<1x80xi32, #tpu.memory_space<vmem>> -> memref<80xi32, #tpu.memory_space<vmem>>
    %swap3A_388 = arith.constant 32 : index
    %swap3A_389 = tpu.vector_load %swap3A_387[%swap3A_388] {strides = array<i32>} : memref<80xi32, #tpu.memory_space<vmem>>, vector<16xi32>,
    tpu.vector_store %swap3A_387[%swap3A_388], %add3A_383 {strides = array<i32>} : memref<80xi32, #tpu.memory_space<vmem>>, vector<16xi32>,
    %get3A_390 = arith.constant 249 : i32
    %get3A_391 = arith.constant 0 : i32
    %get3A_392 = tpu.memref_slice %arg7[%get3A_390, %get3A_391] : memref<250x80xi32, #tpu.memory_space<vmem>> -> memref<1x80xi32, #tpu.memory_space<vmem>>
    %get3A_393 = tpu.memref_squeeze %get3A_392 : memref<1x80xi32, #tpu.memory_space<vmem>> -> memref<80xi32, #tpu.memory_space<vmem>>
    %get3A_394 = arith.constant 48 : index
    %get3A_395 = tpu.vector_load %get3A_393[%get3A_394] {strides = array<i32>} : memref<80xi32, #tpu.memory_space<vmem>>, vector<16xi32>,
    %add3A_396 = arith.addi %get3A_395, %get3A_395 : vector<16xi32>
    %add3A_397 = arith.addi %add3A_396, %broadcast_in_dim3A_29 : vector<16xi32>
    %swap3A_398 = arith.constant 249 : i32
    %swap3A_399 = arith.constant 0 : i32
    %swap3A_400 = tpu.memref_slice %arg7[%swap3A_398, %swap3A_399] : memref<250x80xi32, #tpu.memory_space<vmem>> -> memref<1x80xi32, #tpu.memory_space<vmem>>
    %swap3A_401 = tpu.memref_squeeze %swap3A_400 : memref<1x80xi32, #tpu.memory_space<vmem>> -> memref<80xi32, #tpu.memory_space<vmem>>
    %swap3A_402 = arith.constant 48 : index
    %swap3A_403 = tpu.vector_load %swap3A_401[%swap3A_402] {strides = array<i32>} : memref<80xi32, #tpu.memory_space<vmem>>, vector<16xi32>,
    tpu.vector_store %swap3A_401[%swap3A_402], %add3A_397 {strides = array<i32>} : memref<80xi32, #tpu.memory_space<vmem>>, vector<16xi32>,
    %get3A_404 = arith.constant 249 : i32
    %get3A_405 = arith.constant 0 : i32
    %get3A_406 = tpu.memref_slice %arg7[%get3A_404, %get3A_405] : memref<250x80xi32, #tpu.memory_space<vmem>> -> memref<1x80xi32, #tpu.memory_space<vmem>>
    %get3A_407 = tpu.memref_squeeze %get3A_406 : memref<1x80xi32, #tpu.memory_space<vmem>> -> memref<80xi32, #tpu.memory_space<vmem>>
    %get3A_408 = arith.constant 64 : index
    %get3A_409 = tpu.vector_load %get3A_407[%get3A_408] {strides = array<i32>} : memref<80xi32, #tpu.memory_space<vmem>>, vector<16xi32>,
    %add3A_410 = arith.addi %get3A_409, %get3A_409 : vector<16xi32>
    %add3A_411 = arith.addi %add3A_410, %broadcast_in_dim3A_29 : vector<16xi32>
    %swap3A_412 = arith.constant 249 : i32
    %swap3A_413 = arith.constant 0 : i32
    %swap3A_414 = tpu.memref_slice %arg7[%swap3A_412, %swap3A_413] : memref<250x80xi32, #tpu.memory_space<vmem>> -> memref<1x80xi32, #tpu.memory_space<vmem>>
    %swap3A_415 = tpu.memref_squeeze %swap3A_414 : memref<1x80xi32, #tpu.memory_space<vmem>> -> memref<80xi32, #tpu.memory_space<vmem>>
    %swap3A_416 = arith.constant 64 : index
    %swap3A_417 = tpu.vector_load %swap3A_415[%swap3A_416] {strides = array<i32>} : memref<80xi32, #tpu.memory_space<vmem>>, vector<16xi32>,
    tpu.vector_store %swap3A_415[%swap3A_416], %add3A_411 {strides = array<i32>} : memref<80xi32, #tpu.memory_space<vmem>>, vector<16xi32>,
    %dma_start3A_418 = arith.constant 249 : i32
    %dma_start3A_419 = arith.constant 0 : i32
    %dma_start3A_420 = arith.constant 0 : i32
    %dma_start3A_421 = arith.constant 0 : i32
    %dma_start3A_422 = tpu.memref_slice %arg10[%dma_start3A_419, %dma_start3A_420, %dma_start3A_421] : memref<3x80x64xf32, #tpu.memory_space<vmem>> -> memref<1x80x64xf32, #tpu.memory_space<vmem>>
    %dma_start3A_423 = tpu.memref_squeeze %dma_start3A_422 : memref<1x80x64xf32, #tpu.memory_space<vmem>> -> memref<80x64xf32, #tpu.memory_space<vmem>>
    %dma_start3A_424 = arith.constant 0 : i32
    %dma_start3A_425 = tpu.memref_slice %arg7[%dma_start3A_418, %dma_start3A_424] : memref<250x80xi32, #tpu.memory_space<vmem>> -> memref<1x80xi32, #tpu.memory_space<vmem>>
    %dma_start3A_426 = tpu.memref_squeeze %dma_start3A_425 : memref<1x80xi32, #tpu.memory_space<vmem>> -> memref<80xi32, #tpu.memory_space<vmem>>
    %dma_start3A_427 = arith.constant 0 : i32
    %dma_start3A_428 = arith.constant 0 : i32
    %dma_start3A_429 = tpu.memref_slice %arg2[%dma_start3A_427, %dma_start3A_428] : memref<20000x64xf32, #tpu.memory_space<hbm>> -> memref<20000x64xf32, #tpu.memory_space<hbm>>
    tpu.enqueue_indirect_dma source(%dma_start3A_429 : memref<20000x64xf32, #tpu.memory_space<hbm>>) target(%dma_start3A_423 : memref<80x64xf32, #tpu.memory_space<vmem>>) offsets(%dma_start3A_426 : memref<80xi32, #tpu.memory_space<vmem>>) semaphore(%arg12 : memref<!tpu.dma_semaphore, #tpu.memory_space<semaphore_mem>>)
    %dma_wait3A_430 = arith.constant 248 : i32
    %dma_wait3A_431 = arith.constant 2 : i32
    %dma_wait3A_432 = arith.constant 0 : i32
    %dma_wait3A_433 = arith.constant 0 : i32
    %dma_wait3A_434 = tpu.memref_slice %arg10[%dma_wait3A_431, %dma_wait3A_432, %dma_wait3A_433] : memref<3x80x64xf32, #tpu.memory_space<vmem>> -> memref<1x80x64xf32, #tpu.memory_space<vmem>>
    %dma_wait3A_435 = tpu.memref_squeeze %dma_wait3A_434 : memref<1x80x64xf32, #tpu.memory_space<vmem>> -> memref<80x64xf32, #tpu.memory_space<vmem>>
    %dma_wait3A_436 = arith.constant 0 : i32
    %dma_wait3A_437 = tpu.memref_slice %arg7[%dma_wait3A_430, %dma_wait3A_436] : memref<250x80xi32, #tpu.memory_space<vmem>> -> memref<1x80xi32, #tpu.memory_space<vmem>>
    %dma_wait3A_438 = tpu.memref_squeeze %dma_wait3A_437 : memref<1x80xi32, #tpu.memory_space<vmem>> -> memref<80xi32, #tpu.memory_space<vmem>>
    %dma_wait3A_439 = arith.constant 0 : i32
    %dma_wait3A_440 = arith.constant 0 : i32
    %dma_wait3A_441 = tpu.memref_slice %arg2[%dma_wait3A_439, %dma_wait3A_440] : memref<20000x64xf32, #tpu.memory_space<hbm>> -> memref<20000x64xf32, #tpu.memory_space<hbm>>
    tpu.wait_indirect_dma semaphore(%arg14 : memref<!tpu.dma_semaphore, #tpu.memory_space<semaphore_mem>>) src(%dma_wait3A_441 : memref<20000x64xf32, #tpu.memory_space<hbm>>) dst(%dma_wait3A_435 : memref<80x64xf32, #tpu.memory_space<vmem>>)
    %broadcast_in_dim3A_442 = arith.constant 19840 : i32
    %broadcast_in_dim3A_443 = vector.broadcast %broadcast_in_dim3A_442 : i32 to vector<16xi32>
    %parallel_loop3A_444 = arith.constant 0 : i32
    %parallel_loop3A_445 = arith.constant 80 : i32
    %parallel_loop3A_446 = arith.constant 1 : i32
    %parallel_loop3A_447 = arith.constant 2 : i32
    scf.for %parallel_loop3A_529 = %parallel_loop3A_444 to %parallel_loop3A_445 step %parallel_loop3A_446  : i32 {
      %parallel_loop3A_530 = vector.broadcast %parallel_loop3A_529 : i32 to vector<16xi32>
      %parallel_loop3A_531 = arith.addi %broadcast_in_dim3A_443, %parallel_loop3A_530 : vector<16xi32>
      %parallel_loop3A_532 = tpu.vector_load_idx %arg9[%parallel_loop3A_531] : memref<20000xf32, #tpu.memory_space<vmem>>[vector<16xi32>], vector<16xf32>,
      %parallel_loop3A_533 = arith.constant 0 : i32
      %parallel_loop3A_534 = arith.constant 0 : i32
      %parallel_loop3A_535 = tpu.memref_slice %arg10[%parallel_loop3A_447, %parallel_loop3A_533, %parallel_loop3A_534] : memref<3x80x64xf32, #tpu.memory_space<vmem>> -> memref<1x80x64xf32, #tpu.memory_space<vmem>>
      %parallel_loop3A_536 = tpu.memref_squeeze %parallel_loop3A_535 : memref<1x80x64xf32, #tpu.memory_space<vmem>> -> memref<80x64xf32, #tpu.memory_space<vmem>>
      %parallel_loop3A_537 = arith.constant 0 : i32
      %parallel_loop3A_538 = tpu.memref_slice %parallel_loop3A_536[%parallel_loop3A_529, %parallel_loop3A_537] : memref<80x64xf32, #tpu.memory_space<vmem>> -> memref<1x64xf32, #tpu.memory_space<vmem>>
      %parallel_loop3A_539 = tpu.memref_squeeze %parallel_loop3A_538 : memref<1x64xf32, #tpu.memory_space<vmem>> -> memref<64xf32, #tpu.memory_space<vmem>>
      %parallel_loop3A_540 = arith.constant 0 : index
      %parallel_loop3A_541 = tpu.vector_load %parallel_loop3A_539[%parallel_loop3A_540] {strides = array<i32>} : memref<64xf32, #tpu.memory_space<vmem>>, vector<16xf32>,
      %parallel_loop3A_542 = arith.mulf %parallel_loop3A_541, %parallel_loop3A_532 : vector<16xf32>
      %parallel_loop3A_543 = arith.constant 0 : i32
      %parallel_loop3A_544 = arith.constant 0 : i32
      %parallel_loop3A_545 = tpu.memref_slice %arg10[%parallel_loop3A_447, %parallel_loop3A_543, %parallel_loop3A_544] : memref<3x80x64xf32, #tpu.memory_space<vmem>> -> memref<1x80x64xf32, #tpu.memory_space<vmem>>
      %parallel_loop3A_546 = tpu.memref_squeeze %parallel_loop3A_545 : memref<1x80x64xf32, #tpu.memory_space<vmem>> -> memref<80x64xf32, #tpu.memory_space<vmem>>
      %parallel_loop3A_547 = arith.constant 0 : i32
      %parallel_loop3A_548 = tpu.memref_slice %parallel_loop3A_546[%parallel_loop3A_529, %parallel_loop3A_547] : memref<80x64xf32, #tpu.memory_space<vmem>> -> memref<1x64xf32, #tpu.memory_space<vmem>>
      %parallel_loop3A_549 = tpu.memref_squeeze %parallel_loop3A_548 : memref<1x64xf32, #tpu.memory_space<vmem>> -> memref<64xf32, #tpu.memory_space<vmem>>
      %parallel_loop3A_550 = arith.constant 0 : index
      %parallel_loop3A_551 = tpu.vector_load %parallel_loop3A_549[%parallel_loop3A_550] {strides = array<i32>} : memref<64xf32, #tpu.memory_space<vmem>>, vector<16xf32>,
      tpu.vector_store %parallel_loop3A_549[%parallel_loop3A_550], %parallel_loop3A_542 {strides = array<i32>} : memref<64xf32, #tpu.memory_space<vmem>>, vector<16xf32>,
      %parallel_loop3A_552 = arith.constant 0 : i32
      %parallel_loop3A_553 = arith.constant 0 : i32
      %parallel_loop3A_554 = tpu.memref_slice %arg10[%parallel_loop3A_447, %parallel_loop3A_552, %parallel_loop3A_553] : memref<3x80x64xf32, #tpu.memory_space<vmem>> -> memref<1x80x64xf32, #tpu.memory_space<vmem>>
      %parallel_loop3A_555 = tpu.memref_squeeze %parallel_loop3A_554 : memref<1x80x64xf32, #tpu.memory_space<vmem>> -> memref<80x64xf32, #tpu.memory_space<vmem>>
      %parallel_loop3A_556 = arith.constant 0 : i32
      %parallel_loop3A_557 = tpu.memref_slice %parallel_loop3A_555[%parallel_loop3A_529, %parallel_loop3A_556] : memref<80x64xf32, #tpu.memory_space<vmem>> -> memref<1x64xf32, #tpu.memory_space<vmem>>
      %parallel_loop3A_558 = tpu.memref_squeeze %parallel_loop3A_557 : memref<1x64xf32, #tpu.memory_space<vmem>> -> memref<64xf32, #tpu.memory_space<vmem>>
      %parallel_loop3A_559 = arith.constant 16 : index
      %parallel_loop3A_560 = tpu.vector_load %parallel_loop3A_558[%parallel_loop3A_559] {strides = array<i32>} : memref<64xf32, #tpu.memory_space<vmem>>, vector<16xf32>,
      %parallel_loop3A_561 = arith.mulf %parallel_loop3A_560, %parallel_loop3A_532 : vector<16xf32>
      %parallel_loop3A_562 = arith.constant 0 : i32
      %parallel_loop3A_563 = arith.constant 0 : i32
      %parallel_loop3A_564 = tpu.memref_slice %arg10[%parallel_loop3A_447, %parallel_loop3A_562, %parallel_loop3A_563] : memref<3x80x64xf32, #tpu.memory_space<vmem>> -> memref<1x80x64xf32, #tpu.memory_space<vmem>>
      %parallel_loop3A_565 = tpu.memref_squeeze %parallel_loop3A_564 : memref<1x80x64xf32, #tpu.memory_space<vmem>> -> memref<80x64xf32, #tpu.memory_space<vmem>>
      %parallel_loop3A_566 = arith.constant 0 : i32
      %parallel_loop3A_567 = tpu.memref_slice %parallel_loop3A_565[%parallel_loop3A_529, %parallel_loop3A_566] : memref<80x64xf32, #tpu.memory_space<vmem>> -> memref<1x64xf32, #tpu.memory_space<vmem>>
      %parallel_loop3A_568 = tpu.memref_squeeze %parallel_loop3A_567 : memref<1x64xf32, #tpu.memory_space<vmem>> -> memref<64xf32, #tpu.memory_space<vmem>>
      %parallel_loop3A_569 = arith.constant 16 : index
      %parallel_loop3A_570 = tpu.vector_load %parallel_loop3A_568[%parallel_loop3A_569] {strides = array<i32>} : memref<64xf32, #tpu.memory_space<vmem>>, vector<16xf32>,
      tpu.vector_store %parallel_loop3A_568[%parallel_loop3A_569], %parallel_loop3A_561 {strides = array<i32>} : memref<64xf32, #tpu.memory_space<vmem>>, vector<16xf32>,
      %parallel_loop3A_571 = arith.constant 0 : i32
      %parallel_loop3A_572 = arith.constant 0 : i32
      %parallel_loop3A_573 = tpu.memref_slice %arg10[%parallel_loop3A_447, %parallel_loop3A_571, %parallel_loop3A_572] : memref<3x80x64xf32, #tpu.memory_space<vmem>> -> memref<1x80x64xf32, #tpu.memory_space<vmem>>
      %parallel_loop3A_574 = tpu.memref_squeeze %parallel_loop3A_573 : memref<1x80x64xf32, #tpu.memory_space<vmem>> -> memref<80x64xf32, #tpu.memory_space<vmem>>
      %parallel_loop3A_575 = arith.constant 0 : i32
      %parallel_loop3A_576 = tpu.memref_slice %parallel_loop3A_574[%parallel_loop3A_529, %parallel_loop3A_575] : memref<80x64xf32, #tpu.memory_space<vmem>> -> memref<1x64xf32, #tpu.memory_space<vmem>>
      %parallel_loop3A_577 = tpu.memref_squeeze %parallel_loop3A_576 : memref<1x64xf32, #tpu.memory_space<vmem>> -> memref<64xf32, #tpu.memory_space<vmem>>
      %parallel_loop3A_578 = arith.constant 32 : index
      %parallel_loop3A_579 = tpu.vector_load %parallel_loop3A_577[%parallel_loop3A_578] {strides = array<i32>} : memref<64xf32, #tpu.memory_space<vmem>>, vector<16xf32>,
      %parallel_loop3A_580 = arith.mulf %parallel_loop3A_579, %parallel_loop3A_532 : vector<16xf32>
      %parallel_loop3A_581 = arith.constant 0 : i32
      %parallel_loop3A_582 = arith.constant 0 : i32
      %parallel_loop3A_583 = tpu.memref_slice %arg10[%parallel_loop3A_447, %parallel_loop3A_581, %parallel_loop3A_582] : memref<3x80x64xf32, #tpu.memory_space<vmem>> -> memref<1x80x64xf32, #tpu.memory_space<vmem>>
      %parallel_loop3A_584 = tpu.memref_squeeze %parallel_loop3A_583 : memref<1x80x64xf32, #tpu.memory_space<vmem>> -> memref<80x64xf32, #tpu.memory_space<vmem>>
      %parallel_loop3A_585 = arith.constant 0 : i32
      %parallel_loop3A_586 = tpu.memref_slice %parallel_loop3A_584[%parallel_loop3A_529, %parallel_loop3A_585] : memref<80x64xf32, #tpu.memory_space<vmem>> -> memref<1x64xf32, #tpu.memory_space<vmem>>
      %parallel_loop3A_587 = tpu.memref_squeeze %parallel_loop3A_586 : memref<1x64xf32, #tpu.memory_space<vmem>> -> memref<64xf32, #tpu.memory_space<vmem>>
      %parallel_loop3A_588 = arith.constant 32 : index
      %parallel_loop3A_589 = tpu.vector_load %parallel_loop3A_587[%parallel_loop3A_588] {strides = array<i32>} : memref<64xf32, #tpu.memory_space<vmem>>, vector<16xf32>,
      tpu.vector_store %parallel_loop3A_587[%parallel_loop3A_588], %parallel_loop3A_580 {strides = array<i32>} : memref<64xf32, #tpu.memory_space<vmem>>, vector<16xf32>,
      %parallel_loop3A_590 = arith.constant 0 : i32
      %parallel_loop3A_591 = arith.constant 0 : i32
      %parallel_loop3A_592 = tpu.memref_slice %arg10[%parallel_loop3A_447, %parallel_loop3A_590, %parallel_loop3A_591] : memref<3x80x64xf32, #tpu.memory_space<vmem>> -> memref<1x80x64xf32, #tpu.memory_space<vmem>>
      %parallel_loop3A_593 = tpu.memref_squeeze %parallel_loop3A_592 : memref<1x80x64xf32, #tpu.memory_space<vmem>> -> memref<80x64xf32, #tpu.memory_space<vmem>>
      %parallel_loop3A_594 = arith.constant 0 : i32
      %parallel_loop3A_595 = tpu.memref_slice %parallel_loop3A_593[%parallel_loop3A_529, %parallel_loop3A_594] : memref<80x64xf32, #tpu.memory_space<vmem>> -> memref<1x64xf32, #tpu.memory_space<vmem>>
      %parallel_loop3A_596 = tpu.memref_squeeze %parallel_loop3A_595 : memref<1x64xf32, #tpu.memory_space<vmem>> -> memref<64xf32, #tpu.memory_space<vmem>>
      %parallel_loop3A_597 = arith.constant 48 : index
      %parallel_loop3A_598 = tpu.vector_load %parallel_loop3A_596[%parallel_loop3A_597] {strides = array<i32>} : memref<64xf32, #tpu.memory_space<vmem>>, vector<16xf32>,
      %parallel_loop3A_599 = arith.mulf %parallel_loop3A_598, %parallel_loop3A_532 : vector<16xf32>
      %parallel_loop3A_600 = arith.constant 0 : i32
      %parallel_loop3A_601 = arith.constant 0 : i32
      %parallel_loop3A_602 = tpu.memref_slice %arg10[%parallel_loop3A_447, %parallel_loop3A_600, %parallel_loop3A_601] : memref<3x80x64xf32, #tpu.memory_space<vmem>> -> memref<1x80x64xf32, #tpu.memory_space<vmem>>
      %parallel_loop3A_603 = tpu.memref_squeeze %parallel_loop3A_602 : memref<1x80x64xf32, #tpu.memory_space<vmem>> -> memref<80x64xf32, #tpu.memory_space<vmem>>
      %parallel_loop3A_604 = arith.constant 0 : i32
      %parallel_loop3A_605 = tpu.memref_slice %parallel_loop3A_603[%parallel_loop3A_529, %parallel_loop3A_604] : memref<80x64xf32, #tpu.memory_space<vmem>> -> memref<1x64xf32, #tpu.memory_space<vmem>>
      %parallel_loop3A_606 = tpu.memref_squeeze %parallel_loop3A_605 : memref<1x64xf32, #tpu.memory_space<vmem>> -> memref<64xf32, #tpu.memory_space<vmem>>
      %parallel_loop3A_607 = arith.constant 48 : index
      %parallel_loop3A_608 = tpu.vector_load %parallel_loop3A_606[%parallel_loop3A_607] {strides = array<i32>} : memref<64xf32, #tpu.memory_space<vmem>>, vector<16xf32>,
      tpu.vector_store %parallel_loop3A_606[%parallel_loop3A_607], %parallel_loop3A_599 {strides = array<i32>} : memref<64xf32, #tpu.memory_space<vmem>>, vector<16xf32>,
    } {sc.loop_unroll_factor = 4 : i64, sc.parallel_access}
    %dma_start3A_448 = arith.constant 2 : i32
    %dma_start3A_449 = arith.constant 248 : i32
    %dma_start3A_450 = arith.constant 0 : i32
    %dma_start3A_451 = arith.constant 0 : i32
    %dma_start3A_452 = tpu.memref_slice %arg10[%dma_start3A_448, %dma_start3A_450, %dma_start3A_451] : memref<3x80x64xf32, #tpu.memory_space<vmem>> -> memref<1x80x64xf32, #tpu.memory_space<vmem>>
    %dma_start3A_453 = tpu.memref_squeeze %dma_start3A_452 : memref<1x80x64xf32, #tpu.memory_space<vmem>> -> memref<80x64xf32, #tpu.memory_space<vmem>>
    %dma_start3A_454 = arith.constant 0 : i32
    %dma_start3A_455 = tpu.memref_slice %arg8[%dma_start3A_449, %dma_start3A_454] : memref<250x80xi32, #tpu.memory_space<vmem>> -> memref<1x80xi32, #tpu.memory_space<vmem>>
    %dma_start3A_456 = tpu.memref_squeeze %dma_start3A_455 : memref<1x80xi32, #tpu.memory_space<vmem>> -> memref<80xi32, #tpu.memory_space<vmem>>
    %dma_start3A_457 = arith.constant 0 : i32
    %dma_start3A_458 = arith.constant 0 : i32
    %dma_start3A_459 = tpu.memref_slice %arg11[%dma_start3A_457, %dma_start3A_458] : memref<10000x64xf32, #tpu.memory_space<vmem_shared>> -> memref<10000x64xf32, #tpu.memory_space<vmem_shared>>
    tpu.enqueue_indirect_dma source(%dma_start3A_453 : memref<80x64xf32, #tpu.memory_space<vmem>>) target(%dma_start3A_459 : memref<10000x64xf32, #tpu.memory_space<vmem_shared>>) offsets(%dma_start3A_456 : memref<80xi32, #tpu.memory_space<vmem>>) semaphore(%arg17 : memref<!tpu.dma_semaphore, #tpu.memory_space<semaphore_mem>>) {add = true}
    %dma_wait3A_460 = arith.constant 1 : i32
    %dma_wait3A_461 = arith.constant 247 : i32
    %dma_wait3A_462 = arith.constant 0 : i32
    %dma_wait3A_463 = arith.constant 0 : i32
    %dma_wait3A_464 = tpu.memref_slice %arg10[%dma_wait3A_460, %dma_wait3A_462, %dma_wait3A_463] : memref<3x80x64xf32, #tpu.memory_space<vmem>> -> memref<1x80x64xf32, #tpu.memory_space<vmem>>
    %dma_wait3A_465 = tpu.memref_squeeze %dma_wait3A_464 : memref<1x80x64xf32, #tpu.memory_space<vmem>> -> memref<80x64xf32, #tpu.memory_space<vmem>>
    %dma_wait3A_466 = arith.constant 0 : i32
    %dma_wait3A_467 = tpu.memref_slice %arg8[%dma_wait3A_461, %dma_wait3A_466] : memref<250x80xi32, #tpu.memory_space<vmem>> -> memref<1x80xi32, #tpu.memory_space<vmem>>
    %dma_wait3A_468 = tpu.memref_squeeze %dma_wait3A_467 : memref<1x80xi32, #tpu.memory_space<vmem>> -> memref<80xi32, #tpu.memory_space<vmem>>
    %dma_wait3A_469 = arith.constant 0 : i32
    %dma_wait3A_470 = arith.constant 0 : i32
    %dma_wait3A_471 = tpu.memref_slice %arg11[%dma_wait3A_469, %dma_wait3A_470] : memref<10000x64xf32, #tpu.memory_space<vmem_shared>> -> memref<10000x64xf32, #tpu.memory_space<vmem_shared>>
    tpu.wait_indirect_dma semaphore(%arg16 : memref<!tpu.dma_semaphore, #tpu.memory_space<semaphore_mem>>) src(%dma_wait3A_465 : memref<80x64xf32, #tpu.memory_space<vmem>>) dst(%dma_wait3A_471 : memref<10000x64xf32, #tpu.memory_space<vmem_shared>>)
    %dma_wait3A_472 = arith.constant 249 : i32
    %dma_wait3A_473 = arith.constant 0 : i32
    %dma_wait3A_474 = arith.constant 0 : i32
    %dma_wait3A_475 = arith.constant 0 : i32
    %dma_wait3A_476 = tpu.memref_slice %arg10[%dma_wait3A_473, %dma_wait3A_474, %dma_wait3A_475] : memref<3x80x64xf32, #tpu.memory_space<vmem>> -> memref<1x80x64xf32, #tpu.memory_space<vmem>>
    %dma_wait3A_477 = tpu.memref_squeeze %dma_wait3A_476 : memref<1x80x64xf32, #tpu.memory_space<vmem>> -> memref<80x64xf32, #tpu.memory_space<vmem>>
    %dma_wait3A_478 = arith.constant 0 : i32
    %dma_wait3A_479 = tpu.memref_slice %arg7[%dma_wait3A_472, %dma_wait3A_478] : memref<250x80xi32, #tpu.memory_space<vmem>> -> memref<1x80xi32, #tpu.memory_space<vmem>>
    %dma_wait3A_480 = tpu.memref_squeeze %dma_wait3A_479 : memref<1x80xi32, #tpu.memory_space<vmem>> -> memref<80xi32, #tpu.memory_space<vmem>>
    %dma_wait3A_481 = arith.constant 0 : i32
    %dma_wait3A_482 = arith.constant 0 : i32
    %dma_wait3A_483 = tpu.memref_slice %arg2[%dma_wait3A_481, %dma_wait3A_482] : memref<20000x64xf32, #tpu.memory_space<hbm>> -> memref<20000x64xf32, #tpu.memory_space<hbm>>
    tpu.wait_indirect_dma semaphore(%arg12 : memref<!tpu.dma_semaphore, #tpu.memory_space<semaphore_mem>>) src(%dma_wait3A_483 : memref<20000x64xf32, #tpu.memory_space<hbm>>) dst(%dma_wait3A_477 : memref<80x64xf32, #tpu.memory_space<vmem>>)
    %broadcast_in_dim3A_484 = arith.constant 19920 : i32
    %broadcast_in_dim3A_485 = vector.broadcast %broadcast_in_dim3A_484 : i32 to vector<16xi32>
    %parallel_loop3A_486 = arith.constant 0 : i32
    %parallel_loop3A_487 = arith.constant 80 : i32
    %parallel_loop3A_488 = arith.constant 1 : i32
    %parallel_loop3A_489 = arith.constant 0 : i32
    scf.for %parallel_loop3A_529 = %parallel_loop3A_486 to %parallel_loop3A_487 step %parallel_loop3A_488  : i32 {
      %parallel_loop3A_530 = vector.broadcast %parallel_loop3A_529 : i32 to vector<16xi32>
      %parallel_loop3A_531 = arith.addi %broadcast_in_dim3A_485, %parallel_loop3A_530 : vector<16xi32>
      %parallel_loop3A_532 = tpu.vector_load_idx %arg9[%parallel_loop3A_531] : memref<20000xf32, #tpu.memory_space<vmem>>[vector<16xi32>], vector<16xf32>,
      %parallel_loop3A_533 = arith.constant 0 : i32
      %parallel_loop3A_534 = arith.constant 0 : i32
      %parallel_loop3A_535 = tpu.memref_slice %arg10[%parallel_loop3A_489, %parallel_loop3A_533, %parallel_loop3A_534] : memref<3x80x64xf32, #tpu.memory_space<vmem>> -> memref<1x80x64xf32, #tpu.memory_space<vmem>>
      %parallel_loop3A_536 = tpu.memref_squeeze %parallel_loop3A_535 : memref<1x80x64xf32, #tpu.memory_space<vmem>> -> memref<80x64xf32, #tpu.memory_space<vmem>>
      %parallel_loop3A_537 = arith.constant 0 : i32
      %parallel_loop3A_538 = tpu.memref_slice %parallel_loop3A_536[%parallel_loop3A_529, %parallel_loop3A_537] : memref<80x64xf32, #tpu.memory_space<vmem>> -> memref<1x64xf32, #tpu.memory_space<vmem>>
      %parallel_loop3A_539 = tpu.memref_squeeze %parallel_loop3A_538 : memref<1x64xf32, #tpu.memory_space<vmem>> -> memref<64xf32, #tpu.memory_space<vmem>>
      %parallel_loop3A_540 = arith.constant 0 : index
      %parallel_loop3A_541 = tpu.vector_load %parallel_loop3A_539[%parallel_loop3A_540] {strides = array<i32>} : memref<64xf32, #tpu.memory_space<vmem>>, vector<16xf32>,
      %parallel_loop3A_542 = arith.mulf %parallel_loop3A_541, %parallel_loop3A_532 : vector<16xf32>
      %parallel_loop3A_543 = arith.constant 0 : i32
      %parallel_loop3A_544 = arith.constant 0 : i32
      %parallel_loop3A_545 = tpu.memref_slice %arg10[%parallel_loop3A_489, %parallel_loop3A_543, %parallel_loop3A_544] : memref<3x80x64xf32, #tpu.memory_space<vmem>> -> memref<1x80x64xf32, #tpu.memory_space<vmem>>
      %parallel_loop3A_546 = tpu.memref_squeeze %parallel_loop3A_545 : memref<1x80x64xf32, #tpu.memory_space<vmem>> -> memref<80x64xf32, #tpu.memory_space<vmem>>
      %parallel_loop3A_547 = arith.constant 0 : i32
      %parallel_loop3A_548 = tpu.memref_slice %parallel_loop3A_546[%parallel_loop3A_529, %parallel_loop3A_547] : memref<80x64xf32, #tpu.memory_space<vmem>> -> memref<1x64xf32, #tpu.memory_space<vmem>>
      %parallel_loop3A_549 = tpu.memref_squeeze %parallel_loop3A_548 : memref<1x64xf32, #tpu.memory_space<vmem>> -> memref<64xf32, #tpu.memory_space<vmem>>
      %parallel_loop3A_550 = arith.constant 0 : index
      %parallel_loop3A_551 = tpu.vector_load %parallel_loop3A_549[%parallel_loop3A_550] {strides = array<i32>} : memref<64xf32, #tpu.memory_space<vmem>>, vector<16xf32>,
      tpu.vector_store %parallel_loop3A_549[%parallel_loop3A_550], %parallel_loop3A_542 {strides = array<i32>} : memref<64xf32, #tpu.memory_space<vmem>>, vector<16xf32>,
      %parallel_loop3A_552 = arith.constant 0 : i32
      %parallel_loop3A_553 = arith.constant 0 : i32
      %parallel_loop3A_554 = tpu.memref_slice %arg10[%parallel_loop3A_489, %parallel_loop3A_552, %parallel_loop3A_553] : memref<3x80x64xf32, #tpu.memory_space<vmem>> -> memref<1x80x64xf32, #tpu.memory_space<vmem>>
      %parallel_loop3A_555 = tpu.memref_squeeze %parallel_loop3A_554 : memref<1x80x64xf32, #tpu.memory_space<vmem>> -> memref<80x64xf32, #tpu.memory_space<vmem>>
      %parallel_loop3A_556 = arith.constant 0 : i32
      %parallel_loop3A_557 = tpu.memref_slice %parallel_loop3A_555[%parallel_loop3A_529, %parallel_loop3A_556] : memref<80x64xf32, #tpu.memory_space<vmem>> -> memref<1x64xf32, #tpu.memory_space<vmem>>
      %parallel_loop3A_558 = tpu.memref_squeeze %parallel_loop3A_557 : memref<1x64xf32, #tpu.memory_space<vmem>> -> memref<64xf32, #tpu.memory_space<vmem>>
      %parallel_loop3A_559 = arith.constant 16 : index
      %parallel_loop3A_560 = tpu.vector_load %parallel_loop3A_558[%parallel_loop3A_559] {strides = array<i32>} : memref<64xf32, #tpu.memory_space<vmem>>, vector<16xf32>,
      %parallel_loop3A_561 = arith.mulf %parallel_loop3A_560, %parallel_loop3A_532 : vector<16xf32>
      %parallel_loop3A_562 = arith.constant 0 : i32
      %parallel_loop3A_563 = arith.constant 0 : i32
      %parallel_loop3A_564 = tpu.memref_slice %arg10[%parallel_loop3A_489, %parallel_loop3A_562, %parallel_loop3A_563] : memref<3x80x64xf32, #tpu.memory_space<vmem>> -> memref<1x80x64xf32, #tpu.memory_space<vmem>>
      %parallel_loop3A_565 = tpu.memref_squeeze %parallel_loop3A_564 : memref<1x80x64xf32, #tpu.memory_space<vmem>> -> memref<80x64xf32, #tpu.memory_space<vmem>>
      %parallel_loop3A_566 = arith.constant 0 : i32
      %parallel_loop3A_567 = tpu.memref_slice %parallel_loop3A_565[%parallel_loop3A_529, %parallel_loop3A_566] : memref<80x64xf32, #tpu.memory_space<vmem>> -> memref<1x64xf32, #tpu.memory_space<vmem>>
      %parallel_loop3A_568 = tpu.memref_squeeze %parallel_loop3A_567 : memref<1x64xf32, #tpu.memory_space<vmem>> -> memref<64xf32, #tpu.memory_space<vmem>>
      %parallel_loop3A_569 = arith.constant 16 : index
      %parallel_loop3A_570 = tpu.vector_load %parallel_loop3A_568[%parallel_loop3A_569] {strides = array<i32>} : memref<64xf32, #tpu.memory_space<vmem>>, vector<16xf32>,
      tpu.vector_store %parallel_loop3A_568[%parallel_loop3A_569], %parallel_loop3A_561 {strides = array<i32>} : memref<64xf32, #tpu.memory_space<vmem>>, vector<16xf32>,
      %parallel_loop3A_571 = arith.constant 0 : i32
      %parallel_loop3A_572 = arith.constant 0 : i32
      %parallel_loop3A_573 = tpu.memref_slice %arg10[%parallel_loop3A_489, %parallel_loop3A_571, %parallel_loop3A_572] : memref<3x80x64xf32, #tpu.memory_space<vmem>> -> memref<1x80x64xf32, #tpu.memory_space<vmem>>
      %parallel_loop3A_574 = tpu.memref_squeeze %parallel_loop3A_573 : memref<1x80x64xf32, #tpu.memory_space<vmem>> -> memref<80x64xf32, #tpu.memory_space<vmem>>
      %parallel_loop3A_575 = arith.constant 0 : i32
      %parallel_loop3A_576 = tpu.memref_slice %parallel_loop3A_574[%parallel_loop3A_529, %parallel_loop3A_575] : memref<80x64xf32, #tpu.memory_space<vmem>> -> memref<1x64xf32, #tpu.memory_space<vmem>>
      %parallel_loop3A_577 = tpu.memref_squeeze %parallel_loop3A_576 : memref<1x64xf32, #tpu.memory_space<vmem>> -> memref<64xf32, #tpu.memory_space<vmem>>
      %parallel_loop3A_578 = arith.constant 32 : index
      %parallel_loop3A_579 = tpu.vector_load %parallel_loop3A_577[%parallel_loop3A_578] {strides = array<i32>} : memref<64xf32, #tpu.memory_space<vmem>>, vector<16xf32>,
      %parallel_loop3A_580 = arith.mulf %parallel_loop3A_579, %parallel_loop3A_532 : vector<16xf32>
      %parallel_loop3A_581 = arith.constant 0 : i32
      %parallel_loop3A_582 = arith.constant 0 : i32
      %parallel_loop3A_583 = tpu.memref_slice %arg10[%parallel_loop3A_489, %parallel_loop3A_581, %parallel_loop3A_582] : memref<3x80x64xf32, #tpu.memory_space<vmem>> -> memref<1x80x64xf32, #tpu.memory_space<vmem>>
      %parallel_loop3A_584 = tpu.memref_squeeze %parallel_loop3A_583 : memref<1x80x64xf32, #tpu.memory_space<vmem>> -> memref<80x64xf32, #tpu.memory_space<vmem>>
      %parallel_loop3A_585 = arith.constant 0 : i32
      %parallel_loop3A_586 = tpu.memref_slice %parallel_loop3A_584[%parallel_loop3A_529, %parallel_loop3A_585] : memref<80x64xf32, #tpu.memory_space<vmem>> -> memref<1x64xf32, #tpu.memory_space<vmem>>
      %parallel_loop3A_587 = tpu.memref_squeeze %parallel_loop3A_586 : memref<1x64xf32, #tpu.memory_space<vmem>> -> memref<64xf32, #tpu.memory_space<vmem>>
      %parallel_loop3A_588 = arith.constant 32 : index
      %parallel_loop3A_589 = tpu.vector_load %parallel_loop3A_587[%parallel_loop3A_588] {strides = array<i32>} : memref<64xf32, #tpu.memory_space<vmem>>, vector<16xf32>,
      tpu.vector_store %parallel_loop3A_587[%parallel_loop3A_588], %parallel_loop3A_580 {strides = array<i32>} : memref<64xf32, #tpu.memory_space<vmem>>, vector<16xf32>,
      %parallel_loop3A_590 = arith.constant 0 : i32
      %parallel_loop3A_591 = arith.constant 0 : i32
      %parallel_loop3A_592 = tpu.memref_slice %arg10[%parallel_loop3A_489, %parallel_loop3A_590, %parallel_loop3A_591] : memref<3x80x64xf32, #tpu.memory_space<vmem>> -> memref<1x80x64xf32, #tpu.memory_space<vmem>>
      %parallel_loop3A_593 = tpu.memref_squeeze %parallel_loop3A_592 : memref<1x80x64xf32, #tpu.memory_space<vmem>> -> memref<80x64xf32, #tpu.memory_space<vmem>>
      %parallel_loop3A_594 = arith.constant 0 : i32
      %parallel_loop3A_595 = tpu.memref_slice %parallel_loop3A_593[%parallel_loop3A_529, %parallel_loop3A_594] : memref<80x64xf32, #tpu.memory_space<vmem>> -> memref<1x64xf32, #tpu.memory_space<vmem>>
      %parallel_loop3A_596 = tpu.memref_squeeze %parallel_loop3A_595 : memref<1x64xf32, #tpu.memory_space<vmem>> -> memref<64xf32, #tpu.memory_space<vmem>>
      %parallel_loop3A_597 = arith.constant 48 : index
      %parallel_loop3A_598 = tpu.vector_load %parallel_loop3A_596[%parallel_loop3A_597] {strides = array<i32>} : memref<64xf32, #tpu.memory_space<vmem>>, vector<16xf32>,
      %parallel_loop3A_599 = arith.mulf %parallel_loop3A_598, %parallel_loop3A_532 : vector<16xf32>
      %parallel_loop3A_600 = arith.constant 0 : i32
      %parallel_loop3A_601 = arith.constant 0 : i32
      %parallel_loop3A_602 = tpu.memref_slice %arg10[%parallel_loop3A_489, %parallel_loop3A_600, %parallel_loop3A_601] : memref<3x80x64xf32, #tpu.memory_space<vmem>> -> memref<1x80x64xf32, #tpu.memory_space<vmem>>
      %parallel_loop3A_603 = tpu.memref_squeeze %parallel_loop3A_602 : memref<1x80x64xf32, #tpu.memory_space<vmem>> -> memref<80x64xf32, #tpu.memory_space<vmem>>
      %parallel_loop3A_604 = arith.constant 0 : i32
      %parallel_loop3A_605 = tpu.memref_slice %parallel_loop3A_603[%parallel_loop3A_529, %parallel_loop3A_604] : memref<80x64xf32, #tpu.memory_space<vmem>> -> memref<1x64xf32, #tpu.memory_space<vmem>>
      %parallel_loop3A_606 = tpu.memref_squeeze %parallel_loop3A_605 : memref<1x64xf32, #tpu.memory_space<vmem>> -> memref<64xf32, #tpu.memory_space<vmem>>
      %parallel_loop3A_607 = arith.constant 48 : index
      %parallel_loop3A_608 = tpu.vector_load %parallel_loop3A_606[%parallel_loop3A_607] {strides = array<i32>} : memref<64xf32, #tpu.memory_space<vmem>>, vector<16xf32>,
      tpu.vector_store %parallel_loop3A_606[%parallel_loop3A_607], %parallel_loop3A_599 {strides = array<i32>} : memref<64xf32, #tpu.memory_space<vmem>>, vector<16xf32>,
    } {sc.loop_unroll_factor = 4 : i64, sc.parallel_access}
    %dma_start3A_490 = arith.constant 0 : i32
    %dma_start3A_491 = arith.constant 249 : i32
    %dma_start3A_492 = arith.constant 0 : i32
    %dma_start3A_493 = arith.constant 0 : i32
    %dma_start3A_494 = tpu.memref_slice %arg10[%dma_start3A_490, %dma_start3A_492, %dma_start3A_493] : memref<3x80x64xf32, #tpu.memory_space<vmem>> -> memref<1x80x64xf32, #tpu.memory_space<vmem>>
    %dma_start3A_495 = tpu.memref_squeeze %dma_start3A_494 : memref<1x80x64xf32, #tpu.memory_space<vmem>> -> memref<80x64xf32, #tpu.memory_space<vmem>>
    %dma_start3A_496 = arith.constant 0 : i32
    %dma_start3A_497 = tpu.memref_slice %arg8[%dma_start3A_491, %dma_start3A_496] : memref<250x80xi32, #tpu.memory_space<vmem>> -> memref<1x80xi32, #tpu.memory_space<vmem>>
    %dma_start3A_498 = tpu.memref_squeeze %dma_start3A_497 : memref<1x80xi32, #tpu.memory_space<vmem>> -> memref<80xi32, #tpu.memory_space<vmem>>
    %dma_start3A_499 = arith.constant 0 : i32
    %dma_start3A_500 = arith.constant 0 : i32
    %dma_start3A_501 = tpu.memref_slice %arg11[%dma_start3A_499, %dma_start3A_500] : memref<10000x64xf32, #tpu.memory_space<vmem_shared>> -> memref<10000x64xf32, #tpu.memory_space<vmem_shared>>
    tpu.enqueue_indirect_dma source(%dma_start3A_495 : memref<80x64xf32, #tpu.memory_space<vmem>>) target(%dma_start3A_501 : memref<10000x64xf32, #tpu.memory_space<vmem_shared>>) offsets(%dma_start3A_498 : memref<80xi32, #tpu.memory_space<vmem>>) semaphore(%arg15 : memref<!tpu.dma_semaphore, #tpu.memory_space<semaphore_mem>>) {add = true}
    %dma_wait3A_502 = arith.constant 2 : i32
    %dma_wait3A_503 = arith.constant 248 : i32
    %dma_wait3A_504 = arith.constant 0 : i32
    %dma_wait3A_505 = arith.constant 0 : i32
    %dma_wait3A_506 = tpu.memref_slice %arg10[%dma_wait3A_502, %dma_wait3A_504, %dma_wait3A_505] : memref<3x80x64xf32, #tpu.memory_space<vmem>> -> memref<1x80x64xf32, #tpu.memory_space<vmem>>
    %dma_wait3A_507 = tpu.memref_squeeze %dma_wait3A_506 : memref<1x80x64xf32, #tpu.memory_space<vmem>> -> memref<80x64xf32, #tpu.memory_space<vmem>>
    %dma_wait3A_508 = arith.constant 0 : i32
    %dma_wait3A_509 = tpu.memref_slice %arg8[%dma_wait3A_503, %dma_wait3A_508] : memref<250x80xi32, #tpu.memory_space<vmem>> -> memref<1x80xi32, #tpu.memory_space<vmem>>
    %dma_wait3A_510 = tpu.memref_squeeze %dma_wait3A_509 : memref<1x80xi32, #tpu.memory_space<vmem>> -> memref<80xi32, #tpu.memory_space<vmem>>
    %dma_wait3A_511 = arith.constant 0 : i32
    %dma_wait3A_512 = arith.constant 0 : i32
    %dma_wait3A_513 = tpu.memref_slice %arg11[%dma_wait3A_511, %dma_wait3A_512] : memref<10000x64xf32, #tpu.memory_space<vmem_shared>> -> memref<10000x64xf32, #tpu.memory_space<vmem_shared>>
    tpu.wait_indirect_dma semaphore(%arg17 : memref<!tpu.dma_semaphore, #tpu.memory_space<semaphore_mem>>) src(%dma_wait3A_507 : memref<80x64xf32, #tpu.memory_space<vmem>>) dst(%dma_wait3A_513 : memref<10000x64xf32, #tpu.memory_space<vmem_shared>>)
    %dma_wait3A_514 = arith.constant 0 : i32
    %dma_wait3A_515 = arith.constant 249 : i32
    %dma_wait3A_516 = arith.constant 0 : i32
    %dma_wait3A_517 = arith.constant 0 : i32
    %dma_wait3A_518 = tpu.memref_slice %arg10[%dma_wait3A_514, %dma_wait3A_516, %dma_wait3A_517] : memref<3x80x64xf32, #tpu.memory_space<vmem>> -> memref<1x80x64xf32, #tpu.memory_space<vmem>>
    %dma_wait3A_519 = tpu.memref_squeeze %dma_wait3A_518 : memref<1x80x64xf32, #tpu.memory_space<vmem>> -> memref<80x64xf32, #tpu.memory_space<vmem>>
    %dma_wait3A_520 = arith.constant 0 : i32
    %dma_wait3A_521 = tpu.memref_slice %arg8[%dma_wait3A_515, %dma_wait3A_520] : memref<250x80xi32, #tpu.memory_space<vmem>> -> memref<1x80xi32, #tpu.memory_space<vmem>>
    %dma_wait3A_522 = tpu.memref_squeeze %dma_wait3A_521 : memref<1x80xi32, #tpu.memory_space<vmem>> -> memref<80xi32, #tpu.memory_space<vmem>>
    %dma_wait3A_523 = arith.constant 0 : i32
    %dma_wait3A_524 = arith.constant 0 : i32
    %dma_wait3A_525 = tpu.memref_slice %arg11[%dma_wait3A_523, %dma_wait3A_524] : memref<10000x64xf32, #tpu.memory_space<vmem_shared>> -> memref<10000x64xf32, #tpu.memory_space<vmem_shared>>
    tpu.wait_indirect_dma semaphore(%arg15 : memref<!tpu.dma_semaphore, #tpu.memory_space<semaphore_mem>>) src(%dma_wait3A_519 : memref<80x64xf32, #tpu.memory_space<vmem>>) dst(%dma_wait3A_525 : memref<10000x64xf32, #tpu.memory_space<vmem_shared>>)
    %barrier3A_526 = arith.constant 0 : index
    tpu.barrier barrier_id(%barrier3A_526)
    %mul3A_527 = arith.constant 64 : i32
    %mul3A_528 = arith.muli %arg0, %mul3A_527 : i32
    "tpu.region"() ({
      %run_scoped3A_529 = tpu.sem_alloc : memref<!tpu.dma_semaphore, #tpu.memory_space<semaphore_mem>>
      %dma_start3A_530 = tpu.memref_slice %arg6[%mul3A_6, %mul3A_528] : memref<10000x128xf32, #tpu.memory_space<hbm>> -> memref<640x64xf32, #tpu.memory_space<hbm>>
      %dma_start3A_531 = arith.constant 0 : i32
      %dma_start3A_532 = tpu.memref_slice %arg11[%mul3A_6, %dma_start3A_531] : memref<10000x64xf32, #tpu.memory_space<vmem_shared>> -> memref<640x64xf32, #tpu.memory_space<vmem_shared>>
      tpu.enqueue_dma source(%dma_start3A_532 : memref<640x64xf32, #tpu.memory_space<vmem_shared>>) target(%dma_start3A_530 : memref<640x64xf32, #tpu.memory_space<hbm>>) target_semaphore(%run_scoped3A_529 : memref<!tpu.dma_semaphore, #tpu.memory_space<semaphore_mem>>)
      %dma_wait3A_533 = tpu.memref_slice %arg6[%mul3A_6, %mul3A_528] : memref<10000x128xf32, #tpu.memory_space<hbm>> -> memref<640x64xf32, #tpu.memory_space<hbm>>
      %dma_wait3A_534 = arith.constant 0 : i32
      %dma_wait3A_535 = tpu.memref_slice %arg11[%mul3A_6, %dma_wait3A_534] : memref<10000x64xf32, #tpu.memory_space<vmem_shared>> -> memref<640x64xf32, #tpu.memory_space<vmem_shared>>
      tpu.wait_dma2 semaphore(%run_scoped3A_529 : memref<!tpu.dma_semaphore, #tpu.memory_space<semaphore_mem>>) src(%dma_wait3A_535 : memref<640x64xf32, #tpu.memory_space<vmem_shared>>) dst(%dma_wait3A_533 : memref<640x64xf32, #tpu.memory_space<hbm>>)
      tpu.yield
    }) : () -> ()
    return
  }
}

module attributes {stable_mosaic.version = 14 : i64} {
  func.func @_tc_body(%arg0: i32, %arg1: memref<400x128xf32, #tpu.memory_space<vmem>>, %arg2: memref<400x128xf32, #tpu.memory_space<vmem>>, %arg3: memref<128x128xf32, #tpu.memory_space<vmem>>, %arg4: memref<1x128xf32, #tpu.memory_space<vmem>>, %arg5: memref<400x128xf32, #tpu.memory_space<vmem>>) attributes {dimension_semantics = [#tpu.dimension_semantics<arbitrary>], iteration_bounds = array<i64: 25>, scalar_prefetch = 0 : i64, scratch_operands = 0 : i64, tpu.core_type = #tpu.core_type<tc>, window_params = [{transform_indices = @transform_0, window_bounds = array<i64: 400, 128>}, {transform_indices = @transform_1, window_bounds = array<i64: 400, 128>}, {pipeline_mode = #tpu.pipeline_mode<synchronous>, transform_indices = @transform_2, window_bounds = array<i64: 128, 128>}, {pipeline_mode = #tpu.pipeline_mode<synchronous>, transform_indices = @transform_3, window_bounds = array<i64: 1, 128>}, {transform_indices = @transform_4, window_bounds = array<i64: 400, 128>}]} {
    %get3A = arith.constant 0 : index
    %get3A_0 = arith.constant 0 : index
    %get3A_1 = vector.load %arg1[%get3A, %get3A_0] : memref<400x128xf32, #tpu.memory_space<vmem>>, vector<400x128xf32>
    %get3A_2 = arith.constant 0 : index
    %get3A_3 = arith.constant 0 : index
    %get3A_4 = vector.load %arg2[%get3A_2, %get3A_3] : memref<400x128xf32, #tpu.memory_space<vmem>>, vector<400x128xf32>
    %add3A = arith.addf %get3A_1, %get3A_4 : vector<400x128xf32>
    %get3A_5 = arith.constant 0 : index
    %get3A_6 = arith.constant 0 : index
    %get3A_7 = vector.load %arg3[%get3A_5, %get3A_6] : memref<128x128xf32, #tpu.memory_space<vmem>>, vector<128x128xf32>
    %dot_general3A = arith.constant dense<0.000000e+00> : vector<400x128xf32>
    %dot_general3A_8 = tpu.matmul %add3A, %get3A_7, %dot_general3A {dimension_numbers = #tpu.dot_dimension_numbers<[1], [0], [0], [1], [0, 0, 1, 1], [], []>, transpose_lhs_hint = false} : vector<400x128xf32>, vector<128x128xf32>, vector<400x128xf32> -> vector<400x128xf32>
    %get3A_9 = arith.constant 0 : index
    %get3A_10 = arith.constant 0 : index
    %get3A_11 = vector.load %arg4[%get3A_9, %get3A_10] : memref<1x128xf32, #tpu.memory_space<vmem>>, vector<1x128xf32>
    %add3A_12 = vector.broadcast %get3A_11 : vector<1x128xf32> to vector<400x128xf32>
    %add3A_13 = arith.addf %dot_general3A_8, %add3A_12 : vector<400x128xf32>
    %ge3A = arith.constant 0.000000e+00 : f32
    %ge3A_14 = vector.broadcast %ge3A : f32 to vector<400x128xf32>
    %ge3A_15 = arith.cmpf oge, %add3A_13, %ge3A_14 : vector<400x128xf32>
    %mul3A = arith.constant 0.00999999977 : f32
    %mul3A_16 = vector.broadcast %mul3A : f32 to vector<400x128xf32>
    %mul3A_17 = arith.mulf %mul3A_16, %add3A_13 : vector<400x128xf32>
    %select_n3A = arith.select %ge3A_15, %add3A_13, %mul3A_17 : vector<400x128xi1>, vector<400x128xf32>
    %swap3A = arith.constant 0 : index
    %swap3A_18 = arith.constant 0 : index
    %swap3A_19 = vector.load %arg5[%swap3A, %swap3A_18] : memref<400x128xf32, #tpu.memory_space<vmem>>, vector<400x128xf32>
    tpu.vector_store %arg5[%swap3A, %swap3A_18], %select_n3A {strides = array<i32>} : memref<400x128xf32, #tpu.memory_space<vmem>>, vector<400x128xf32>,
    return
  }
  func.func @transform_0(%arg0: i32) -> (i32, i32) {
    %c0_i32 = arith.constant 0 : i32
    %c0_i32_0 = arith.constant 0 : i32
    return %arg0, %c0_i32 : i32, i32
  }
  func.func @transform_1(%arg0: i32) -> (i32, i32) {
    %c0_i32 = arith.constant 0 : i32
    %c0_i32_0 = arith.constant 0 : i32
    return %arg0, %c0_i32 : i32, i32
  }
  func.func @transform_2(%arg0: i32) -> (i32, i32) {
    %c0_i32 = arith.constant 0 : i32
    %c0_i32_0 = arith.constant 0 : i32
    %c0_i32_1 = arith.constant 0 : i32
    return %c0_i32, %c0_i32_0 : i32, i32
  }
  func.func @transform_3(%arg0: i32) -> (i32, i32) {
    %c0_i32 = arith.constant 0 : i32
    %c0_i32_0 = arith.constant 0 : i32
    %c0_i32_1 = arith.constant 0 : i32
    return %c0_i32, %c0_i32_0 : i32, i32
  }
  func.func @transform_4(%arg0: i32) -> (i32, i32) {
    %c0_i32 = arith.constant 0 : i32
    %c0_i32_0 = arith.constant 0 : i32
    return %arg0, %c0_i32 : i32, i32
  }
}

</mosaic_0001>

<sc_bundles>
// kernel: kernel.4.cloned.1.call-start
scs
__scs_entry_jumppad:
0x0: {  	(pc) =	sbr.rel $0x88, $3  }
0x1: {  	(tag) =	ssettag $0x0;
	lr =	simm.s32 $0x1  }
0x2: {  	[smem:$0x3F9C] =	sst lr;
	_ =	strace $0xD0000000  }
0x3: {  	_ = 	snop  }
0x4: {  	_ = 	snop  }
0x5: {  	_ = 	snop  }
0x6: {  	_ = 	snop  }
0x7: {  	_ = 	snop  }
__scs_overlays_trampoline_lowered:
0x8: {  	[smem:$0x3FAB] =	sst s0  }
0x9: {  	[smem:$0x3FAC] =	sst s1  }
0xa: {  	[smem:$0x3FAD] =	sst s2  }
0xb: {  	[smem:$0x3FAE] =	sst s3  }
0xc: {  	[smem:$0x3FAF] =	sst s4  }
0xd: {  	[smem:$0x3FB0] =	sst s5  }
0xe: {  	[smem:$0x3FB1] =	sst s6  }
0xf: {  	[smem:$0x3FB2] =	sst s7  }
0x10: {  	[smem:$0x3FB3] =	sst s8  }
0x11: {  	[smem:$0x3FB4] =	sst s9;
	s0 =	simm.s32 @!p0 $0x0  }
0x12: {  	s1 =	sld [smem:$0x3F9A];
	s0 =	simm.s32 @p0 $0x1  }
0x13: {  	[smem:$0x3FB5] =	sst s0;
	s0 =	simm.s32 @!p1 $0x0  }
0x14: {  	s2 =	sld [smem:$0x3F99];
	s0 =	simm.s32 @p1 $0x1  }
0x15: {  	[smem:$0x3FB6] =	sst s0;
	s0 =	simm.s32 @!p2 $0x0  }
0x16: {  	s3 =	sld [smem:$0x3FDB];
	s0 =	simm.s32 @p2 $0x1  }
0x17: {  	s4 =	simm.s32 $0x1BF5;
	[smem:$0x3FB8] =	sst s0  }
0x18: {  	s0 =	sld [smem:$0x3F9B];
	_ =	swait.ge [sflag:s4], $0x0  }
0x19: {  	s7 =	sld [smem:$0x3F9C]  }
0x1a: {  	s8 =	sadd.s32 $0xFFFFE003, lr  }
0x1b: {  	s9 =	sadd.s32 $0xFFFFFEF7, lr;
	s5 =	simm.s32 $0xFFFFFFFF;
	p2 =	slt.u32 s8, $0xFFFFF086  }
0x1c: {  	p1 =	slt.u32 s9, $0xF7A;
	s5 =	simm.s32 @!p2 $0x0  }
0x1d: {  	s5 =	simm.s32 @p1 $0x1;
	p0 =	seq.s32 s7, s2  }
0x1e: {  	s7 =	smul.u32 @!p0 $0xF7A, s2;
	p2 =	seq.s32 @!p0 s5, $0x0  }
0x1f: {  	s9 =	smul.u32 $0xF7A, s1;
	s8 =	simm.s32 @!p0 $0x1BF5;
	p2 =	por !p2, p0  }
0x20: {  	[sflag:s8] =	ssyncset.s32 @!p0 $0xFFFFF086;
	s6 =	sadd.s32 @!p0 s3, s7;
	s7 =	simm.s32 @!p0 $0x108  }
0x21: {  	s3 =	sadd.s32 s3, s9;
	s6 =	sadd.s32 @!p0 $0x88, s6;
	s7 =	simm.s32 @p2 $0x1082  }
0x22: {  	[simem:s7], [sflag:s8] =	dma.local @!p0 [hbm:s6], $0xF7A  }
0x23: {  	s9 =	sor.u32 $0xD0000000, s2;
	s6 =	simm.s32 $0x108;
	_ =	swait.ge @!p0 [sflag:s8], $0x0  }
0x24: {  	s3 =	sadd.s32 $0x88, s3;
	s6 =	simm.s32 @!p1 $0x1082;
	[sflag:s4] =	ssyncset.s32 $0xFFFFF086  }
0x25: {  	[simem:s6], [sflag:s4] =	dma.local [hbm:s3], $0xF7A  }
0x26: {  	[smem:$0x3F9C] =	sst s1;
	(tag) =	ssettag s2;
	_ =	strace s9  }
0x27: {  	s1 =	sld [smem:$0x3FAC]  }
0x28: {  	s2 =	sld [smem:$0x3FAD]  }
0x29: {  	s4 =	sld [smem:$0x3FAF]  }
0x2a: {  	p0 =	seq.s32 s5, $0x0;
	s5 =	sld [smem:$0x3FB0]  }
0x2b: {  	s6 =	sld [smem:$0x3FB1]  }
0x2c: {  	s7 =	sld [smem:$0x3FB2]  }
0x2d: {  	s3 =	simm.s32 $0x108;
	s8 =	sld [smem:$0x3FB3]  }
0x2e: {  	s3 =	simm.s32 @!p0 $0x1082;
	s9 =	sld [smem:$0x3FB4]  }
0x2f: {  	lr =	sadd.s32 s0, s3;
	s0 =	sld [smem:$0x3FAB]  }
0x30: {  	s3 =	sld [smem:$0x3FAE]  }
0x31: {  	[smem:$0x3FB7] =	sst s10  }
0x32: {  	s10 =	sld [smem:$0x3FB5];
	_ =	sdelay $0x3  }
0x33: {  	p0 =	seq.s32 s10, $0x1;
	s10 =	sld [smem:$0x3FB7];
	_ =	sdelay $0x3  }
0x34: {  	[smem:$0x3FB7] =	sst s10  }
0x35: {  	s10 =	sld [smem:$0x3FB6];
	_ =	sdelay $0x3  }
0x36: {  	p1 =	seq.s32 s10, $0x1;
	s10 =	sld [smem:$0x3FB7];
	_ =	sdelay $0x3  }
0x37: {  	[smem:$0x3FB7] =	sst s10  }
0x38: {  	s10 =	sld [smem:$0x3FB8]  }
0x39: {  	_ = 	snop;
	(pc) =	sbr.ind lr, $3  }
0x3a: {  	_ = 	snop  }
0x3b: {  	_ = 	snop  }
0x3c: {  	p2 =	seq.s32 s10, $0x1;
	s10 =	sld [smem:$0x3FB7]  }
0x3d: {  	_ =	shalt  }
0x3e: {  	_ =	shalt  }
0x3f: {  	_ =	shalt  }
0x40: {  	_ =	shalt  }
0x41: {  	_ =	shalt  }
0x42: {  	_ =	shalt  }
0x43: {  	_ =	shalt  }
0x44: {  	_ =	shalt  }
0x45: {  	_ =	shalt  }
0x46: {  	_ =	shalt  }
0x47: {  	_ =	shalt  }
0x48: {  	_ =	shalt  }
0x49: {  	_ =	shalt  }
0x4a: {  	_ =	shalt  }
0x4b: {  	_ =	shalt  }
0x4c: {  	_ =	shalt  }
0x4d: {  	_ =	shalt  }
0x4e: {  	_ =	shalt  }
0x4f: {  	_ =	shalt  }
0x50: {  	_ =	shalt  }
0x51: {  	_ =	shalt  }
0x52: {  	_ =	shalt  }
0x53: {  	_ =	shalt  }
0x54: {  	_ =	shalt  }
0x55: {  	_ =	shalt  }
0x56: {  	_ =	shalt  }
0x57: {  	_ =	shalt  }
0x58: {  	_ =	shalt  }
0x59: {  	_ =	shalt  }
0x5a: {  	_ =	shalt  }
0x5b: {  	_ =	shalt  }
0x5c: {  	_ =	shalt  }
0x5d: {  	_ =	shalt  }
0x5e: {  	_ =	shalt  }
0x5f: {  	_ =	shalt  }
0x60: {  	_ =	shalt  }
0x61: {  	_ =	shalt  }
0x62: {  	_ =	shalt  }
0x63: {  	_ =	shalt  }
0x64: {  	_ =	shalt  }
0x65: {  	_ =	shalt  }
0x66: {  	_ =	shalt  }
0x67: {  	_ =	shalt  }
0x68: {  	_ =	shalt  }
0x69: {  	_ =	shalt  }
0x6a: {  	_ =	shalt  }
0x6b: {  	_ =	shalt  }
0x6c: {  	_ =	shalt  }
0x6d: {  	_ =	shalt  }
0x6e: {  	_ =	shalt  }
0x6f: {  	_ =	shalt  }
0x70: {  	_ =	shalt  }
0x71: {  	_ =	shalt  }
0x72: {  	_ =	shalt  }
0x73: {  	_ =	shalt  }
0x74: {  	_ =	shalt  }
0x75: {  	_ =	shalt  }
0x76: {  	_ =	shalt  }
0x77: {  	_ =	shalt  }
0x78: {  	_ =	shalt  }
0x79: {  	_ =	shalt  }
0x7a: {  	_ =	shalt  }
0x7b: {  	_ =	shalt  }
0x7c: {  	_ =	shalt  }
0x7d: {  	_ =	shalt  }
0x7e: {  	_ =	shalt  }
0x7f: {  	_ =	shalt  }
0x80: {  	_ =	shalt  }
0x81: {  	_ =	shalt  }
0x82: {  	_ =	shalt  }
0x83: {  	_ =	shalt  }
0x84: {  	_ =	shalt  }
0x85: {  	_ =	shalt  }
0x86: {  	_ =	shalt  }
0x87: {  	_ =	shalt  }
.Lfunc_end0:
.L_simem_size_0:
called_computation_lowered:
.L_overlay_start_0:
0x88: {  	s2 =	sld [smem:$0x3FD9]  }
0x89: {  	s3 =	sld [smem:$0x3FFE];
	_ =	sdelay $0x1  }
0x8a: {  	s1 =	srdreg.scid  }
0x8b: {  	s0 =	sand.u32 $0x1, s1  }
0x8c: {  	s17 =	sshll.u32 s0, $0xA;
	s2 =	sadd.s32 s3, s2  }
0x8d: {  	s2 =	sadd.s32 s2, s17  }
0x8e: {  	[smem:$0x3FC3] =	sst s2  }
0x8f: {  	_ = 	snop  }
0x90: {  	s2 =	sld [smem:$0x3FC9]  }
0x91: {  	s18 =	sld [smem:$0x3FD0];
	(tm) =	ssettm $0x1  }
0x92: {  	s4 =	sld [smem:$0x3FFB];
	_ =	sdelay $0x3  }
0x93: {  	_ =	strace s4  }
0x94: {  	s4 =	sld [smem:$0x3FFC];
	_ =	sdelay $0x3  }
0x95: {  	_ =	strace s4  }
0x96: {  	s4 =	sld [smem:$0x3FFD];
	_ =	sdelay $0x3  }
0x97: {  	_ =	strace s4  }
0x98: {  	_ =	strace $0x8FFFFFFF  }
0x99: {  	s19 =	sld [smem:$0x3FDB];
	_ =	sdelay $0x1  }
0x9a: {  	s5 =	simm.s32 $_scs_section_size  }
0x9b: {  	s6 =	simm.s32 $_size__tile_overlayer_lowered;
	s7 =	simm.s32 $_tile_overlayer_lowered  }
0x9c: {  	s22 =	simm.s32 $0x1BFF;
	s21 =	sshll.u32 s7, $0x1;
	s4 =	sadd.s32 s5, s19  }
0x9d: {  	s8 =	simm.s32 $0x0;
	s20 =	sshll.u32 s6, $0x1;
	s6 =	sadd.s32 s21, s4  }
0x9e: {  	[timem:s8], [sflag:s22] =	dma.local [hbm:s6], s20  }
0x9f: {  	_ =	swait.ge [sflag:s22], s20  }
0xa0: {  	s5 =	ssub.s32 $0x0, s20;
	[sflag:s22] =	ssyncset.done $0x0  }
0xa1: {  	[sflag:s22] =	ssyncadd.s32 s5;
	_ =	sdelay $0x1  }
0xa2: {  	s23 =	simm.s32 $0x1B8B  }
0xa3: {  	_ =	swait.ge [sflag:s23], $0x1  }
0xa4: {  	[sflag:s23] =	ssyncset.done $0x0  }
0xa5: {  	s25 =	simm.s32 $0x1B8E;
	s24 =	sld [smem:$0x3FFE];
	[sflag:s23] =	ssyncadd.s32 $0xFFFFFFFF  }
0xa6: {  	s26 =	simm.s32 $execute0_lowered;
	[smem:$0x3FD2] =	sst s25  }
0xa7: {  	s6 =	sshll.u32 s26, $0x1;
	_ =	strace $0x80000046;
	[dreg:$0x1] =	wrdreg $0xFFFFFFFF  }
0xa8: {  	s28 =	simm.s32 $_size_execute0_lowered;
	s4 =	sadd.s32 s4, s6;
	[dreg:$0x0] =	wrdreg $0x0  }
0xa9: {  	s6 =	sshll.u32 s28, $0x1;
	[dreg:$0x2] =	wrdreg s4  }
0xaa: {  	[dreg:$0x3] =	wrdreg s6  }
0xab: {  	[dreg:$0x4] =	wrdreg $0xC0  }
0xac: {  	_ =	task [dreg:s8], $0x5FFFF  }
0xad: {  	[dreg:$0x1] =	wrdreg $0xFFFFFFFF  }
0xae: {  	[dreg:$0x0] =	wrdreg $0x60  }
0xaf: {  	[dreg:$0x2] =	wrdreg s2  }
0xb0: {  	[dreg:$0x3] =	wrdreg s24  }
0xb1: {  	[dreg:$0x4] =	wrdreg s18  }
0xb2: {  	[dreg:$0x5] =	wrdreg $0x126600  }
0xb3: {  	[dreg:$0x6] =	wrdreg $0x9  }
0xb4: {  	_ =	task.clear_ibuf [dreg:s8], $0x7FFFF;
	_ =	strace $0x90000046  }
0xb5: {  	s29 =	simm.s32 $0x9;
	_ =	strace $0x80000048  }
0xb6: {  	_ =	swait.ge [sflag:s29], $0x1  }
0xb7: {  	[sflag:s29] =	ssyncadd.s32 $0xFFFFFFFF  }
0xb8: {  	_ =	strace $0x90000048  }
0xb9: {  	_ =	sfence  }
0xba: {  	s30 =	sld [smem:$0x0];
	_ =	sdelay $0x2  }
0xbb: {  	s31 =	sshll.u32 s1, $0xD;
	s1 =	sshrl.u32 s1, $0x2  }
0xbc: {  	s3 =	sand.u32 $0x4000, s31;
	s1 =	sadd.s32 s1, s30  }
0xbd: {  	s0 =	sor.u32 s3, s0;
	s1 =	sshll.u32 s1, $0x11  }
0xbe: {  	s0 =	sor.u32 s1, s0  }
0xbf: {  	s0 =	sadd.s32 $0x8F2B, s0  }
0xc0: {  	[sflag:s0] =	ssyncadd.remote.s32 $0x1  }
0xc1: {  	_ =	sfence.sel $0xFFFF  }
0xc2: {  	[dreg:$0x0] =	wrdreg $0xFFFFFFFF;
	(pc) =	sbr.abs _section_cstart, $3  }
0xc3: {  	[dreg:$0x1] =	wrdreg $0xFFFFFFFF  }
0xc4: {  	_ =	task.clear_ibuf [dreg:s8], $0x2FFFF;
	_ =	strace $0x9FFFFFFF  }
0xc5: {  	(tm) =	ssettm $0x7FFFFFFF  }
tec
execute0_lowered:
.L_overlay_start_1:
0x0: {  	(tag) =	ssettag $0x1  }
0x1: {  	s1 =	rddreg [dreg:$0x0]  }
0x2: {  	s0 =	rddreg [dreg:$0x1]  }
0x3: {  	s2 =	rddreg [dreg:$0x2]  }
0x4: {  	s3 =	rddreg [dreg:$0x3]  }
0x5: {  	s4 =	srdreg.scid;
	s10 =	stileid.u32;
	s28 =	simm.s32 $0x2  }
0x6: {  	s29 =	simm.s32 $0x4;
	s30 =	simm.s32 $0x3;
	s6 =	smul.u32 $0x9C4, s10  }
0x7: {  	s31 =	simm.s32 $0x5;
	s5 =	sand.u32 $0x1, s4;
	s9 =	smul.u32 $0x27000, s10  }
0x8: {  	s4 =	simm.s32 $0x0;
	s22 =	smul.u32 $0x13800, s10;
	s10 =	simm.s32 $0x4E20  }
0x9: {  	s7 =	ssub.s32 $0x2, s5;
	[smem:$0x7FF] =	sst s4;
	s24 =	sshll.u32 s5, $0x6  }
0xa: {  	s8 =	sshrl.u32 s7, $0x1;
	_ =	strace $0x80000047;
	s0 =	sadd.s32 s6, s0  }
0xb: {  	s21 =	sshrl.u32 s9, $0x2;
	s18 =	ssub.s32 s7, s8;
	s19 =	sadd.s32 $0xA400, s0  }
0xc: {  	s20 =	sadd.s32 $0x600, s0;
	s0 =	sadd.s32 $0x14200, s0;
	[dreg:$0x5] =	wrdreg s19  }
0xd: {  	s8 =	sadd.s32 s21, s3;
	s21 =	simm.s32 $0xEA60;
	[dreg:$0x6] =	wrdreg s20  }
0xe: {  	[dreg:$0x7] =	wrdreg s0;
	s7 =	sadd.s32 $0x1400, s8;
	s23 =	sadd.s32 $0x2800, s8  }
0xf: {  	s25 =	sadd.s32 $0x3C00, s8;
	s26 =	sadd.s32 $0x5000, s8;
	s0 =	sor.u32 s24, s22  }
0x10: {  	s13 =	sadd.s32 $0x6400, s8;
	s14 =	sadd.s32 $0x7800, s8;
	[dreg:$0x8] =	wrdreg s7  }
0x11: {  	s15 =	sadd.s32 $0x8C00, s8;
	s17 =	smax.u32 s18, $0x1;
	[dreg:$0x9] =	wrdreg s23  }
0x12: {  	s18 =	simm.s32 $0x7;
	s20 =	simm.s32 $0x9C40;
	[dreg:$0xa] =	wrdreg s25  }
0x13: {  	s22 =	simm.s32 $0x50;
	s24 =	simm.s32 $0x1;
	[dreg:$0xb] =	wrdreg s26  }
0x14: {  	s0 =	sshrl.u32 s0, $0x3;
	s23 =	simm.s32 $0xFE60;
	s26 =	simm.s32 $0x11260  }
0x15: {  	v1 =	vimm.f32 $0.0e+00;
	v0 =	vmov s5;
	s25 =	simm.s32 $0x0;
	s16 =	sadd.s32 s2, s0;
	s0 =	simm.s32 $0x6  }
.LBB2_1:
0x16: {  	s2 =	rddreg [dreg:$0x5]  }
0x17: {  	[tilespmem:s4], [sflag:$0x7] =	stream.linear.gather [hbm4b:s2+s4], $0x4E20, $0x38;
	[tilespmem:$0x1C2A0] =	vst v63  }
0x18: {  	_ =	swait.ge [sflag:s18], $0x4E20  }
0x19: {  	[sflag:s18] =	ssyncset.done $0x0  }
0x1a: {  	s12 =	rddreg [dreg:$0x6];
	[sflag:s18] =	ssyncadd.s32 $0xFFFFB1E0  }
0x1b: {  	[tilespmem:s10], [sflag:$0x7] =	stream.linear.gather [hbm4b:s12+s4], $0x4E20, $0x38;
	[tilespmem:$0x1C2A0] =	vst v63  }
0x1c: {  	_ =	swait.ge [sflag:s18], $0x4E20  }
0x1d: {  	[sflag:s18] =	ssyncset.done $0x0  }
0x1e: {  	s19 =	rddreg [dreg:$0x7];
	[sflag:s18] =	ssyncadd.s32 $0xFFFFB1E0  }
0x1f: {  	[tilespmem:s20], [sflag:$0x7] =	stream.linear.gather [hbm4b:s19+s4], $0x4E20, $0x38;
	[tilespmem:$0x1C2A0] =	vst v63  }
0x20: {  	_ =	swait.ge [sflag:s18], $0x4E20  }
0x21: {  	[sflag:s18] =	ssyncset.done $0x0  }
0x22: {  	s5 =	simm.s32 $0x100;
	s2 =	simm.s32 $0x0;
	[sflag:s18] =	ssyncadd.s32 $0xFFFFB1E0  }
.LBB2_2:
0x23: {  	p0 =	sne.s32 s5, $0x4F00;
	[tilespmem:s2+$0xEA90] =	vst v1;
	s6 =	smov.u32 s5;
	s5 =	sadd.s32 $0x100, s5  }
.Ltmp0:
0x24: {  	[tilespmem:s2+$0xEA80] =	vst v1;
	(pc) =	sbr.rel @p0 .LBB2_2-.Ltmp0, $3  }
0x25: {  	[tilespmem:s2+$0xEA60] =	vst v1  }
0x26: {  	[tilespmem:s2+$0xEA70] =	vst v1;
	_ =	sdelay $0x1  }
0x27: {  	s2 =	sshra.s32 s6, $0x2  }
0x28: {  	[tilespmem:s2+$0xEA90] =	vst v1  }
0x29: {  	[tilespmem:s2+$0xEA80] =	vst v1  }
0x2a: {  	[tilespmem:s2+$0xEA60] =	vst v1  }
0x2b: {  	[tilespmem:s2+$0xEA70] =	vst v1  }
0x2c: {  	[spmem:s8] =	stream.linear.scatter [tilespmem:s21], [sflag:$0x7], $0x1400, $0x38;
	[tilespmem:$0x1C2A0] =	vst v63  }
0x2d: {  	_ =	swait.ge [sflag:s18], $0x1400  }
0x2e: {  	[sflag:s18] =	ssyncset.done $0x0  }
0x2f: {  	s12 =	rddreg [dreg:$0x8];
	[sflag:s18] =	ssyncadd.s32 $0xFFFFEC00  }
0x30: {  	[spmem:s12] =	stream.linear.scatter [tilespmem:s21], [sflag:$0x7], $0x1400, $0x38;
	[tilespmem:$0x1C2A0] =	vst v63  }
0x31: {  	_ =	swait.ge [sflag:s18], $0x1400  }
0x32: {  	[sflag:s18] =	ssyncset.done $0x0  }
0x33: {  	s19 =	rddreg [dreg:$0x9];
	[sflag:s18] =	ssyncadd.s32 $0xFFFFEC00  }
0x34: {  	[spmem:s19] =	stream.linear.scatter [tilespmem:s21], [sflag:$0x7], $0x1400, $0x38;
	[tilespmem:$0x1C2A0] =	vst v63  }
0x35: {  	_ =	swait.ge [sflag:s18], $0x1400  }
0x36: {  	[sflag:s18] =	ssyncset.done $0x0  }
0x37: {  	s5 =	rddreg [dreg:$0xa];
	[sflag:s18] =	ssyncadd.s32 $0xFFFFEC00  }
0x38: {  	[spmem:s5] =	stream.linear.scatter [tilespmem:s21], [sflag:$0x7], $0x1400, $0x38;
	[tilespmem:$0x1C2A0] =	vst v63  }
0x39: {  	_ =	swait.ge [sflag:s18], $0x1400  }
0x3a: {  	[sflag:s18] =	ssyncset.done $0x0  }
0x3b: {  	s6 =	rddreg [dreg:$0xb];
	[sflag:s18] =	ssyncadd.s32 $0xFFFFEC00  }
0x3c: {  	[spmem:s6] =	stream.linear.scatter [tilespmem:s21], [sflag:$0x7], $0x1400, $0x38;
	[tilespmem:$0x1C2A0] =	vst v63  }
0x3d: {  	_ =	swait.ge [sflag:s18], $0x1400  }
0x3e: {  	[sflag:s18] =	ssyncset.done $0x0  }
0x3f: {  	[sflag:s18] =	ssyncadd.s32 $0xFFFFEC00  }
0x40: {  	[spmem:s13] =	stream.linear.scatter [tilespmem:s21], [sflag:$0x7], $0x1400, $0x38;
	[tilespmem:$0x1C2A0] =	vst v63  }
0x41: {  	_ =	swait.ge [sflag:s18], $0x1400  }
0x42: {  	[sflag:s18] =	ssyncset.done $0x0  }
0x43: {  	[sflag:s18] =	ssyncadd.s32 $0xFFFFEC00  }
0x44: {  	[spmem:s14] =	stream.linear.scatter [tilespmem:s21], [sflag:$0x7], $0x1400, $0x38;
	[tilespmem:$0x1C2A0] =	vst v63  }
0x45: {  	_ =	swait.ge [sflag:s18], $0x1400  }
0x46: {  	[sflag:s18] =	ssyncset.done $0x0  }
0x47: {  	[sflag:s18] =	ssyncadd.s32 $0xFFFFEC00  }
0x48: {  	[spmem:s15] =	stream.linear.scatter [tilespmem:s21], [sflag:$0x7], $0x1400, $0x38;
	[tilespmem:$0x1C2A0] =	vst v63  }
0x49: {  	_ =	swait.ge [sflag:s18], $0x1400  }
0x4a: {  	[sflag:s18] =	ssyncset.done $0x0  }
0x4b: {  	[sflag:s18] =	ssyncadd.s32 $0xFFFFEC00  }
0x4c: {  	[bflag:$0x0] =	sbarrier.arrive $0xFFFF  }
0x4d: {  	v2 =	vld [tilespmem:$0x0]  }
0x4e: {  	v3 =	vld [tilespmem:$0x10]  }
0x4f: {  	v4 =	vld [tilespmem:$0x20]  }
0x50: {  	v5 =	vld [tilespmem:$0x30]  }
0x51: {  	v6 =	vld [tilespmem:$0x40]  }
0x52: {  	v2 =	vshll.u32 v2, $0x1  }
0x53: {  	v3 =	vshll.u32 v3, $0x1;
	v2 =	vor.u32 v0, v2  }
0x54: {  	[tilespmem:$0x0] =	vst v2;
	v2 =	vor.u32 v0, v3;
	v3 =	vshll.u32 v4, $0x1  }
0x55: {  	[tilespmem:$0x10] =	vst v2;
	v2 =	vor.u32 v0, v3;
	v3 =	vshll.u32 v5, $0x1  }
0x56: {  	[tilespmem:$0x20] =	vst v2;
	v2 =	vor.u32 v0, v3;
	v3 =	vshll.u32 v6, $0x1  }
0x57: {  	[tilespmem:$0x30] =	vst v2;
	v2 =	vor.u32 v0, v3  }
0x58: {  	s7 =	simm.s32 $0x0;
	[tilespmem:$0x40] =	vst v2  }
0x59: {  	[tilespmem:s21], [sflag:$0x1] =	stream.indirect.gather [hbm4b:s1+s22], $0x40, s7, s22, $0xb8;
	[tilespmem:$0x1C2A0] =	vst v63  }
0x5a: {  	v2 =	vld [tilespmem:$0x50]  }
0x5b: {  	v3 =	vld [tilespmem:$0x60]  }
0x5c: {  	v4 =	vld [tilespmem:$0x70]  }
0x5d: {  	v5 =	vld [tilespmem:$0x80]  }
0x5e: {  	v6 =	vld [tilespmem:$0x90]  }
0x5f: {  	v2 =	vshll.u32 v2, $0x1  }
0x60: {  	v3 =	vshll.u32 v3, $0x1;
	v2 =	vor.u32 v0, v2  }
0x61: {  	[tilespmem:$0x50] =	vst v2;
	v2 =	vor.u32 v0, v3;
	v3 =	vshll.u32 v4, $0x1  }
0x62: {  	[tilespmem:$0x60] =	vst v2;
	v2 =	vor.u32 v0, v3;
	v3 =	vshll.u32 v5, $0x1  }
0x63: {  	v4 =	vshll.u32 v6, $0x1;
	[tilespmem:$0x70] =	vst v2;
	v2 =	vor.u32 v0, v3  }
0x64: {  	s9 =	simm.s32 $0x3;
	s5 =	simm.s32 $0x1;
	v3 =	vor.u32 v0, v4;
	v4 =	vmov s7;
	[tilespmem:$0x80] =	vst v2  }
0x65: {  	s11 =	simm.s32 $0x2;
	v5 =	vmov s5;
	v2 =	vand.u32 $0xFFFFFFFC, v4;
	v4 =	vmov s9;
	[tilespmem:$0x90] =	vst v3  }
0x66: {  	v3 =	vbroadcast v2, $0x0;
	v2 =	vand.u32 $0xFFFFFFFD, v5;
	[tilespmem:s23], [sflag:$0x2] =	stream.indirect.gather [hbm4b:s1+s22], $0x40, s22, s22, $0xb8;
	[tilespmem:$0x1C2A0] =	vst v63  }
0x67: {  	v5 =	vmov s11;
	v6 =	vbroadcast v2, $0x0;
	_ =	swait.ge [sflag:s24], $0x1400  }
0x68: {  	v2 =	vand.u32 $0xFFFFFFFE, v5;
	[sflag:s24] =	ssyncset.done $0x0  }
0x69: {  	v5 =	vbroadcast v2, $0x0;
	[sflag:s24] =	ssyncadd.s32 $0xFFFFEC00  }
0x6a: {  	s2 =	simm.s32 $0xEAE0;
	v2 =	vld.idx.msk [tilespmem:v4+s20+$0x0], $0xffff  }
0x6b: {  	v7 =	vld [tilespmem:s2+$0xFFFFFF90]  }
0x6c: {  	v9 =	vld.idx.msk [tilespmem:v3+s20+$0x0], $0xffff  }
0x6d: {  	v4 =	vld.idx.msk [tilespmem:v6+s20+$0x0], $0xffff  }
0x6e: {  	v6 =	vld [tilespmem:s2+$0xFFFFFF80]  }
0x6f: {  	v3 =	vld.idx.msk [tilespmem:v5+s20+$0x0], $0xffff  }
0x70: {  	v5 =	vld [tilespmem:s2+$0x30]  }
0x71: {  	v8 =	vld [tilespmem:s2+$0xFFFFFFA0]  }
0x72: {  	v10 =	vld [tilespmem:s2+$0xFFFFFFB0]  }
0x73: {  	v11 =	vld [tilespmem:s2+$0xFFFFFFC0];
	v14 =	vmul.f32 v7, v9  }
0x74: {  	v13 =	vmul.f32 v6, v9;
	v6 =	vld [tilespmem:s2+$0xFFFFFFD0]  }
0x75: {  	s12 =	simm.s32 $0x4;
	v12 =	vmul.f32 v5, v3;
	v5 =	vld [tilespmem:s2+$0xFFFFFFE0];
	[tilespmem:s2+$0xFFFFFF90] =	vst v14  }
0x76: {  	s19 =	simm.s32 $0x7;
	v7 =	vmov s12;
	[tilespmem:s2+$0xFFFFFF80] =	vst v13;
	v13 =	vmul.f32 v8, v9;
	v8 =	vld [tilespmem:s2+$0xFFFFFFF0]  }
0x77: {  	s6 =	simm.s32 $0x5;
	v15 =	vand.u32 $0xFFFFFFFC, v7;
	v7 =	vmov s19;
	[tilespmem:s2+$0x30] =	vst v12;
	v12 =	vmul.f32 v10, v9;
	v10 =	vld [tilespmem:s2+$0x0]  }
0x78: {  	s5 =	simm.s32 $0xEAE0;
	s7 =	simm.s32 $0x6;
	v14 =	vmov s6;
	s6 =	simm.s32 $0x8;
	v9 =	vbroadcast v15, $0x0;
	[tilespmem:s2+$0xFFFFFFA0] =	vst v13;
	v13 =	vmul.f32 v11, v4;
	v11 =	vld [tilespmem:s2+$0x10]  }
.LBB2_4:
0x79: {  	p0 =	slt.u32 s6, $0x4C;
	v14 =	vand.u32 $0xFFFFFFFD, v14;
	v15 =	vmov s7;
	[tilespmem:s2+$0xFFFFFFB0] =	vst v12;
	v6 =	vmul.f32 v6, v4;
	v12 =	vld [tilespmem:s2+$0x20]  }
0x7a: {  	v14 =	vbroadcast v14, $0x0;
	v15 =	vand.u32 $0xFFFFFFFE, v15;
	[tilespmem:s2+$0xFFFFFFC0] =	vst v13;
	v5 =	vmul.f32 v5, v4;
	v13 =	vld [tilespmem:s2+$0x40]  }
0x7b: {  	v15 =	vbroadcast v15, $0x0;
	[tilespmem:s2+$0xFFFFFFD0] =	vst v6;
	v4 =	vmul.f32 v8, v4;
	v6 =	vld [tilespmem:s2+$0x50]  }
0x7c: {  	[tilespmem:s2+$0xFFFFFFE0] =	vst v5;
	v5 =	vmul.f32 v10, v3;
	v8 =	vld [tilespmem:s2+$0x60]  }
0x7d: {  	[tilespmem:s2+$0xFFFFFFF0] =	vst v4;
	v4 =	vmul.f32 v11, v3;
	v10 =	vld [tilespmem:s2+$0x70]  }
0x7e: {  	v7 =	vld.idx.msk [tilespmem:v7+s20+$0x0], $0xffff;
	[tilespmem:s2+$0x0] =	vst v5;
	v3 =	vmul.f32 v12, v3  }
0x7f: {  	v9 =	vld.idx.msk [tilespmem:v9+s20+$0x0], $0xffff;
	[tilespmem:s2+$0x10] =	vst v4;
	v5 =	vmul.f32 v13, v2  }
0x80: {  	v4 =	vld.idx.msk [tilespmem:v14+s20+$0x0], $0xffff;
	[tilespmem:s2+$0x20] =	vst v3;
	v6 =	vmul.f32 v6, v2  }
0x81: {  	s2 =	sadd.s32 $0x100, s2;
	v3 =	vld.idx.msk [tilespmem:v15+s20+$0x0], $0xffff;
	[tilespmem:s5+$0x40] =	vst v5;
	v5 =	vmul.f32 v8, v2  }
0x82: {  	v8 =	vld [tilespmem:s2+$0x30];
	[tilespmem:s5+$0x50] =	vst v6;
	v10 =	vmul.f32 v10, v2  }
0x83: {  	v6 =	vld [tilespmem:s2+$0xFFFFFF80];
	[tilespmem:s5+$0x60] =	vst v5  }
0x84: {  	v2 =	vmov v7;
	v5 =	vld [tilespmem:s2+$0xFFFFFF90];
	[tilespmem:s5+$0x70] =	vst v10;
	s5 =	smov.u32 s2  }
0x85: {  	v7 =	vld [tilespmem:s2+$0xFFFFFFA0]  }
0x86: {  	v10 =	vld [tilespmem:s2+$0xFFFFFFB0]  }
0x87: {  	v11 =	vld [tilespmem:s2+$0xFFFFFFC0];
	v8 =	vmul.f32 v8, v3  }
.Ltmp1:
0x88: {  	v12 =	vmul.f32 v6, v9;
	v6 =	vld [tilespmem:s2+$0xFFFFFFD0];
	(pc) =	sbr.rel @p0 .LBB2_4-.Ltmp1, $4  }
0x89: {  	v13 =	vmul.f32 v5, v9;
	v5 =	vld [tilespmem:s2+$0xFFFFFFE0];
	[tilespmem:s2+$0x30] =	vst v8  }
0x8a: {  	s7 =	sadd.s32 $0x3, s6;
	v14 =	vmov s6;
	[tilespmem:s2+$0xFFFFFF80] =	vst v12;
	v15 =	vmul.f32 v7, v9;
	v8 =	vld [tilespmem:s2+$0xFFFFFFF0]  }
0x8b: {  	s9 =	sadd.s32 $0x1, s6;
	v14 =	vand.u32 $0xFFFFFFFC, v14;
	v7 =	vmov s7;
	[tilespmem:s2+$0xFFFFFF90] =	vst v13;
	v12 =	vmul.f32 v10, v9;
	v10 =	vld [tilespmem:s2+$0x0]  }
0x8c: {  	s7 =	sadd.s32 $0x2, s6;
	s6 =	sadd.s32 $0x4, s6;
	v9 =	vbroadcast v14, $0x0;
	v14 =	vmov s9;
	[tilespmem:s2+$0xFFFFFFA0] =	vst v15;
	v13 =	vmul.f32 v11, v4;
	v11 =	vld [tilespmem:s2+$0x10]  }
0x8d: {  	v16 =	vld [tilespmem:s2+$0x20]  }
0x8e: {  	v17 =	vld [tilespmem:s2+$0x40]  }
0x8f: {  	v18 =	vld [tilespmem:s2+$0x50]  }
0x90: {  	v19 =	vld [tilespmem:s2+$0x60]  }
0x91: {  	v15 =	vmov s7;
	[tilespmem:s2+$0xFFFFFFB0] =	vst v12;
	v6 =	vmul.f32 v6, v4;
	v37 =	vld [tilespmem:s2+$0x70]  }
0x92: {  	v7 =	vld.idx.msk [tilespmem:v7+s20+$0x0], $0xffff;
	v15 =	vand.u32 $0xFFFFFFFE, v15;
	[tilespmem:s2+$0xFFFFFFC0] =	vst v13;
	v5 =	vmul.f32 v5, v4  }
0x93: {  	v14 =	vand.u32 $0xFFFFFFFD, v14;
	s6 =	sadd.s32 $0x100, s2;
	v39 =	vld.idx.msk [tilespmem:v9+s20+$0x0], $0xffff;
	v15 =	vbroadcast v15, $0x0;
	[tilespmem:s2+$0xFFFFFFD0] =	vst v6;
	v38 =	vmul.f32 v8, v4  }
0x94: {  	v14 =	vbroadcast v14, $0x0;
	v44 =	vld [tilespmem:s6+$0x30];
	[tilespmem:s2+$0xFFFFFFE0] =	vst v5;
	v40 =	vmul.f32 v10, v3  }
0x95: {  	v46 =	vld [tilespmem:s6+$0xFFFFFF80];
	[tilespmem:s2+$0xFFFFFFF0] =	vst v38;
	v42 =	vmul.f32 v11, v3  }
0x96: {  	v47 =	vld [tilespmem:s6+$0xFFFFFF90];
	[tilespmem:s2+$0x0] =	vst v40;
	v3 =	vmul.f32 v16, v3  }
0x97: {  	v49 =	vld [tilespmem:s6+$0xFFFFFFA0];
	v45 =	vmul.f32 v17, v2;
	[tilespmem:s2+$0x10] =	vst v42  }
0x98: {  	v50 =	vld [tilespmem:s6+$0xFFFFFFC0];
	[tilespmem:s2+$0x20] =	vst v3;
	v3 =	vmul.f32 v18, v2  }
0x99: {  	v48 =	vmul.f32 v19, v2;
	[tilespmem:s5+$0x40] =	vst v45;
	v2 =	vmul.f32 v37, v2;
	v43 =	vld.idx.msk [tilespmem:v15+s20+$0x0], $0xffff  }
0x9a: {  	v41 =	vld.idx.msk [tilespmem:v14+s20+$0x0], $0xffff;
	[tilespmem:s5+$0x50] =	vst v3  }
0x9b: {  	v3 =	vld [tilespmem:s6+$0xFFFFFFB0];
	[tilespmem:s5+$0x70] =	vst v2;
	v2 =	vmul.f32 v46, v39  }
0x9c: {  	v52 =	vld [tilespmem:s6+$0xFFFFFFE0];
	v11 =	vmul.f32 v47, v39;
	[tilespmem:s5+$0x60] =	vst v48  }
0x9d: {  	v51 =	vld [tilespmem:s6+$0xFFFFFFD0];
	[tilespmem:s6+$0xFFFFFF80] =	vst v2;
	v2 =	vmul.f32 v49, v39  }
0x9e: {  	v54 =	vld [tilespmem:s6+$0x0];
	[tilespmem:s6+$0xFFFFFF90] =	vst v11;
	v5 =	vmul.f32 v44, v43  }
0x9f: {  	v53 =	vld [tilespmem:s6+$0xFFFFFFF0];
	[tilespmem:s6+$0xFFFFFFA0] =	vst v2;
	v2 =	vmul.f32 v50, v41  }
0xa0: {  	v56 =	vld [tilespmem:s6+$0x20];
	v3 =	vmul.f32 v3, v39;
	[tilespmem:s6+$0x30] =	vst v5  }
0xa1: {  	v55 =	vld [tilespmem:s6+$0x10];
	[tilespmem:s6+$0xFFFFFFC0] =	vst v2;
	v2 =	vmul.f32 v52, v41  }
0xa2: {  	v58 =	vld [tilespmem:s6+$0x50];
	[tilespmem:s6+$0xFFFFFFB0] =	vst v3;
	v3 =	vmul.f32 v51, v41  }
0xa3: {  	v57 =	vld [tilespmem:s6+$0x40];
	[tilespmem:s6+$0xFFFFFFE0] =	vst v2;
	v2 =	vmul.f32 v54, v43  }
0xa4: {  	v60 =	vld [tilespmem:s6+$0x70];
	[tilespmem:s6+$0xFFFFFFD0] =	vst v3;
	v3 =	vmul.f32 v53, v41  }
0xa5: {  	v59 =	vld [tilespmem:s6+$0x60];
	[tilespmem:s6+$0x0] =	vst v2;
	v2 =	vmul.f32 v56, v43  }
0xa6: {  	[tilespmem:s6+$0xFFFFFFF0] =	vst v3;
	v3 =	vmul.f32 v55, v43  }
0xa7: {  	[tilespmem:s6+$0x20] =	vst v2;
	v2 =	vmul.f32 v58, v7  }
0xa8: {  	[tilespmem:s6+$0x10] =	vst v3;
	v3 =	vmul.f32 v57, v7  }
0xa9: {  	[tilespmem:s6+$0x50] =	vst v2;
	v2 =	vmul.f32 v60, v7  }
0xaa: {  	[tilespmem:s6+$0x40] =	vst v3;
	v3 =	vmul.f32 v59, v7  }
0xab: {  	[tilespmem:s6+$0x70] =	vst v2  }
0xac: {  	[tilespmem:s6+$0x60] =	vst v3  }
0xad: {  	[spmem:s3] =	stream.indirect.scatter.add.f32 [tilespmem:s21], [sflag:$0x4], $0x40, s10, s22, $0xb8;
	[tilespmem:$0x1C2A0] =	vst v63  }
0xae: {  	v2 =	vld [tilespmem:$0xA0]  }
0xaf: {  	v3 =	vld [tilespmem:$0xB0]  }
0xb0: {  	v61 =	vld [tilespmem:$0xC0]  }
0xb1: {  	v62 =	vld [tilespmem:$0xD0]  }
0xb2: {  	v63 =	vld [tilespmem:$0xE0]  }
0xb3: {  	v2 =	vshll.u32 v2, $0x1  }
0xb4: {  	v3 =	vshll.u32 v3, $0x1;
	v2 =	vor.u32 v0, v2  }
0xb5: {  	[tilespmem:$0xA0] =	vst v2;
	v2 =	vor.u32 v0, v3;
	v3 =	vshll.u32 v61, $0x1  }
0xb6: {  	[tilespmem:$0xB0] =	vst v2;
	v2 =	vor.u32 v0, v3;
	v3 =	vshll.u32 v62, $0x1  }
0xb7: {  	[tilespmem:$0xC0] =	vst v2;
	v2 =	vor.u32 v0, v3;
	v3 =	vshll.u32 v63, $0x1  }
0xb8: {  	[tilespmem:$0xD0] =	vst v2;
	v2 =	vor.u32 v0, v3  }
0xb9: {  	s19 =	simm.s32 $0xA0;
	s2 =	simm.s32 $0x0;
	[tilespmem:$0xE0] =	vst v2  }
0xba: {  	[tilespmem:s26], [sflag:$0x3] =	stream.indirect.gather [hbm4b:s1+s22], $0x40, s19, s22, $0xb8;
	[tilespmem:$0x1C2A0] =	vst v63  }
.LBB2_6:
0xbb: {  	s5 =	smul.u32 $0xF0, s2;
	_ =	sdelay $0x1  }
0xbc: {  	s6 =	sadd.s32 $0x50, s5  }
0xbd: {  	s7 =	sadd.s32 $0x0, s6  }
0xbe: {  	s9 =	sadd.s32 $0x2, s7  }
0xbf: {  	v3 =	vmov s9  }
0xc0: {  	v3 =	vand.u32 $0xFFFFFFFE, v3  }
0xc1: {  	_ =	swait.ge [sflag:s28], $0x1400;
	v2 =	vmov s7;
	v3 =	vbroadcast v3, $0x0  }
0xc2: {  	[sflag:s28] =	ssyncset.done $0x0;
	s19 =	sadd.s32 $0x1, s7;
	s7 =	sadd.s32 $0x3, s7;
	v2 =	vand.u32 $0xFFFFFFFC, v2  }
0xc3: {  	[sflag:s28] =	ssyncadd.s32 $0xFFFFEC00;
	v6 =	vmov s7;
	s7 =	simm.s32 $0xFF50;
	v2 =	vbroadcast v2, $0x0  }
0xc4: {  	v7 =	vld [tilespmem:s7+$0xFFFFFFC0]  }
0xc5: {  	v4 =	vmov s19;
	v9 =	vld [tilespmem:s7+$0xFFFFFF10]  }
0xc6: {  	v4 =	vand.u32 $0xFFFFFFFD, v4;
	v11 =	vld [tilespmem:s7+$0xFFFFFF20]  }
0xc7: {  	v5 =	vbroadcast v4, $0x0;
	v3 =	vld.idx.msk [tilespmem:v3+s20+$0x0], $0xffff  }
0xc8: {  	v10 =	vld [tilespmem:s7+$0xFFFFFF30]  }
0xc9: {  	v4 =	vld.idx.msk [tilespmem:v2+s20+$0x0], $0xffff  }
0xca: {  	v8 =	vld [tilespmem:s7+$0xFFFFFF60]  }
0xcb: {  	v2 =	vld.idx.msk [tilespmem:v6+s20+$0x0], $0xffff  }
0xcc: {  	v6 =	vld [tilespmem:s7+$0xFFFFFF40];
	v12 =	vmul.f32 v7, v3  }
0xcd: {  	v5 =	vld.idx.msk [tilespmem:v5+s20+$0x0], $0xffff  }
0xce: {  	v7 =	vld [tilespmem:s7+$0xFFFFFF50];
	[tilespmem:s7+$0xFFFFFFC0] =	vst v12;
	v12 =	vmul.f32 v9, v4  }
0xcf: {  	s10 =	sadd.s32 $0x4, s6;
	s9 =	simm.s32 $0x8;
	s19 =	simm.s32 $0xFF50;
	v11 =	vmul.f32 v11, v4;
	v9 =	vld [tilespmem:s7+$0xFFFFFF70]  }
.LBB2_7:
0xd0: {  	p0 =	slt.u32 s9, $0x4C;
	v13 =	vmov s10;
	s11 =	sadd.s32 $0x1, s10;
	s12 =	sadd.s32 $0x2, s10;
	[tilespmem:s7+$0xFFFFFF10] =	vst v12;
	v10 =	vmul.f32 v10, v4;
	v12 =	vld [tilespmem:s7+$0xFFFFFF80]  }
0xd1: {  	s10 =	sadd.s32 $0x3, s10;
	v13 =	vand.u32 $0xFFFFFFFC, v13;
	v14 =	vmov s11;
	v15 =	vmov s12;
	[tilespmem:s7+$0xFFFFFF20] =	vst v11;
	v11 =	vld [tilespmem:s7+$0xFFFFFF90]  }
0xd2: {  	v13 =	vbroadcast v13, $0x0;
	v14 =	vand.u32 $0xFFFFFFFD, v14;
	v15 =	vand.u32 $0xFFFFFFFE, v15;
	[tilespmem:s7+$0xFFFFFF30] =	vst v10;
	v10 =	vld [tilespmem:s7+$0xFFFFFFA0]  }
0xd3: {  	v16 =	vmov s10;
	v14 =	vbroadcast v14, $0x0;
	v15 =	vbroadcast v15, $0x0;
	v17 =	vld [tilespmem:s7+$0xFFFFFFB0]  }
0xd4: {  	v7 =	vmul.f32 v7, v5;
	v8 =	vmul.f32 v8, v5;
	v18 =	vld [tilespmem:s7+$0xFFFFFFD0]  }
0xd5: {  	v9 =	vmul.f32 v9, v5;
	v5 =	vmul.f32 v12, v5;
	v12 =	vld [tilespmem:s7+$0xFFFFFFE0]  }
0xd6: {  	v6 =	vmul.f32 v6, v4;
	[tilespmem:s7+$0xFFFFFF50] =	vst v7;
	v7 =	vmul.f32 v11, v3;
	v11 =	vld [tilespmem:s7+$0xFFFFFFF0]  }
0xd7: {  	[tilespmem:s7+$0xFFFFFF60] =	vst v8;
	v8 =	vmul.f32 v10, v3;
	v10 =	vld [tilespmem:s7+$0x0]  }
0xd8: {  	v4 =	vld.idx.msk [tilespmem:v13+s20+$0x0], $0xffff;
	[tilespmem:s7+$0xFFFFFF70] =	vst v9;
	v9 =	vmul.f32 v17, v3  }
0xd9: {  	s7 =	sadd.s32 $0x100, s7;
	v3 =	vld.idx.msk [tilespmem:v15+s20+$0x0], $0xffff;
	[tilespmem:s19+$0xFFFFFF80] =	vst v5;
	v13 =	vmul.f32 v18, v2  }
0xda: {  	v15 =	vld [tilespmem:s7+$0xFFFFFFC0];
	[tilespmem:s19+$0xFFFFFF90] =	vst v7;
	v7 =	vmul.f32 v12, v2  }
0xdb: {  	v5 =	vld.idx.msk [tilespmem:v14+s20+$0x0], $0xffff;
	[tilespmem:s19+$0xFFFFFFA0] =	vst v8;
	v8 =	vmul.f32 v11, v2  }
0xdc: {  	[tilespmem:s19+$0xFFFFFFB0] =	vst v9;
	v9 =	vmul.f32 v10, v2;
	v2 =	vld.idx.msk [tilespmem:v16+s20+$0x0], $0xffff  }
0xdd: {  	v11 =	vld [tilespmem:s7+$0xFFFFFF10];
	[tilespmem:s19+$0xFFFFFF40] =	vst v6  }
0xde: {  	v14 =	vld [tilespmem:s7+$0xFFFFFF20];
	[tilespmem:s19+$0xFFFFFFD0] =	vst v13  }
.Ltmp2:
0xdf: {  	v10 =	vld [tilespmem:s7+$0xFFFFFF30];
	v12 =	vmul.f32 v15, v3;
	[tilespmem:s19+$0xFFFFFFE0] =	vst v7;
	(pc) =	sbr.rel @p0 .LBB2_7-.Ltmp2, $4  }
0xe0: {  	v6 =	vld [tilespmem:s7+$0xFFFFFF40];
	[tilespmem:s19+$0xFFFFFFF0] =	vst v8  }
0xe1: {  	v7 =	vld [tilespmem:s7+$0xFFFFFF50];
	[tilespmem:s7+$0xFFFFFFC0] =	vst v12  }
0xe2: {  	v12 =	vmul.f32 v11, v4;
	v8 =	vld [tilespmem:s7+$0xFFFFFF60];
	[tilespmem:s19+$0x0] =	vst v9;
	s19 =	smov.u32 s7  }
0xe3: {  	s10 =	sadd.s32 s6, s9;
	s9 =	sadd.s32 $0x4, s9;
	v11 =	vmul.f32 v14, v4;
	v9 =	vld [tilespmem:s7+$0xFFFFFF70]  }
0xe4: {  	v14 =	vld [tilespmem:s7+$0xFFFFFF80]  }
0xe5: {  	v13 =	vmov s10;
	v16 =	vld [tilespmem:s7+$0xFFFFFF90]  }
0xe6: {  	s9 =	sadd.s32 $0x2, s10;
	s12 =	sadd.s32 $0x1, s10;
	v17 =	vld [tilespmem:s7+$0xFFFFFFA0];
	v10 =	vmul.f32 v10, v4;
	s10 =	sadd.s32 $0x3, s10;
	v13 =	vand.u32 $0xFFFFFFFC, v13  }
0xe7: {  	v19 =	vld [tilespmem:s7+$0xFFFFFFB0];
	[tilespmem:s7+$0xFFFFFF10] =	vst v12;
	v15 =	vmov s9;
	v18 =	vmov s12;
	v20 =	vmov s10  }
0xe8: {  	v63 =	vld [tilespmem:s7+$0xFFFFFFD0];
	[tilespmem:s7+$0xFFFFFF20] =	vst v11;
	v4 =	vmul.f32 v6, v4;
	v13 =	vbroadcast v13, $0x0;
	v15 =	vand.u32 $0xFFFFFFFE, v15  }
0xe9: {  	v12 =	vand.u32 $0xFFFFFFFD, v18;
	v7 =	vmul.f32 v7, v5;
	[tilespmem:s7+$0xFFFFFF30] =	vst v10;
	v10 =	vld [tilespmem:s7+$0xFFFFFFF0];
	v15 =	vbroadcast v15, $0x0  }
0xea: {  	s11 =	sadd.s32 $0x100, s7;
	v11 =	vbroadcast v12, $0x0;
	v12 =	vld [tilespmem:s7+$0xFFFFFFE0];
	v8 =	vmul.f32 v8, v5;
	[tilespmem:s19+$0xFFFFFF40] =	vst v4  }
0xeb: {  	v4 =	vld [tilespmem:s11+$0xFFFFFF20];
	v9 =	vmul.f32 v9, v5;
	[tilespmem:s7+$0xFFFFFF50] =	vst v7  }
0xec: {  	v7 =	vld [tilespmem:s7+$0x0];
	v5 =	vmul.f32 v14, v5;
	[tilespmem:s7+$0xFFFFFF60] =	vst v8  }
0xed: {  	[tilespmem:s7+$0xFFFFFF70] =	vst v9;
	v6 =	vld.idx.msk [tilespmem:v20+s20+$0x0], $0xffff  }
0xee: {  	[tilespmem:s19+$0xFFFFFF80] =	vst v5;
	v5 =	vld [tilespmem:s11+$0xFFFFFFC0];
	v10 =	vmul.f32 v10, v2  }
0xef: {  	v8 =	vld.idx.msk [tilespmem:v13+s20+$0x0], $0xffff;
	v13 =	vmul.f32 v16, v3  }
0xf0: {  	v14 =	vmul.f32 v17, v3;
	v3 =	vmul.f32 v19, v3;
	v9 =	vld.idx.msk [tilespmem:v15+s20+$0x0], $0xffff;
	[tilespmem:s19+$0xFFFFFFF0] =	vst v10  }
0xf1: {  	v12 =	vmul.f32 v12, v2;
	v11 =	vld.idx.msk [tilespmem:v11+s20+$0x0], $0xffff;
	[tilespmem:s19+$0xFFFFFF90] =	vst v13  }
0xf2: {  	v10 =	vld [tilespmem:s11+$0xFFFFFF90];
	v13 =	vmul.f32 v63, v2;
	[tilespmem:s19+$0xFFFFFFB0] =	vst v3  }
0xf3: {  	v3 =	vld [tilespmem:s11+$0xFFFFFF10];
	[tilespmem:s19+$0xFFFFFFE0] =	vst v12;
	v2 =	vmul.f32 v7, v2  }
0xf4: {  	v12 =	vld [tilespmem:s11+$0xFFFFFF50];
	[tilespmem:s19+$0xFFFFFFD0] =	vst v13  }
0xf5: {  	v13 =	vld [tilespmem:s11+$0xFFFFFF30];
	[tilespmem:s19+$0x0] =	vst v2;
	v2 =	vmul.f32 v4, v8  }
0xf6: {  	[tilespmem:s19+$0xFFFFFFA0] =	vst v14;
	v4 =	vld [tilespmem:s11+$0xFFFFFF80];
	v5 =	vmul.f32 v5, v9  }
0xf7: {  	v7 =	vld [tilespmem:s11+$0xFFFFFF60];
	v10 =	vmul.f32 v10, v9;
	[tilespmem:s11+$0xFFFFFF20] =	vst v2  }
0xf8: {  	v3 =	vmul.f32 v3, v8;
	[tilespmem:s11+$0xFFFFFFC0] =	vst v5;
	v5 =	vld [tilespmem:s11+$0xFFFFFF70]  }
0xf9: {  	v2 =	vld [tilespmem:s11+$0xFFFFFFA0];
	v12 =	vmul.f32 v12, v11;
	[tilespmem:s11+$0xFFFFFF90] =	vst v10  }
0xfa: {  	[tilespmem:s11+$0xFFFFFF10] =	vst v3;
	v3 =	vmul.f32 v13, v8;
	v13 =	vld [tilespmem:s11+$0xFFFFFF40]  }
0xfb: {  	[tilespmem:s11+$0xFFFFFF50] =	vst v12;
	v12 =	vld [tilespmem:s11+$0xFFFFFFD0];
	v4 =	vmul.f32 v4, v11  }
0xfc: {  	v7 =	vmul.f32 v7, v11;
	[tilespmem:s11+$0xFFFFFF30] =	vst v3;
	v3 =	vld [tilespmem:s11+$0xFFFFFFB0]  }
0xfd: {  	[tilespmem:s11+$0xFFFFFF80] =	vst v4;
	v4 =	vld [tilespmem:s11+$0x0];
	v5 =	vmul.f32 v5, v11  }
0xfe: {  	[tilespmem:s11+$0xFFFFFF60] =	vst v7;
	v7 =	vld [tilespmem:s11+$0xFFFFFFE0];
	v2 =	vmul.f32 v2, v9  }
0xff: {  	v8 =	vmul.f32 v13, v8;
	[tilespmem:s11+$0xFFFFFF70] =	vst v5;
	v5 =	vld [tilespmem:s11+$0xFFFFFFF0]  }
0x100: {  	[tilespmem:s11+$0xFFFFFFA0] =	vst v2;
	v2 =	vmul.f32 v12, v6  }
0x101: {  	v3 =	vmul.f32 v3, v9;
	[tilespmem:s11+$0xFFFFFF40] =	vst v8  }
0x102: {  	[tilespmem:s11+$0xFFFFFFD0] =	vst v2;
	v2 =	vmul.f32 v4, v6  }
0x103: {  	[tilespmem:s11+$0xFFFFFFB0] =	vst v3;
	v3 =	vmul.f32 v7, v6  }
0x104: {  	[tilespmem:s11+$0x0] =	vst v2;
	v5 =	vmul.f32 v5, v6  }
0x105: {  	[tilespmem:s11+$0xFFFFFFE0] =	vst v3  }
0x106: {  	s6 =	sadd.s32 $0x4E20, s6;
	[tilespmem:s11+$0xFFFFFFF0] =	vst v5  }
0x107: {  	[spmem:s3] =	stream.indirect.scatter.add.f32 [tilespmem:s23], [sflag:$0x5], $0x40, s6, s22, $0xb8;
	[tilespmem:$0x1C2A0] =	vst v63  }
0x108: {  	_ =	swait.ge [sflag:s29], $0x1400  }
0x109: {  	[sflag:s29] =	ssyncset.done $0x0  }
0x10a: {  	[sflag:s29] =	ssyncadd.s32 $0xFFFFEC00  }
0x10b: {  	v2 =	vld [tilespmem:s5+$0xF0]  }
0x10c: {  	v3 =	vld [tilespmem:s5+$0x100]  }
0x10d: {  	v4 =	vld [tilespmem:s5+$0x110]  }
0x10e: {  	v5 =	vld [tilespmem:s5+$0x120];
	_ =	sdelay $0x1  }
0x10f: {  	v6 =	vld [tilespmem:s5+$0x130]  }
0x110: {  	v2 =	vshll.u32 v2, $0x1  }
0x111: {  	s6 =	sadd.s32 $0xA0, s5;
	v3 =	vshll.u32 v3, $0x1;
	v2 =	vor.u32 v0, v2  }
0x112: {  	s12 =	sadd.s32 $0x0, s6;
	[tilespmem:s5+$0xF0] =	vst v2;
	v2 =	vor.u32 v0, v3;
	v3 =	vshll.u32 v4, $0x1;
	v4 =	vshll.u32 v5, $0x1  }
0x113: {  	[tilespmem:s5+$0x100] =	vst v2;
	v2 =	vor.u32 v0, v3;
	v3 =	vor.u32 v0, v4;
	v4 =	vmov s12  }
0x114: {  	[tilespmem:s5+$0x110] =	vst v2;
	v2 =	vshll.u32 v6, $0x1;
	v4 =	vand.u32 $0xFFFFFFFC, v4  }
0x115: {  	s10 =	sadd.s32 $0x2, s12;
	[tilespmem:s5+$0x120] =	vst v3;
	v2 =	vor.u32 v0, v2;
	v3 =	vbroadcast v4, $0x0  }
0x116: {  	s19 =	sadd.s32 $0xF0, s5;
	v5 =	vmov s10;
	[tilespmem:s5+$0x130] =	vst v2  }
0x117: {  	v4 =	vand.u32 $0xFFFFFFFE, v5;
	[tilespmem:s21], [sflag:$0x1] =	stream.indirect.gather [hbm4b:s1+s22], $0x40, s19, s22, $0xb8;
	[tilespmem:$0x1C2A0] =	vst v63  }
0x118: {  	v5 =	vbroadcast v4, $0x0;
	_ =	swait.ge [sflag:s30], $0x1400  }
0x119: {  	s11 =	sadd.s32 $0x1, s12;
	[sflag:s30] =	ssyncset.done $0x0  }
0x11a: {  	v2 =	vmov s11;
	[sflag:s30] =	ssyncadd.s32 $0xFFFFEC00  }
0x11b: {  	s7 =	simm.s32 $0x11350;
	v2 =	vand.u32 $0xFFFFFFFD, v2;
	v4 =	vld.idx.msk [tilespmem:v3+s20+$0x0], $0xffff  }
0x11c: {  	v2 =	vbroadcast v2, $0x0;
	v7 =	vld [tilespmem:s7+$0xFFFFFFC0]  }
0x11d: {  	s12 =	sadd.s32 $0x3, s12;
	v9 =	vld [tilespmem:s7+$0xFFFFFF10]  }
0x11e: {  	v6 =	vmov s12;
	v3 =	vld.idx.msk [tilespmem:v5+s20+$0x0], $0xffff  }
0x11f: {  	v11 =	vld [tilespmem:s7+$0xFFFFFF20]  }
0x120: {  	v10 =	vld [tilespmem:s7+$0xFFFFFF30]  }
0x121: {  	v8 =	vld [tilespmem:s7+$0xFFFFFF60]  }
0x122: {  	v5 =	vld.idx.msk [tilespmem:v2+s20+$0x0], $0xffff  }
0x123: {  	v2 =	vld.idx.msk [tilespmem:v6+s20+$0x0], $0xffff;
	v12 =	vmul.f32 v7, v3  }
0x124: {  	v6 =	vld [tilespmem:s7+$0xFFFFFF40]  }
0x125: {  	v7 =	vld [tilespmem:s7+$0xFFFFFF50];
	[tilespmem:s7+$0xFFFFFFC0] =	vst v12;
	v12 =	vmul.f32 v9, v4  }
0x126: {  	s9 =	simm.s32 $0x8;
	s10 =	sadd.s32 $0x4, s6;
	s5 =	simm.s32 $0x11350;
	v11 =	vmul.f32 v11, v4;
	v9 =	vld [tilespmem:s7+$0xFFFFFF70]  }
.LBB2_9:
0x127: {  	p0 =	slt.u32 s9, $0x4C;
	v13 =	vmov s10;
	s11 =	sadd.s32 $0x1, s10;
	s12 =	sadd.s32 $0x2, s10;
	[tilespmem:s7+$0xFFFFFF10] =	vst v12;
	v10 =	vmul.f32 v10, v4;
	v12 =	vld [tilespmem:s7+$0xFFFFFF80]  }
0x128: {  	s10 =	sadd.s32 $0x3, s10;
	v13 =	vand.u32 $0xFFFFFFFC, v13;
	v14 =	vmov s11;
	v15 =	vmov s12;
	[tilespmem:s7+$0xFFFFFF20] =	vst v11;
	v11 =	vld [tilespmem:s7+$0xFFFFFF90]  }
0x129: {  	v13 =	vbroadcast v13, $0x0;
	v14 =	vand.u32 $0xFFFFFFFD, v14;
	v15 =	vand.u32 $0xFFFFFFFE, v15;
	[tilespmem:s7+$0xFFFFFF30] =	vst v10;
	v10 =	vld [tilespmem:s7+$0xFFFFFFA0]  }
0x12a: {  	v16 =	vmov s10;
	v14 =	vbroadcast v14, $0x0;
	v15 =	vbroadcast v15, $0x0;
	v17 =	vld [tilespmem:s7+$0xFFFFFFB0]  }
0x12b: {  	v7 =	vmul.f32 v7, v5;
	v8 =	vmul.f32 v8, v5;
	v18 =	vld [tilespmem:s7+$0xFFFFFFD0]  }
0x12c: {  	v9 =	vmul.f32 v9, v5;
	v5 =	vmul.f32 v12, v5;
	v12 =	vld [tilespmem:s7+$0xFFFFFFE0]  }
0x12d: {  	v6 =	vmul.f32 v6, v4;
	[tilespmem:s7+$0xFFFFFF50] =	vst v7;
	v7 =	vmul.f32 v11, v3;
	v11 =	vld [tilespmem:s7+$0xFFFFFFF0]  }
0x12e: {  	[tilespmem:s7+$0xFFFFFF60] =	vst v8;
	v8 =	vmul.f32 v10, v3;
	v10 =	vld [tilespmem:s7+$0x0]  }
0x12f: {  	v4 =	vld.idx.msk [tilespmem:v13+s20+$0x0], $0xffff;
	[tilespmem:s7+$0xFFFFFF70] =	vst v9;
	v9 =	vmul.f32 v17, v3  }
0x130: {  	s7 =	sadd.s32 $0x100, s7;
	v3 =	vld.idx.msk [tilespmem:v15+s20+$0x0], $0xffff;
	[tilespmem:s5+$0xFFFFFF80] =	vst v5;
	v13 =	vmul.f32 v18, v2  }
0x131: {  	v15 =	vld [tilespmem:s7+$0xFFFFFFC0];
	[tilespmem:s5+$0xFFFFFF90] =	vst v7;
	v7 =	vmul.f32 v12, v2  }
0x132: {  	v5 =	vld.idx.msk [tilespmem:v14+s20+$0x0], $0xffff;
	[tilespmem:s5+$0xFFFFFFA0] =	vst v8;
	v8 =	vmul.f32 v11, v2  }
0x133: {  	[tilespmem:s5+$0xFFFFFFB0] =	vst v9;
	v9 =	vmul.f32 v10, v2;
	v2 =	vld.idx.msk [tilespmem:v16+s20+$0x0], $0xffff  }
0x134: {  	v11 =	vld [tilespmem:s7+$0xFFFFFF10];
	[tilespmem:s5+$0xFFFFFF40] =	vst v6  }
0x135: {  	v14 =	vld [tilespmem:s7+$0xFFFFFF20];
	[tilespmem:s5+$0xFFFFFFD0] =	vst v13  }
.Ltmp3:
0x136: {  	v10 =	vld [tilespmem:s7+$0xFFFFFF30];
	v12 =	vmul.f32 v15, v3;
	[tilespmem:s5+$0xFFFFFFE0] =	vst v7;
	(pc) =	sbr.rel @p0 .LBB2_9-.Ltmp3, $4  }
0x137: {  	v6 =	vld [tilespmem:s7+$0xFFFFFF40];
	[tilespmem:s5+$0xFFFFFFF0] =	vst v8  }
0x138: {  	v7 =	vld [tilespmem:s7+$0xFFFFFF50];
	[tilespmem:s7+$0xFFFFFFC0] =	vst v12  }
0x139: {  	v12 =	vmul.f32 v11, v4;
	v8 =	vld [tilespmem:s7+$0xFFFFFF60];
	[tilespmem:s5+$0x0] =	vst v9;
	s5 =	smov.u32 s7  }
0x13a: {  	s10 =	sadd.s32 s6, s9;
	s9 =	sadd.s32 $0x4, s9;
	v11 =	vmul.f32 v14, v4;
	v9 =	vld [tilespmem:s7+$0xFFFFFF70]  }
0x13b: {  	v14 =	vld [tilespmem:s7+$0xFFFFFF80]  }
0x13c: {  	v13 =	vmov s10;
	v16 =	vld [tilespmem:s7+$0xFFFFFF90]  }
0x13d: {  	s9 =	sadd.s32 $0x2, s10;
	s12 =	sadd.s32 $0x1, s10;
	v17 =	vld [tilespmem:s7+$0xFFFFFFA0];
	v10 =	vmul.f32 v10, v4;
	s11 =	sadd.s32 $0x3, s10;
	v13 =	vand.u32 $0xFFFFFFFC, v13  }
0x13e: {  	v19 =	vld [tilespmem:s7+$0xFFFFFFB0];
	[tilespmem:s7+$0xFFFFFF10] =	vst v12;
	v15 =	vmov s9;
	v18 =	vmov s12;
	v20 =	vmov s11  }
0x13f: {  	v63 =	vld [tilespmem:s7+$0xFFFFFFD0];
	[tilespmem:s7+$0xFFFFFF20] =	vst v11;
	v4 =	vmul.f32 v6, v4;
	v13 =	vbroadcast v13, $0x0;
	v15 =	vand.u32 $0xFFFFFFFE, v15  }
0x140: {  	v12 =	vand.u32 $0xFFFFFFFD, v18;
	v7 =	vmul.f32 v7, v5;
	[tilespmem:s7+$0xFFFFFF30] =	vst v10;
	v10 =	vld [tilespmem:s7+$0xFFFFFFF0];
	v15 =	vbroadcast v15, $0x0  }
0x141: {  	s12 =	sadd.s32 $0x100, s7;
	v11 =	vbroadcast v12, $0x0;
	v12 =	vld [tilespmem:s7+$0xFFFFFFE0];
	v8 =	vmul.f32 v8, v5;
	[tilespmem:s5+$0xFFFFFF40] =	vst v4  }
0x142: {  	v4 =	vld [tilespmem:s12+$0xFFFFFF20];
	v9 =	vmul.f32 v9, v5;
	[tilespmem:s7+$0xFFFFFF50] =	vst v7  }
0x143: {  	v7 =	vld [tilespmem:s7+$0x0];
	v5 =	vmul.f32 v14, v5;
	[tilespmem:s7+$0xFFFFFF60] =	vst v8  }
0x144: {  	[tilespmem:s7+$0xFFFFFF70] =	vst v9;
	v6 =	vld.idx.msk [tilespmem:v20+s20+$0x0], $0xffff  }
0x145: {  	[tilespmem:s5+$0xFFFFFF80] =	vst v5;
	v5 =	vld [tilespmem:s12+$0xFFFFFFC0];
	v10 =	vmul.f32 v10, v2  }
0x146: {  	v8 =	vld.idx.msk [tilespmem:v13+s20+$0x0], $0xffff;
	v13 =	vmul.f32 v16, v3  }
0x147: {  	v14 =	vmul.f32 v17, v3;
	v3 =	vmul.f32 v19, v3;
	v9 =	vld.idx.msk [tilespmem:v15+s20+$0x0], $0xffff;
	[tilespmem:s5+$0xFFFFFFF0] =	vst v10  }
0x148: {  	v12 =	vmul.f32 v12, v2;
	v11 =	vld.idx.msk [tilespmem:v11+s20+$0x0], $0xffff;
	[tilespmem:s5+$0xFFFFFF90] =	vst v13  }
0x149: {  	v10 =	vld [tilespmem:s12+$0xFFFFFF90];
	v13 =	vmul.f32 v63, v2;
	[tilespmem:s5+$0xFFFFFFB0] =	vst v3  }
0x14a: {  	v3 =	vld [tilespmem:s12+$0xFFFFFF10];
	[tilespmem:s5+$0xFFFFFFE0] =	vst v12;
	v2 =	vmul.f32 v7, v2  }
0x14b: {  	v12 =	vld [tilespmem:s12+$0xFFFFFF50];
	[tilespmem:s5+$0xFFFFFFD0] =	vst v13  }
0x14c: {  	v13 =	vld [tilespmem:s12+$0xFFFFFF30];
	[tilespmem:s5+$0x0] =	vst v2;
	v2 =	vmul.f32 v4, v8  }
0x14d: {  	[tilespmem:s5+$0xFFFFFFA0] =	vst v14;
	v4 =	vld [tilespmem:s12+$0xFFFFFF80];
	v5 =	vmul.f32 v5, v9  }
0x14e: {  	v7 =	vld [tilespmem:s12+$0xFFFFFF60];
	v10 =	vmul.f32 v10, v9;
	[tilespmem:s12+$0xFFFFFF20] =	vst v2  }
0x14f: {  	v3 =	vmul.f32 v3, v8;
	[tilespmem:s12+$0xFFFFFFC0] =	vst v5;
	v5 =	vld [tilespmem:s12+$0xFFFFFF70]  }
0x150: {  	v2 =	vld [tilespmem:s12+$0xFFFFFFA0];
	v12 =	vmul.f32 v12, v11;
	[tilespmem:s12+$0xFFFFFF90] =	vst v10  }
0x151: {  	[tilespmem:s12+$0xFFFFFF10] =	vst v3;
	v3 =	vmul.f32 v13, v8;
	v13 =	vld [tilespmem:s12+$0xFFFFFF40]  }
0x152: {  	[tilespmem:s12+$0xFFFFFF50] =	vst v12;
	v12 =	vld [tilespmem:s12+$0xFFFFFFD0];
	v4 =	vmul.f32 v4, v11  }
0x153: {  	v7 =	vmul.f32 v7, v11;
	[tilespmem:s12+$0xFFFFFF30] =	vst v3;
	v3 =	vld [tilespmem:s12+$0xFFFFFFB0]  }
0x154: {  	[tilespmem:s12+$0xFFFFFF80] =	vst v4;
	v4 =	vld [tilespmem:s12+$0x0];
	v5 =	vmul.f32 v5, v11  }
0x155: {  	[tilespmem:s12+$0xFFFFFF60] =	vst v7;
	v7 =	vld [tilespmem:s12+$0xFFFFFFE0];
	v2 =	vmul.f32 v2, v9  }
0x156: {  	v8 =	vmul.f32 v13, v8;
	[tilespmem:s12+$0xFFFFFF70] =	vst v5;
	v5 =	vld [tilespmem:s12+$0xFFFFFFF0]  }
0x157: {  	[tilespmem:s12+$0xFFFFFFA0] =	vst v2;
	v2 =	vmul.f32 v12, v6  }
0x158: {  	v3 =	vmul.f32 v3, v9;
	[tilespmem:s12+$0xFFFFFF40] =	vst v8  }
0x159: {  	[tilespmem:s12+$0xFFFFFFD0] =	vst v2;
	v2 =	vmul.f32 v4, v6  }
0x15a: {  	[tilespmem:s12+$0xFFFFFFB0] =	vst v3;
	v3 =	vmul.f32 v7, v6  }
0x15b: {  	[tilespmem:s12+$0x0] =	vst v2;
	v5 =	vmul.f32 v5, v6  }
0x15c: {  	[tilespmem:s12+$0xFFFFFFE0] =	vst v3  }
0x15d: {  	s7 =	sadd.s32 $0x4E20, s6;
	[tilespmem:s12+$0xFFFFFFF0] =	vst v5  }
0x15e: {  	[spmem:s3] =	stream.indirect.scatter.add.f32 [tilespmem:s26], [sflag:$0x6], $0x40, s7, s22, $0xb8;
	[tilespmem:$0x1C2A0] =	vst v63  }
0x15f: {  	s9 =	smul.u32 $0x3C0, s2;
	_ =	swait.ge [sflag:s31], $0x1400  }
0x160: {  	[sflag:s31] =	ssyncset.done $0x0  }
0x161: {  	s5 =	sshra.s32 s9, $0x2;
	[sflag:s31] =	ssyncadd.s32 $0xFFFFEC00  }
0x162: {  	v2 =	vld [tilespmem:s5+$0x140]  }
0x163: {  	v3 =	vld [tilespmem:s5+$0x150]  }
0x164: {  	v4 =	vld [tilespmem:s5+$0x160]  }
0x165: {  	v5 =	vld [tilespmem:s5+$0x170];
	_ =	sdelay $0x1  }
0x166: {  	v6 =	vld [tilespmem:s5+$0x180]  }
0x167: {  	v2 =	vshll.u32 v2, $0x1  }
0x168: {  	v3 =	vshll.u32 v3, $0x1;
	v2 =	vor.u32 v0, v2  }
0x169: {  	s6 =	sadd.s32 $0x0, s19;
	[tilespmem:s5+$0x140] =	vst v2;
	v2 =	vor.u32 v0, v3;
	v3 =	vshll.u32 v4, $0x1;
	v4 =	vshll.u32 v5, $0x1  }
0x16a: {  	[tilespmem:s5+$0x150] =	vst v2;
	v2 =	vor.u32 v0, v3;
	v3 =	vor.u32 v0, v4;
	v4 =	vmov s6  }
0x16b: {  	[tilespmem:s5+$0x160] =	vst v2;
	v2 =	vshll.u32 v6, $0x1;
	v4 =	vand.u32 $0xFFFFFFFC, v4  }
0x16c: {  	s10 =	sadd.s32 $0x2, s6;
	[tilespmem:s5+$0x170] =	vst v3;
	v2 =	vor.u32 v0, v2;
	v3 =	vbroadcast v4, $0x0  }
0x16d: {  	s12 =	sadd.s32 $0x140, s5;
	v5 =	vmov s10;
	[tilespmem:s5+$0x180] =	vst v2  }
0x16e: {  	v4 =	vand.u32 $0xFFFFFFFE, v5;
	[tilespmem:s23], [sflag:$0x2] =	stream.indirect.gather [hbm4b:s1+s22], $0x40, s12, s22, $0xb8;
	[tilespmem:$0x1C2A0] =	vst v63  }
0x16f: {  	v5 =	vbroadcast v4, $0x0;
	_ =	swait.ge [sflag:s24], $0x1400  }
0x170: {  	s11 =	sadd.s32 $0x1, s6;
	[sflag:s24] =	ssyncset.done $0x0  }
0x171: {  	v2 =	vmov s11;
	[sflag:s24] =	ssyncadd.s32 $0xFFFFEC00  }
0x172: {  	s7 =	simm.s32 $0xEAE0;
	v2 =	vand.u32 $0xFFFFFFFD, v2;
	v4 =	vld.idx.msk [tilespmem:v3+s20+$0x0], $0xffff  }
0x173: {  	v2 =	vbroadcast v2, $0x0;
	v7 =	vld [tilespmem:s7+$0x30]  }
0x174: {  	s6 =	sadd.s32 $0x3, s6;
	v9 =	vld [tilespmem:s7+$0xFFFFFF80]  }
0x175: {  	v6 =	vmov s6;
	v3 =	vld.idx.msk [tilespmem:v5+s20+$0x0], $0xffff  }
0x176: {  	v11 =	vld [tilespmem:s7+$0xFFFFFF90]  }
0x177: {  	v10 =	vld [tilespmem:s7+$0xFFFFFFA0]  }
0x178: {  	v8 =	vld [tilespmem:s7+$0xFFFFFFD0]  }
0x179: {  	v5 =	vld.idx.msk [tilespmem:v2+s20+$0x0], $0xffff  }
0x17a: {  	v2 =	vld.idx.msk [tilespmem:v6+s20+$0x0], $0xffff;
	v12 =	vmul.f32 v7, v3  }
0x17b: {  	v6 =	vld [tilespmem:s7+$0xFFFFFFB0]  }
0x17c: {  	v7 =	vld [tilespmem:s7+$0xFFFFFFC0];
	[tilespmem:s7+$0x30] =	vst v12;
	v12 =	vmul.f32 v9, v4  }
0x17d: {  	s9 =	simm.s32 $0x8;
	s10 =	sadd.s32 $0x4, s19;
	s6 =	simm.s32 $0xEAE0;
	v11 =	vmul.f32 v11, v4;
	v9 =	vld [tilespmem:s7+$0xFFFFFFE0]  }
.LBB2_11:
0x17e: {  	p0 =	slt.u32 s9, $0x4C;
	v13 =	vmov s10;
	s11 =	sadd.s32 $0x1, s10;
	s12 =	sadd.s32 $0x2, s10;
	[tilespmem:s7+$0xFFFFFF80] =	vst v12;
	v10 =	vmul.f32 v10, v4;
	v12 =	vld [tilespmem:s7+$0xFFFFFFF0]  }
0x17f: {  	s10 =	sadd.s32 $0x3, s10;
	v13 =	vand.u32 $0xFFFFFFFC, v13;
	v14 =	vmov s11;
	v15 =	vmov s12;
	[tilespmem:s7+$0xFFFFFF90] =	vst v11;
	v11 =	vld [tilespmem:s7+$0x0]  }
0x180: {  	v13 =	vbroadcast v13, $0x0;
	v14 =	vand.u32 $0xFFFFFFFD, v14;
	v15 =	vand.u32 $0xFFFFFFFE, v15;
	[tilespmem:s7+$0xFFFFFFA0] =	vst v10;
	v10 =	vld [tilespmem:s7+$0x10]  }
0x181: {  	v16 =	vmov s10;
	v14 =	vbroadcast v14, $0x0;
	v15 =	vbroadcast v15, $0x0;
	v17 =	vld [tilespmem:s7+$0x20]  }
0x182: {  	v7 =	vmul.f32 v7, v5;
	v8 =	vmul.f32 v8, v5;
	v18 =	vld [tilespmem:s7+$0x40]  }
0x183: {  	v9 =	vmul.f32 v9, v5;
	v5 =	vmul.f32 v12, v5;
	v12 =	vld [tilespmem:s7+$0x50]  }
0x184: {  	v6 =	vmul.f32 v6, v4;
	[tilespmem:s7+$0xFFFFFFC0] =	vst v7;
	v7 =	vmul.f32 v11, v3;
	v11 =	vld [tilespmem:s7+$0x60]  }
0x185: {  	[tilespmem:s7+$0xFFFFFFD0] =	vst v8;
	v8 =	vmul.f32 v10, v3;
	v10 =	vld [tilespmem:s7+$0x70]  }
0x186: {  	v4 =	vld.idx.msk [tilespmem:v13+s20+$0x0], $0xffff;
	[tilespmem:s7+$0xFFFFFFE0] =	vst v9;
	v9 =	vmul.f32 v17, v3  }
0x187: {  	s7 =	sadd.s32 $0x100, s7;
	v3 =	vld.idx.msk [tilespmem:v15+s20+$0x0], $0xffff;
	[tilespmem:s6+$0xFFFFFFF0] =	vst v5;
	v13 =	vmul.f32 v18, v2  }
0x188: {  	v15 =	vld [tilespmem:s7+$0x30];
	[tilespmem:s6+$0x0] =	vst v7;
	v7 =	vmul.f32 v12, v2  }
0x189: {  	v5 =	vld.idx.msk [tilespmem:v14+s20+$0x0], $0xffff;
	[tilespmem:s6+$0x10] =	vst v8;
	v8 =	vmul.f32 v11, v2  }
0x18a: {  	[tilespmem:s6+$0x20] =	vst v9;
	v9 =	vmul.f32 v10, v2;
	v2 =	vld.idx.msk [tilespmem:v16+s20+$0x0], $0xffff  }
0x18b: {  	v11 =	vld [tilespmem:s7+$0xFFFFFF80];
	[tilespmem:s6+$0xFFFFFFB0] =	vst v6  }
0x18c: {  	v14 =	vld [tilespmem:s7+$0xFFFFFF90];
	[tilespmem:s6+$0x40] =	vst v13  }
.Ltmp4:
0x18d: {  	v10 =	vld [tilespmem:s7+$0xFFFFFFA0];
	v12 =	vmul.f32 v15, v3;
	[tilespmem:s6+$0x50] =	vst v7;
	(pc) =	sbr.rel @p0 .LBB2_11-.Ltmp4, $4  }
0x18e: {  	v6 =	vld [tilespmem:s7+$0xFFFFFFB0];
	[tilespmem:s6+$0x60] =	vst v8  }
0x18f: {  	v7 =	vld [tilespmem:s7+$0xFFFFFFC0];
	[tilespmem:s7+$0x30] =	vst v12  }
0x190: {  	v12 =	vmul.f32 v11, v4;
	v8 =	vld [tilespmem:s7+$0xFFFFFFD0];
	[tilespmem:s6+$0x70] =	vst v9;
	s6 =	smov.u32 s7  }
0x191: {  	s10 =	sadd.s32 s19, s9;
	s9 =	sadd.s32 $0x4, s9;
	v11 =	vmul.f32 v14, v4;
	v9 =	vld [tilespmem:s7+$0xFFFFFFE0]  }
0x192: {  	v14 =	vld [tilespmem:s7+$0xFFFFFFF0]  }
0x193: {  	v16 =	vld [tilespmem:s7+$0x0]  }
0x194: {  	v17 =	vld [tilespmem:s7+$0x10]  }
0x195: {  	v19 =	vld [tilespmem:s7+$0x20]  }
0x196: {  	v13 =	vmov s10;
	s9 =	sadd.s32 $0x2, s10;
	[tilespmem:s7+$0xFFFFFF80] =	vst v12;
	v10 =	vmul.f32 v10, v4;
	v35 =	vld [tilespmem:s7+$0x40]  }
0x197: {  	v37 =	vld [tilespmem:s7+$0x50];
	v13 =	vand.u32 $0xFFFFFFFC, v13;
	v15 =	vmov s9;
	[tilespmem:s7+$0xFFFFFF90] =	vst v11;
	v46 =	vmul.f32 v6, v4  }
0x198: {  	v38 =	vld [tilespmem:s7+$0x60];
	v13 =	vbroadcast v13, $0x0;
	v15 =	vand.u32 $0xFFFFFFFE, v15;
	v7 =	vmul.f32 v7, v5;
	[tilespmem:s7+$0xFFFFFFA0] =	vst v10  }
0x199: {  	s12 =	sadd.s32 $0x1, s10;
	v39 =	vld [tilespmem:s7+$0x70];
	s11 =	sadd.s32 $0x100, s7;
	v15 =	vbroadcast v15, $0x0;
	v8 =	vmul.f32 v8, v5;
	[tilespmem:s6+$0xFFFFFFB0] =	vst v46  }
0x19a: {  	v18 =	vmov s12;
	v45 =	vld [tilespmem:s11+$0x30];
	v9 =	vmul.f32 v9, v5;
	[tilespmem:s7+$0xFFFFFFC0] =	vst v7;
	v42 =	vmul.f32 v16, v3  }
0x19b: {  	v49 =	vld [tilespmem:s11+$0xFFFFFF90];
	v34 =	vand.u32 $0xFFFFFFFD, v18;
	[tilespmem:s7+$0xFFFFFFD0] =	vst v8;
	v44 =	vmul.f32 v17, v3;
	v3 =	vmul.f32 v19, v3  }
0x19c: {  	v50 =	vld [tilespmem:s11+$0xFFFFFFA0];
	v36 =	vbroadcast v34, $0x0;
	v40 =	vmul.f32 v14, v5;
	[tilespmem:s7+$0xFFFFFFE0] =	vst v9  }
0x19d: {  	[tilespmem:s6+$0x20] =	vst v3;
	v3 =	vld [tilespmem:s11+$0xFFFFFF80]  }
0x19e: {  	[tilespmem:s6+$0xFFFFFFF0] =	vst v40;
	v41 =	vld.idx.msk [tilespmem:v13+s20+$0x0], $0xffff  }
0x19f: {  	v51 =	vld [tilespmem:s11+$0xFFFFFFC0];
	v48 =	vmul.f32 v35, v2;
	[tilespmem:s6+$0x0] =	vst v42  }
0x1a0: {  	v56 =	vld [tilespmem:s11+$0xFFFFFFB0];
	v12 =	vmul.f32 v37, v2;
	[tilespmem:s6+$0x10] =	vst v44  }
0x1a1: {  	v10 =	vmul.f32 v38, v2;
	[tilespmem:s6+$0x40] =	vst v48;
	v43 =	vld.idx.msk [tilespmem:v15+s20+$0x0], $0xffff  }
0x1a2: {  	s10 =	sadd.s32 $0x3, s10;
	v2 =	vmul.f32 v39, v2;
	[tilespmem:s6+$0x50] =	vst v12;
	v11 =	vld.idx.msk [tilespmem:v36+s20+$0x0], $0xffff  }
0x1a3: {  	v20 =	vmov s10;
	v52 =	vld [tilespmem:s11+$0xFFFFFFD0];
	[tilespmem:s6+$0x60] =	vst v10;
	v3 =	vmul.f32 v3, v41  }
0x1a4: {  	v53 =	vld [tilespmem:s11+$0xFFFFFFE0];
	[tilespmem:s6+$0x70] =	vst v2;
	v2 =	vmul.f32 v49, v41  }
0x1a5: {  	v54 =	vld [tilespmem:s11+$0xFFFFFFF0];
	v8 =	vmul.f32 v56, v41;
	[tilespmem:s11+$0xFFFFFF80] =	vst v3  }
0x1a6: {  	v55 =	vld [tilespmem:s11+$0x0];
	v5 =	vmul.f32 v45, v43;
	[tilespmem:s11+$0xFFFFFF90] =	vst v2  }
0x1a7: {  	v59 =	vld [tilespmem:s11+$0x60];
	v12 =	vmul.f32 v51, v11;
	[tilespmem:s11+$0xFFFFFFB0] =	vst v8  }
0x1a8: {  	v47 =	vld.idx.msk [tilespmem:v20+s20+$0x0], $0xffff;
	v3 =	vmul.f32 v50, v41;
	[tilespmem:s11+$0x30] =	vst v5  }
0x1a9: {  	v7 =	vmul.f32 v52, v11;
	v2 =	vld [tilespmem:s11+$0x10];
	[tilespmem:s11+$0xFFFFFFC0] =	vst v12  }
0x1aa: {  	v4 =	vmul.f32 v54, v11;
	[tilespmem:s11+$0xFFFFFFA0] =	vst v3;
	v3 =	vld [tilespmem:s11+$0x20]  }
0x1ab: {  	v57 =	vld [tilespmem:s11+$0x40];
	v5 =	vmul.f32 v53, v11;
	[tilespmem:s11+$0xFFFFFFD0] =	vst v7  }
0x1ac: {  	v58 =	vld [tilespmem:s11+$0x50];
	v10 =	vmul.f32 v55, v43;
	[tilespmem:s11+$0xFFFFFFF0] =	vst v4  }
0x1ad: {  	v60 =	vld [tilespmem:s11+$0x70];
	[tilespmem:s11+$0xFFFFFFE0] =	vst v5;
	v5 =	vmul.f32 v59, v47  }
0x1ae: {  	[tilespmem:s11+$0x0] =	vst v10;
	v2 =	vmul.f32 v2, v43  }
0x1af: {  	[tilespmem:s11+$0x60] =	vst v5;
	v3 =	vmul.f32 v3, v43  }
0x1b0: {  	[tilespmem:s11+$0x10] =	vst v2;
	v2 =	vmul.f32 v57, v47  }
0x1b1: {  	[tilespmem:s11+$0x20] =	vst v3;
	v3 =	vmul.f32 v58, v47  }
0x1b2: {  	[tilespmem:s11+$0x40] =	vst v2;
	v2 =	vmul.f32 v60, v47  }
0x1b3: {  	[tilespmem:s11+$0x50] =	vst v3  }
0x1b4: {  	s12 =	sadd.s32 $0x4E20, s19;
	[tilespmem:s11+$0x70] =	vst v2  }
0x1b5: {  	[spmem:s3] =	stream.indirect.scatter.add.f32 [tilespmem:s21], [sflag:$0x4], $0x40, s12, s22, $0xb8;
	[tilespmem:$0x1C2A0] =	vst v63  }
0x1b6: {  	_ =	swait.ge [sflag:s0], $0x1400  }
0x1b7: {  	[sflag:s0] =	ssyncset.done $0x0  }
0x1b8: {  	[sflag:s0] =	ssyncadd.s32 $0xFFFFEC00  }
0x1b9: {  	v2 =	vld [tilespmem:s5+$0x190]  }
0x1ba: {  	v3 =	vld [tilespmem:s5+$0x1A0]  }
0x1bb: {  	v61 =	vld [tilespmem:s5+$0x1B0]  }
0x1bc: {  	v62 =	vld [tilespmem:s5+$0x1C0]  }
0x1bd: {  	v63 =	vld [tilespmem:s5+$0x1D0]  }
0x1be: {  	v2 =	vshll.u32 v2, $0x1  }
0x1bf: {  	s2 =	sadd.s32 $0x1, s2;
	v3 =	vshll.u32 v3, $0x1;
	v2 =	vor.u32 v0, v2  }
0x1c0: {  	p0 =	sne.s32 s2, $0x52;
	[tilespmem:s5+$0x190] =	vst v2;
	v2 =	vor.u32 v0, v3;
	v3 =	vshll.u32 v61, $0x1  }
.Ltmp5:
0x1c1: {  	[tilespmem:s5+$0x1A0] =	vst v2;
	v2 =	vor.u32 v0, v3;
	v3 =	vshll.u32 v62, $0x1;
	(pc) =	sbr.rel @p0 .LBB2_6-.Ltmp5, $4  }
0x1c2: {  	[tilespmem:s5+$0x1B0] =	vst v2;
	v2 =	vor.u32 v0, v3;
	v3 =	vshll.u32 v63, $0x1  }
0x1c3: {  	[tilespmem:s5+$0x1C0] =	vst v2;
	v2 =	vor.u32 v0, v3  }
0x1c4: {  	s19 =	sadd.s32 $0x190, s5;
	[tilespmem:s5+$0x1D0] =	vst v2  }
0x1c5: {  	[tilespmem:s26], [sflag:$0x3] =	stream.indirect.gather [hbm4b:s1+s22], $0x40, s19, s22, $0xb8;
	[tilespmem:$0x1C2A0] =	vst v63  }
0x1c6: {  	s2 =	simm.s32 $0x0  }
0x1c7: {  	v2 =	vmov s2  }
0x1c8: {  	s10 =	simm.s32 $0x3;
	s11 =	simm.s32 $0x2;
	v2 =	vadd.s32 $0x4D30, v2  }
0x1c9: {  	v3 =	vmov s10;
	v5 =	vmov s11;
	v2 =	vand.u32 $0xFFFFFFFC, v2  }
0x1ca: {  	v3 =	vadd.s32 $0x4D30, v3;
	v5 =	vadd.s32 $0x4D30, v5;
	v2 =	vbroadcast v2, $0x0  }
0x1cb: {  	_ =	swait.ge [sflag:s28], $0x1400;
	v3 =	vbroadcast v3, $0x0;
	v5 =	vand.u32 $0xFFFFFFFE, v5  }
0x1cc: {  	s5 =	simm.s32 $0x1;
	[sflag:s28] =	ssyncset.done $0x0;
	v5 =	vbroadcast v5, $0x0  }
0x1cd: {  	v4 =	vmov s5;
	s2 =	simm.s32 $0xFF50;
	[sflag:s28] =	ssyncadd.s32 $0xFFFFEC00  }
0x1ce: {  	v4 =	vadd.s32 $0x4D30, v4;
	v6 =	vld [tilespmem:s2+$0xFFFFFFC0]  }
0x1cf: {  	v4 =	vand.u32 $0xFFFFFFFD, v4;
	v7 =	vld [tilespmem:s2+$0xFFFFFF10]  }
0x1d0: {  	v4 =	vbroadcast v4, $0x0;
	v10 =	vld.idx.msk [tilespmem:v2+s20+$0x0], $0xffff  }
0x1d1: {  	v2 =	vld.idx.msk [tilespmem:v3+s20+$0x0], $0xffff  }
0x1d2: {  	v3 =	vld.idx.msk [tilespmem:v5+s20+$0x0], $0xffff  }
0x1d3: {  	v8 =	vld [tilespmem:s2+$0xFFFFFF20]  }
0x1d4: {  	v9 =	vld [tilespmem:s2+$0xFFFFFF30]  }
0x1d5: {  	v13 =	vld [tilespmem:s2+$0xFFFFFF40]  }
0x1d6: {  	v4 =	vld.idx.msk [tilespmem:v4+s20+$0x0], $0xffff  }
0x1d7: {  	s12 =	simm.s32 $0x4;
	s19 =	simm.s32 $0x5;
	v5 =	vld [tilespmem:s2+$0xFFFFFF50];
	v6 =	vmul.f32 v6, v3  }
0x1d8: {  	s6 =	simm.s32 $0x7;
	v11 =	vmov s12;
	v15 =	vmov s19;
	v14 =	vmul.f32 v7, v10;
	v7 =	vld [tilespmem:s2+$0xFFFFFF60]  }
0x1d9: {  	v12 =	vmov s6;
	v11 =	vadd.s32 $0x4D30, v11;
	v16 =	vmul.f32 v8, v10;
	v8 =	vld [tilespmem:s2+$0xFFFFFF70];
	[tilespmem:s2+$0xFFFFFFC0] =	vst v6  }
0x1da: {  	v12 =	vadd.s32 $0x4D30, v12;
	v6 =	vand.u32 $0xFFFFFFFC, v11;
	[tilespmem:s2+$0xFFFFFF10] =	vst v14;
	v11 =	vmul.f32 v9, v10;
	v9 =	vld [tilespmem:s2+$0xFFFFFF80]  }
0x1db: {  	s7 =	simm.s32 $0x6;
	s6 =	simm.s32 $0x8;
	s5 =	simm.s32 $0xFF50;
	v13 =	vmul.f32 v13, v10;
	v14 =	vadd.s32 $0x4D30, v15;
	[tilespmem:s2+$0xFFFFFF20] =	vst v16;
	v10 =	vld [tilespmem:s2+$0xFFFFFF90];
	v6 =	vbroadcast v6, $0x0  }
.LBB2_14:
0x1dc: {  	p0 =	slt.u32 s6, $0x4C;
	v15 =	vmov s7;
	v12 =	vbroadcast v12, $0x0;
	[tilespmem:s2+$0xFFFFFF30] =	vst v11;
	v5 =	vmul.f32 v5, v4;
	v11 =	vld [tilespmem:s2+$0xFFFFFFA0]  }
0x1dd: {  	v14 =	vand.u32 $0xFFFFFFFD, v14;
	v15 =	vadd.s32 $0x4D30, v15;
	[tilespmem:s2+$0xFFFFFF40] =	vst v13;
	v7 =	vmul.f32 v7, v4;
	v13 =	vld [tilespmem:s2+$0xFFFFFFB0]  }
0x1de: {  	v14 =	vbroadcast v14, $0x0;
	v15 =	vand.u32 $0xFFFFFFFE, v15;
	[tilespmem:s2+$0xFFFFFF50] =	vst v5;
	v5 =	vmul.f32 v8, v4;
	v8 =	vld [tilespmem:s2+$0xFFFFFFD0]  }
0x1df: {  	v15 =	vbroadcast v15, $0x0;
	[tilespmem:s2+$0xFFFFFF60] =	vst v7;
	v4 =	vmul.f32 v9, v4;
	v7 =	vld [tilespmem:s2+$0xFFFFFFE0]  }
0x1e0: {  	[tilespmem:s2+$0xFFFFFF70] =	vst v5;
	v5 =	vmul.f32 v10, v3;
	v9 =	vld [tilespmem:s2+$0xFFFFFFF0]  }
0x1e1: {  	[tilespmem:s2+$0xFFFFFF80] =	vst v4;
	v4 =	vmul.f32 v11, v3;
	v10 =	vld [tilespmem:s2+$0x0]  }
0x1e2: {  	v16 =	vld.idx.msk [tilespmem:v6+s20+$0x0], $0xffff;
	[tilespmem:s2+$0xFFFFFF90] =	vst v5;
	v3 =	vmul.f32 v13, v3  }
0x1e3: {  	v5 =	vld.idx.msk [tilespmem:v12+s20+$0x0], $0xffff;
	[tilespmem:s2+$0xFFFFFFA0] =	vst v4;
	v6 =	vmul.f32 v8, v2  }
0x1e4: {  	v4 =	vld.idx.msk [tilespmem:v14+s20+$0x0], $0xffff;
	[tilespmem:s2+$0xFFFFFFB0] =	vst v3;
	v7 =	vmul.f32 v7, v2  }
0x1e5: {  	s2 =	sadd.s32 $0x100, s2;
	v3 =	vld.idx.msk [tilespmem:v15+s20+$0x0], $0xffff;
	[tilespmem:s5+$0xFFFFFFD0] =	vst v6;
	v6 =	vmul.f32 v9, v2  }
0x1e6: {  	v8 =	vld [tilespmem:s2+$0xFFFFFFC0];
	[tilespmem:s5+$0xFFFFFFE0] =	vst v7;
	v10 =	vmul.f32 v10, v2  }
0x1e7: {  	v7 =	vld [tilespmem:s2+$0xFFFFFF10];
	[tilespmem:s5+$0xFFFFFFF0] =	vst v6  }
0x1e8: {  	v6 =	vld [tilespmem:s2+$0xFFFFFF20];
	[tilespmem:s5+$0x0] =	vst v10;
	s5 =	smov.u32 s2  }
0x1e9: {  	v2 =	vmov v5;
	v9 =	vld [tilespmem:s2+$0xFFFFFF30]  }
0x1ea: {  	v10 =	vld [tilespmem:s2+$0xFFFFFF40]  }
.Ltmp6:
0x1eb: {  	v11 =	vmov s6;
	v5 =	vld [tilespmem:s2+$0xFFFFFF50];
	v12 =	vmul.f32 v8, v3;
	(pc) =	sbr.rel @p0 .LBB2_14-.Ltmp6, $4  }
0x1ec: {  	s7 =	sadd.s32 $0x1, s6;
	s9 =	sadd.s32 $0x3, s6;
	v11 =	vadd.s32 $0x4D30, v11;
	v13 =	vmul.f32 v7, v16;
	v7 =	vld [tilespmem:s2+$0xFFFFFF60]  }
0x1ed: {  	v14 =	vmov s7;
	v15 =	vmov s9;
	v17 =	vmul.f32 v6, v16;
	v8 =	vld [tilespmem:s2+$0xFFFFFF70];
	[tilespmem:s2+$0xFFFFFFC0] =	vst v12  }
0x1ee: {  	v6 =	vand.u32 $0xFFFFFFFC, v11;
	v12 =	vadd.s32 $0x4D30, v15;
	[tilespmem:s2+$0xFFFFFF10] =	vst v13;
	v11 =	vmul.f32 v9, v16;
	v9 =	vld [tilespmem:s2+$0xFFFFFF80]  }
0x1ef: {  	s7 =	sadd.s32 $0x2, s6;
	s6 =	sadd.s32 $0x4, s6;
	v14 =	vadd.s32 $0x4D30, v14;
	v6 =	vbroadcast v6, $0x0;
	[tilespmem:s2+$0xFFFFFF20] =	vst v17;
	v13 =	vmul.f32 v10, v16;
	v10 =	vld [tilespmem:s2+$0xFFFFFF90]  }
0x1f0: {  	v16 =	vld [tilespmem:s2+$0xFFFFFFA0]  }
0x1f1: {  	v17 =	vld [tilespmem:s2+$0xFFFFFFB0]  }
0x1f2: {  	v15 =	vmov s7;
	v12 =	vbroadcast v12, $0x0;
	v18 =	vld [tilespmem:s2+$0xFFFFFFD0]  }
0x1f3: {  	v19 =	vld [tilespmem:s2+$0xFFFFFFE0];
	[tilespmem:s2+$0xFFFFFF30] =	vst v11;
	v5 =	vmul.f32 v5, v4;
	v15 =	vadd.s32 $0x4D30, v15  }
0x1f4: {  	v11 =	vld [tilespmem:s2+$0xFFFFFFF0];
	[tilespmem:s2+$0xFFFFFF40] =	vst v13;
	v7 =	vmul.f32 v7, v4;
	v15 =	vand.u32 $0xFFFFFFFE, v15  }
0x1f5: {  	v14 =	vand.u32 $0xFFFFFFFD, v14;
	v13 =	vld [tilespmem:s2+$0x0];
	[tilespmem:s2+$0xFFFFFF50] =	vst v5;
	v5 =	vmul.f32 v8, v4;
	v15 =	vbroadcast v15, $0x0  }
0x1f6: {  	s6 =	sadd.s32 $0x100, s2;
	v14 =	vbroadcast v14, $0x0;
	v6 =	vld.idx.msk [tilespmem:v6+s20+$0x0], $0xffff;
	[tilespmem:s2+$0xFFFFFF60] =	vst v7;
	v4 =	vmul.f32 v9, v4  }
0x1f7: {  	[tilespmem:s2+$0xFFFFFF70] =	vst v5;
	v5 =	vmul.f32 v10, v3;
	v10 =	vld [tilespmem:s6+$0xFFFFFF10]  }
0x1f8: {  	[tilespmem:s2+$0xFFFFFF80] =	vst v4;
	v4 =	vmul.f32 v16, v3;
	v7 =	vld.idx.msk [tilespmem:v12+s20+$0x0], $0xffff  }
0x1f9: {  	v3 =	vmul.f32 v17, v3;
	[tilespmem:s2+$0xFFFFFF90] =	vst v5;
	v5 =	vld [tilespmem:s6+$0xFFFFFFC0]  }
0x1fa: {  	v12 =	vld [tilespmem:s6+$0xFFFFFF20];
	[tilespmem:s2+$0xFFFFFFA0] =	vst v4;
	v4 =	vmul.f32 v18, v2  }
0x1fb: {  	[tilespmem:s2+$0xFFFFFFB0] =	vst v3;
	v3 =	vmul.f32 v19, v2;
	v9 =	vld.idx.msk [tilespmem:v15+s20+$0x0], $0xffff  }
0x1fc: {  	v8 =	vld.idx.msk [tilespmem:v14+s20+$0x0], $0xffff;
	[tilespmem:s5+$0xFFFFFFD0] =	vst v4;
	v4 =	vmul.f32 v11, v2  }
0x1fd: {  	v11 =	vld [tilespmem:s6+$0xFFFFFF30];
	[tilespmem:s5+$0xFFFFFFE0] =	vst v3;
	v2 =	vmul.f32 v13, v2  }
0x1fe: {  	v3 =	vld [tilespmem:s6+$0xFFFFFF40];
	[tilespmem:s5+$0xFFFFFFF0] =	vst v4  }
0x1ff: {  	v4 =	vld [tilespmem:s6+$0xFFFFFF50];
	[tilespmem:s5+$0x0] =	vst v2;
	v2 =	vmul.f32 v10, v6  }
0x200: {  	v10 =	vld [tilespmem:s6+$0xFFFFFF60];
	v5 =	vmul.f32 v5, v9  }
0x201: {  	v13 =	vld [tilespmem:s6+$0xFFFFFF70];
	v12 =	vmul.f32 v12, v6;
	[tilespmem:s6+$0xFFFFFF10] =	vst v2  }
0x202: {  	v2 =	vmul.f32 v11, v6;
	[tilespmem:s6+$0xFFFFFFC0] =	vst v5;
	v5 =	vld [tilespmem:s6+$0xFFFFFF80]  }
0x203: {  	[tilespmem:s6+$0xFFFFFF20] =	vst v12;
	v3 =	vmul.f32 v3, v6;
	v6 =	vld [tilespmem:s6+$0xFFFFFF90]  }
0x204: {  	[tilespmem:s6+$0xFFFFFF30] =	vst v2;
	v2 =	vmul.f32 v4, v8;
	v4 =	vld [tilespmem:s6+$0xFFFFFFA0]  }
0x205: {  	[tilespmem:s6+$0xFFFFFF40] =	vst v3;
	v3 =	vmul.f32 v10, v8;
	v10 =	vld [tilespmem:s6+$0xFFFFFFB0]  }
0x206: {  	v11 =	vld [tilespmem:s6+$0xFFFFFFD0];
	[tilespmem:s6+$0xFFFFFF50] =	vst v2;
	v2 =	vmul.f32 v13, v8  }
0x207: {  	[tilespmem:s6+$0xFFFFFF60] =	vst v3;
	v3 =	vmul.f32 v5, v8;
	v5 =	vld [tilespmem:s6+$0xFFFFFFE0]  }
0x208: {  	[tilespmem:s6+$0xFFFFFF70] =	vst v2;
	v2 =	vmul.f32 v6, v9;
	v6 =	vld [tilespmem:s6+$0xFFFFFFF0]  }
0x209: {  	[tilespmem:s6+$0xFFFFFF80] =	vst v3;
	v3 =	vmul.f32 v4, v9;
	v4 =	vld [tilespmem:s6+$0x0]  }
0x20a: {  	[tilespmem:s6+$0xFFFFFF90] =	vst v2;
	v2 =	vmul.f32 v10, v9  }
0x20b: {  	[tilespmem:s6+$0xFFFFFFA0] =	vst v3;
	v3 =	vmul.f32 v11, v7  }
0x20c: {  	[tilespmem:s6+$0xFFFFFFB0] =	vst v2;
	v2 =	vmul.f32 v5, v7  }
0x20d: {  	[tilespmem:s6+$0xFFFFFFD0] =	vst v3;
	v3 =	vmul.f32 v6, v7  }
0x20e: {  	[tilespmem:s6+$0xFFFFFFE0] =	vst v2;
	v2 =	vmul.f32 v4, v7  }
0x20f: {  	[tilespmem:s6+$0xFFFFFFF0] =	vst v3  }
0x210: {  	s19 =	simm.s32 $0x9B50;
	[tilespmem:s6+$0x0] =	vst v2  }
0x211: {  	[spmem:s3] =	stream.indirect.scatter.add.f32 [tilespmem:s23], [sflag:$0x5], $0x40, s19, s22, $0xb8;
	[tilespmem:$0x1C2A0] =	vst v63  }
0x212: {  	_ =	swait.ge [sflag:s29], $0x1400  }
0x213: {  	[sflag:s29] =	ssyncset.done $0x0  }
0x214: {  	[sflag:s29] =	ssyncadd.s32 $0xFFFFEC00  }
0x215: {  	v2 =	vld [tilespmem:$0x4DD0]  }
0x216: {  	v3 =	vld [tilespmem:$0x4DE0]  }
0x217: {  	v4 =	vld [tilespmem:$0x4DF0]  }
0x218: {  	v5 =	vld [tilespmem:$0x4E00]  }
0x219: {  	v6 =	vld [tilespmem:$0x4E10]  }
0x21a: {  	v2 =	vshll.u32 v2, $0x1  }
0x21b: {  	v3 =	vshll.u32 v3, $0x1;
	v2 =	vor.u32 v0, v2  }
0x21c: {  	v4 =	vshll.u32 v4, $0x1;
	v3 =	vor.u32 v0, v3;
	[tilespmem:$0x4DD0] =	vst v2  }
0x21d: {  	s5 =	simm.s32 $0x0;
	v5 =	vshll.u32 v5, $0x1;
	v4 =	vor.u32 v0, v4;
	[tilespmem:$0x4DE0] =	vst v3  }
0x21e: {  	v2 =	vor.u32 v0, v5;
	v5 =	vshll.u32 v6, $0x1;
	v6 =	vmov s5;
	[tilespmem:$0x4DF0] =	vst v4  }
0x21f: {  	v3 =	vor.u32 v0, v5;
	v5 =	vadd.s32 $0x4D80, v6;
	[tilespmem:$0x4E00] =	vst v2  }
0x220: {  	s9 =	simm.s32 $0x2;
	s10 =	simm.s32 $0x4DD0;
	s6 =	simm.s32 $0x3;
	v5 =	vand.u32 $0xFFFFFFFC, v5;
	[tilespmem:$0x4E10] =	vst v3  }
0x221: {  	v6 =	vmov s6;
	v2 =	vbroadcast v5, $0x0;
	v5 =	vmov s9;
	[tilespmem:s21], [sflag:$0x1] =	stream.indirect.gather [hbm4b:s1+s22], $0x40, s10, s22, $0xb8;
	[tilespmem:$0x1C2A0] =	vst v63  }
0x222: {  	v6 =	vadd.s32 $0x4D80, v6;
	v5 =	vadd.s32 $0x4D80, v5;
	_ =	swait.ge [sflag:s30], $0x1400  }
0x223: {  	s7 =	simm.s32 $0x1;
	v3 =	vbroadcast v6, $0x0;
	v5 =	vand.u32 $0xFFFFFFFE, v5;
	[sflag:s30] =	ssyncset.done $0x0  }
0x224: {  	s2 =	simm.s32 $0x11350;
	v4 =	vmov s7;
	v5 =	vbroadcast v5, $0x0;
	[sflag:s30] =	ssyncadd.s32 $0xFFFFEC00  }
0x225: {  	v4 =	vadd.s32 $0x4D80, v4;
	v6 =	vld [tilespmem:s2+$0xFFFFFFC0]  }
0x226: {  	v4 =	vand.u32 $0xFFFFFFFD, v4;
	v7 =	vld [tilespmem:s2+$0xFFFFFF10]  }
0x227: {  	v4 =	vbroadcast v4, $0x0;
	v8 =	vld [tilespmem:s2+$0xFFFFFF20]  }
0x228: {  	v10 =	vld.idx.msk [tilespmem:v2+s20+$0x0], $0xffff  }
0x229: {  	v2 =	vld.idx.msk [tilespmem:v3+s20+$0x0], $0xffff  }
0x22a: {  	v3 =	vld.idx.msk [tilespmem:v5+s20+$0x0], $0xffff  }
0x22b: {  	v9 =	vld [tilespmem:s2+$0xFFFFFF30]  }
0x22c: {  	v13 =	vld [tilespmem:s2+$0xFFFFFF40]  }
0x22d: {  	v4 =	vld.idx.msk [tilespmem:v4+s20+$0x0], $0xffff  }
0x22e: {  	s11 =	simm.s32 $0x4;
	s12 =	simm.s32 $0x5;
	v5 =	vld [tilespmem:s2+$0xFFFFFF50];
	v14 =	vmul.f32 v7, v10  }
0x22f: {  	v15 =	vmov s12;
	v11 =	vmov s11;
	s19 =	simm.s32 $0x7;
	v7 =	vld [tilespmem:s2+$0xFFFFFF60];
	v6 =	vmul.f32 v6, v3  }
0x230: {  	v11 =	vadd.s32 $0x4D80, v11;
	v12 =	vmov s19;
	v63 =	vmul.f32 v8, v10;
	v8 =	vld [tilespmem:s2+$0xFFFFFF70];
	[tilespmem:s2+$0xFFFFFF10] =	vst v14  }
0x231: {  	v12 =	vadd.s32 $0x4D80, v12;
	[tilespmem:s2+$0xFFFFFFC0] =	vst v6;
	v6 =	vand.u32 $0xFFFFFFFC, v11;
	v11 =	vmul.f32 v9, v10;
	v9 =	vld [tilespmem:s2+$0xFFFFFF80]  }
0x232: {  	s7 =	simm.s32 $0x6;
	s5 =	simm.s32 $0x11350;
	s6 =	simm.s32 $0x8;
	v13 =	vmul.f32 v13, v10;
	v14 =	vadd.s32 $0x4D80, v15;
	[tilespmem:s2+$0xFFFFFF20] =	vst v63;
	v10 =	vld [tilespmem:s2+$0xFFFFFF90];
	v6 =	vbroadcast v6, $0x0  }
.LBB2_16:
0x233: {  	p0 =	slt.u32 s6, $0x4C;
	v15 =	vmov s7;
	v12 =	vbroadcast v12, $0x0;
	[tilespmem:s2+$0xFFFFFF30] =	vst v11;
	v5 =	vmul.f32 v5, v4;
	v11 =	vld [tilespmem:s2+$0xFFFFFFA0]  }
0x234: {  	v14 =	vand.u32 $0xFFFFFFFD, v14;
	v15 =	vadd.s32 $0x4D80, v15;
	[tilespmem:s2+$0xFFFFFF40] =	vst v13;
	v7 =	vmul.f32 v7, v4;
	v13 =	vld [tilespmem:s2+$0xFFFFFFB0]  }
0x235: {  	v14 =	vbroadcast v14, $0x0;
	v15 =	vand.u32 $0xFFFFFFFE, v15;
	[tilespmem:s2+$0xFFFFFF50] =	vst v5;
	v5 =	vmul.f32 v8, v4;
	v8 =	vld [tilespmem:s2+$0xFFFFFFD0]  }
0x236: {  	v15 =	vbroadcast v15, $0x0;
	[tilespmem:s2+$0xFFFFFF60] =	vst v7;
	v4 =	vmul.f32 v9, v4;
	v7 =	vld [tilespmem:s2+$0xFFFFFFE0]  }
0x237: {  	[tilespmem:s2+$0xFFFFFF70] =	vst v5;
	v5 =	vmul.f32 v10, v3;
	v9 =	vld [tilespmem:s2+$0xFFFFFFF0]  }
0x238: {  	[tilespmem:s2+$0xFFFFFF80] =	vst v4;
	v4 =	vmul.f32 v11, v3;
	v10 =	vld [tilespmem:s2+$0x0]  }
0x239: {  	v16 =	vld.idx.msk [tilespmem:v6+s20+$0x0], $0xffff;
	[tilespmem:s2+$0xFFFFFF90] =	vst v5;
	v3 =	vmul.f32 v13, v3  }
0x23a: {  	v5 =	vld.idx.msk [tilespmem:v12+s20+$0x0], $0xffff;
	[tilespmem:s2+$0xFFFFFFA0] =	vst v4;
	v6 =	vmul.f32 v8, v2  }
0x23b: {  	v4 =	vld.idx.msk [tilespmem:v14+s20+$0x0], $0xffff;
	[tilespmem:s2+$0xFFFFFFB0] =	vst v3;
	v7 =	vmul.f32 v7, v2  }
0x23c: {  	s2 =	sadd.s32 $0x100, s2;
	v3 =	vld.idx.msk [tilespmem:v15+s20+$0x0], $0xffff;
	[tilespmem:s5+$0xFFFFFFD0] =	vst v6;
	v6 =	vmul.f32 v9, v2  }
0x23d: {  	v8 =	vld [tilespmem:s2+$0xFFFFFFC0];
	[tilespmem:s5+$0xFFFFFFE0] =	vst v7;
	v10 =	vmul.f32 v10, v2  }
0x23e: {  	v7 =	vld [tilespmem:s2+$0xFFFFFF10];
	[tilespmem:s5+$0xFFFFFFF0] =	vst v6  }
0x23f: {  	v6 =	vld [tilespmem:s2+$0xFFFFFF20];
	[tilespmem:s5+$0x0] =	vst v10;
	s5 =	smov.u32 s2  }
0x240: {  	v2 =	vmov v5;
	v9 =	vld [tilespmem:s2+$0xFFFFFF30]  }
0x241: {  	v10 =	vld [tilespmem:s2+$0xFFFFFF40]  }
.Ltmp7:
0x242: {  	v11 =	vmov s6;
	v5 =	vld [tilespmem:s2+$0xFFFFFF50];
	v12 =	vmul.f32 v8, v3;
	(pc) =	sbr.rel @p0 .LBB2_16-.Ltmp7, $4  }
0x243: {  	s7 =	sadd.s32 $0x1, s6;
	s9 =	sadd.s32 $0x3, s6;
	v11 =	vadd.s32 $0x4D80, v11;
	v13 =	vmul.f32 v7, v16;
	v7 =	vld [tilespmem:s2+$0xFFFFFF60]  }
0x244: {  	v14 =	vmov s7;
	v15 =	vmov s9;
	v17 =	vmul.f32 v6, v16;
	v8 =	vld [tilespmem:s2+$0xFFFFFF70];
	[tilespmem:s2+$0xFFFFFFC0] =	vst v12  }
0x245: {  	v6 =	vand.u32 $0xFFFFFFFC, v11;
	v12 =	vadd.s32 $0x4D80, v15;
	[tilespmem:s2+$0xFFFFFF10] =	vst v13;
	v11 =	vmul.f32 v9, v16;
	v9 =	vld [tilespmem:s2+$0xFFFFFF80]  }
0x246: {  	s7 =	sadd.s32 $0x2, s6;
	s6 =	sadd.s32 $0x4, s6;
	v14 =	vadd.s32 $0x4D80, v14;
	v6 =	vbroadcast v6, $0x0;
	[tilespmem:s2+$0xFFFFFF20] =	vst v17;
	v13 =	vmul.f32 v10, v16;
	v10 =	vld [tilespmem:s2+$0xFFFFFF90]  }
0x247: {  	v16 =	vld [tilespmem:s2+$0xFFFFFFA0]  }
0x248: {  	v17 =	vld [tilespmem:s2+$0xFFFFFFB0]  }
0x249: {  	v15 =	vmov s7;
	v12 =	vbroadcast v12, $0x0;
	v18 =	vld [tilespmem:s2+$0xFFFFFFD0]  }
0x24a: {  	v19 =	vld [tilespmem:s2+$0xFFFFFFE0];
	[tilespmem:s2+$0xFFFFFF30] =	vst v11;
	v5 =	vmul.f32 v5, v4;
	v15 =	vadd.s32 $0x4D80, v15  }
0x24b: {  	v11 =	vld [tilespmem:s2+$0xFFFFFFF0];
	[tilespmem:s2+$0xFFFFFF40] =	vst v13;
	v7 =	vmul.f32 v7, v4;
	v15 =	vand.u32 $0xFFFFFFFE, v15  }
0x24c: {  	v14 =	vand.u32 $0xFFFFFFFD, v14;
	v13 =	vld [tilespmem:s2+$0x0];
	[tilespmem:s2+$0xFFFFFF50] =	vst v5;
	v5 =	vmul.f32 v8, v4;
	v15 =	vbroadcast v15, $0x0  }
0x24d: {  	s6 =	sadd.s32 $0x100, s2;
	v14 =	vbroadcast v14, $0x0;
	v6 =	vld.idx.msk [tilespmem:v6+s20+$0x0], $0xffff;
	[tilespmem:s2+$0xFFFFFF60] =	vst v7;
	v4 =	vmul.f32 v9, v4  }
0x24e: {  	[tilespmem:s2+$0xFFFFFF70] =	vst v5;
	v5 =	vmul.f32 v10, v3;
	v10 =	vld [tilespmem:s6+$0xFFFFFF10]  }
0x24f: {  	[tilespmem:s2+$0xFFFFFF80] =	vst v4;
	v4 =	vmul.f32 v16, v3;
	v7 =	vld.idx.msk [tilespmem:v12+s20+$0x0], $0xffff  }
0x250: {  	v3 =	vmul.f32 v17, v3;
	[tilespmem:s2+$0xFFFFFF90] =	vst v5;
	v5 =	vld [tilespmem:s6+$0xFFFFFFC0]  }
0x251: {  	v12 =	vld [tilespmem:s6+$0xFFFFFF20];
	[tilespmem:s2+$0xFFFFFFA0] =	vst v4;
	v4 =	vmul.f32 v18, v2  }
0x252: {  	[tilespmem:s2+$0xFFFFFFB0] =	vst v3;
	v3 =	vmul.f32 v19, v2;
	v9 =	vld.idx.msk [tilespmem:v15+s20+$0x0], $0xffff  }
0x253: {  	v8 =	vld.idx.msk [tilespmem:v14+s20+$0x0], $0xffff;
	[tilespmem:s5+$0xFFFFFFD0] =	vst v4;
	v4 =	vmul.f32 v11, v2  }
0x254: {  	v11 =	vld [tilespmem:s6+$0xFFFFFF30];
	[tilespmem:s5+$0xFFFFFFE0] =	vst v3;
	v2 =	vmul.f32 v13, v2  }
0x255: {  	v3 =	vld [tilespmem:s6+$0xFFFFFF40];
	[tilespmem:s5+$0xFFFFFFF0] =	vst v4  }
0x256: {  	v4 =	vld [tilespmem:s6+$0xFFFFFF50];
	[tilespmem:s5+$0x0] =	vst v2;
	v2 =	vmul.f32 v10, v6  }
0x257: {  	v10 =	vld [tilespmem:s6+$0xFFFFFF60];
	v5 =	vmul.f32 v5, v9  }
0x258: {  	v13 =	vld [tilespmem:s6+$0xFFFFFF70];
	v12 =	vmul.f32 v12, v6;
	[tilespmem:s6+$0xFFFFFF10] =	vst v2  }
0x259: {  	v2 =	vmul.f32 v11, v6;
	[tilespmem:s6+$0xFFFFFFC0] =	vst v5;
	v5 =	vld [tilespmem:s6+$0xFFFFFF80]  }
0x25a: {  	[tilespmem:s6+$0xFFFFFF20] =	vst v12;
	v3 =	vmul.f32 v3, v6;
	v6 =	vld [tilespmem:s6+$0xFFFFFF90]  }
0x25b: {  	[tilespmem:s6+$0xFFFFFF30] =	vst v2;
	v2 =	vmul.f32 v4, v8;
	v4 =	vld [tilespmem:s6+$0xFFFFFFA0]  }
0x25c: {  	[tilespmem:s6+$0xFFFFFF40] =	vst v3;
	v3 =	vmul.f32 v10, v8;
	v10 =	vld [tilespmem:s6+$0xFFFFFFB0]  }
0x25d: {  	v11 =	vld [tilespmem:s6+$0xFFFFFFD0];
	[tilespmem:s6+$0xFFFFFF50] =	vst v2;
	v2 =	vmul.f32 v13, v8  }
0x25e: {  	[tilespmem:s6+$0xFFFFFF60] =	vst v3;
	v3 =	vmul.f32 v5, v8;
	v5 =	vld [tilespmem:s6+$0xFFFFFFE0]  }
0x25f: {  	[tilespmem:s6+$0xFFFFFF70] =	vst v2;
	v2 =	vmul.f32 v6, v9;
	v6 =	vld [tilespmem:s6+$0xFFFFFFF0]  }
0x260: {  	[tilespmem:s6+$0xFFFFFF80] =	vst v3;
	v3 =	vmul.f32 v4, v9;
	v4 =	vld [tilespmem:s6+$0x0]  }
0x261: {  	[tilespmem:s6+$0xFFFFFF90] =	vst v2;
	v2 =	vmul.f32 v10, v9  }
0x262: {  	[tilespmem:s6+$0xFFFFFFA0] =	vst v3;
	v3 =	vmul.f32 v11, v7  }
0x263: {  	[tilespmem:s6+$0xFFFFFFB0] =	vst v2;
	v2 =	vmul.f32 v5, v7  }
0x264: {  	[tilespmem:s6+$0xFFFFFFD0] =	vst v3;
	v3 =	vmul.f32 v6, v7  }
0x265: {  	s9 =	simm.s32 $0x1;
	[tilespmem:s6+$0xFFFFFFE0] =	vst v2;
	v2 =	vmul.f32 v4, v7  }
0x266: {  	v4 =	vmov s9;
	[tilespmem:s6+$0xFFFFFFF0] =	vst v3  }
0x267: {  	s5 =	simm.s32 $0x9BA0;
	v4 =	vadd.s32 $0x4DD0, v4;
	[tilespmem:s6+$0x0] =	vst v2;
	s6 =	simm.s32 $0x0  }
0x268: {  	v4 =	vand.u32 $0xFFFFFFFD, v4;
	[spmem:s3] =	stream.indirect.scatter.add.f32 [tilespmem:s26], [sflag:$0x6], $0x40, s5, s22, $0xb8;
	v2 =	vmov s6;
	[tilespmem:$0x1C2A0] =	vst v63  }
0x269: {  	s7 =	simm.s32 $0x3;
	s10 =	simm.s32 $0x2;
	v4 =	vbroadcast v4, $0x0;
	v2 =	vadd.s32 $0x4DD0, v2;
	_ =	swait.ge [sflag:s31], $0x1400  }
0x26a: {  	v5 =	vmov s10;
	v3 =	vmov s7;
	v2 =	vand.u32 $0xFFFFFFFC, v2;
	[sflag:s31] =	ssyncset.done $0x0  }
0x26b: {  	v5 =	vadd.s32 $0x4DD0, v5;
	v3 =	vadd.s32 $0x4DD0, v3;
	v2 =	vbroadcast v2, $0x0;
	[sflag:s31] =	ssyncadd.s32 $0xFFFFEC00  }
0x26c: {  	v5 =	vand.u32 $0xFFFFFFFE, v5;
	v3 =	vbroadcast v3, $0x0;
	_ =	swait.ge [sflag:s24], $0x1400  }
0x26d: {  	v5 =	vbroadcast v5, $0x0;
	[sflag:s24] =	ssyncset.done $0x0  }
0x26e: {  	[sflag:s24] =	ssyncadd.s32 $0xFFFFEC00  }
0x26f: {  	s2 =	simm.s32 $0xEAE0;
	v4 =	vld.idx.msk [tilespmem:v4+s20+$0x0], $0xffff  }
0x270: {  	v6 =	vld [tilespmem:s2+$0x30]  }
0x271: {  	v10 =	vld.idx.msk [tilespmem:v2+s20+$0x0], $0xffff  }
0x272: {  	v2 =	vld.idx.msk [tilespmem:v3+s20+$0x0], $0xffff  }
0x273: {  	v3 =	vld.idx.msk [tilespmem:v5+s20+$0x0], $0xffff  }
0x274: {  	v7 =	vld [tilespmem:s2+$0xFFFFFF80]  }
0x275: {  	v8 =	vld [tilespmem:s2+$0xFFFFFF90]  }
0x276: {  	v9 =	vld [tilespmem:s2+$0xFFFFFFA0]  }
0x277: {  	v13 =	vld [tilespmem:s2+$0xFFFFFFB0]  }
0x278: {  	s11 =	simm.s32 $0x4;
	s12 =	simm.s32 $0x5;
	v5 =	vld [tilespmem:s2+$0xFFFFFFC0];
	v6 =	vmul.f32 v6, v3  }
0x279: {  	s19 =	simm.s32 $0x7;
	v15 =	vmov s12;
	v11 =	vmov s11;
	v14 =	vmul.f32 v7, v10;
	v7 =	vld [tilespmem:s2+$0xFFFFFFD0]  }
0x27a: {  	v12 =	vmov s19;
	v11 =	vadd.s32 $0x4DD0, v11;
	v63 =	vmul.f32 v8, v10;
	v8 =	vld [tilespmem:s2+$0xFFFFFFE0];
	[tilespmem:s2+$0x30] =	vst v6  }
0x27b: {  	v12 =	vadd.s32 $0x4DD0, v12;
	s10 =	simm.s32 $0x4E20;
	v6 =	vand.u32 $0xFFFFFFFC, v11;
	[tilespmem:s2+$0xFFFFFF80] =	vst v14;
	v11 =	vmul.f32 v9, v10;
	v9 =	vld [tilespmem:s2+$0xFFFFFFF0]  }
0x27c: {  	s7 =	simm.s32 $0x6;
	s6 =	simm.s32 $0x8;
	s5 =	simm.s32 $0xEAE0;
	v13 =	vmul.f32 v13, v10;
	v14 =	vadd.s32 $0x4DD0, v15;
	[tilespmem:s2+$0xFFFFFF90] =	vst v63;
	v10 =	vld [tilespmem:s2+$0x0];
	v6 =	vbroadcast v6, $0x0  }
.LBB2_18:
0x27d: {  	p0 =	slt.u32 s6, $0x4C;
	v15 =	vmov s7;
	v12 =	vbroadcast v12, $0x0;
	[tilespmem:s2+$0xFFFFFFA0] =	vst v11;
	v5 =	vmul.f32 v5, v4;
	v11 =	vld [tilespmem:s2+$0x10]  }
0x27e: {  	v14 =	vand.u32 $0xFFFFFFFD, v14;
	v15 =	vadd.s32 $0x4DD0, v15;
	[tilespmem:s2+$0xFFFFFFB0] =	vst v13;
	v7 =	vmul.f32 v7, v4;
	v13 =	vld [tilespmem:s2+$0x20]  }
0x27f: {  	v14 =	vbroadcast v14, $0x0;
	v15 =	vand.u32 $0xFFFFFFFE, v15;
	[tilespmem:s2+$0xFFFFFFC0] =	vst v5;
	v5 =	vmul.f32 v8, v4;
	v8 =	vld [tilespmem:s2+$0x40]  }
0x280: {  	v15 =	vbroadcast v15, $0x0;
	[tilespmem:s2+$0xFFFFFFD0] =	vst v7;
	v4 =	vmul.f32 v9, v4;
	v7 =	vld [tilespmem:s2+$0x50]  }
0x281: {  	[tilespmem:s2+$0xFFFFFFE0] =	vst v5;
	v5 =	vmul.f32 v10, v3;
	v9 =	vld [tilespmem:s2+$0x60]  }
0x282: {  	[tilespmem:s2+$0xFFFFFFF0] =	vst v4;
	v4 =	vmul.f32 v11, v3;
	v10 =	vld [tilespmem:s2+$0x70]  }
0x283: {  	v16 =	vld.idx.msk [tilespmem:v6+s20+$0x0], $0xffff;
	[tilespmem:s2+$0x0] =	vst v5;
	v3 =	vmul.f32 v13, v3  }
0x284: {  	v5 =	vld.idx.msk [tilespmem:v12+s20+$0x0], $0xffff;
	[tilespmem:s2+$0x10] =	vst v4;
	v6 =	vmul.f32 v8, v2  }
0x285: {  	v4 =	vld.idx.msk [tilespmem:v14+s20+$0x0], $0xffff;
	[tilespmem:s2+$0x20] =	vst v3;
	v7 =	vmul.f32 v7, v2  }
0x286: {  	s2 =	sadd.s32 $0x100, s2;
	v3 =	vld.idx.msk [tilespmem:v15+s20+$0x0], $0xffff;
	[tilespmem:s5+$0x40] =	vst v6;
	v6 =	vmul.f32 v9, v2  }
0x287: {  	v8 =	vld [tilespmem:s2+$0x30];
	[tilespmem:s5+$0x50] =	vst v7;
	v10 =	vmul.f32 v10, v2  }
0x288: {  	v7 =	vld [tilespmem:s2+$0xFFFFFF80];
	[tilespmem:s5+$0x60] =	vst v6  }
0x289: {  	v6 =	vld [tilespmem:s2+$0xFFFFFF90];
	[tilespmem:s5+$0x70] =	vst v10;
	s5 =	smov.u32 s2  }
0x28a: {  	v2 =	vmov v5;
	v9 =	vld [tilespmem:s2+$0xFFFFFFA0]  }
0x28b: {  	v10 =	vld [tilespmem:s2+$0xFFFFFFB0]  }
.Ltmp8:
0x28c: {  	v11 =	vmov s6;
	v5 =	vld [tilespmem:s2+$0xFFFFFFC0];
	v12 =	vmul.f32 v8, v3;
	(pc) =	sbr.rel @p0 .LBB2_18-.Ltmp8, $4  }
0x28d: {  	s7 =	sadd.s32 $0x1, s6;
	s9 =	sadd.s32 $0x3, s6;
	v11 =	vadd.s32 $0x4DD0, v11;
	v13 =	vmul.f32 v7, v16;
	v7 =	vld [tilespmem:s2+$0xFFFFFFD0]  }
0x28e: {  	v14 =	vmov s7;
	v15 =	vmov s9;
	v17 =	vmul.f32 v6, v16;
	v8 =	vld [tilespmem:s2+$0xFFFFFFE0];
	[tilespmem:s2+$0x30] =	vst v12  }
0x28f: {  	v6 =	vand.u32 $0xFFFFFFFC, v11;
	v12 =	vadd.s32 $0x4DD0, v15;
	[tilespmem:s2+$0xFFFFFF80] =	vst v13;
	v11 =	vmul.f32 v9, v16;
	v9 =	vld [tilespmem:s2+$0xFFFFFFF0]  }
0x290: {  	s7 =	sadd.s32 $0x2, s6;
	s6 =	sadd.s32 $0x4, s6;
	v14 =	vadd.s32 $0x4DD0, v14;
	v6 =	vbroadcast v6, $0x0;
	[tilespmem:s2+$0xFFFFFF90] =	vst v17;
	v13 =	vmul.f32 v10, v16;
	v10 =	vld [tilespmem:s2+$0x0]  }
0x291: {  	v16 =	vld [tilespmem:s2+$0x10]  }
0x292: {  	v17 =	vld [tilespmem:s2+$0x20]  }
0x293: {  	v18 =	vld [tilespmem:s2+$0x40]  }
0x294: {  	v19 =	vld [tilespmem:s2+$0x50]  }
0x295: {  	[tilespmem:s2+$0xFFFFFFA0] =	vst v11;
	v5 =	vmul.f32 v5, v4;
	v38 =	vld [tilespmem:s2+$0x60]  }
0x296: {  	v15 =	vmov s7;
	v39 =	vld [tilespmem:s2+$0x70];
	[tilespmem:s2+$0xFFFFFFB0] =	vst v13;
	v7 =	vmul.f32 v7, v4  }
0x297: {  	v14 =	vand.u32 $0xFFFFFFFD, v14;
	s6 =	sadd.s32 $0x100, s2;
	v15 =	vadd.s32 $0x4DD0, v15;
	v6 =	vld.idx.msk [tilespmem:v6+s20+$0x0], $0xffff;
	[tilespmem:s2+$0xFFFFFFC0] =	vst v5;
	v40 =	vmul.f32 v8, v4  }
0x298: {  	v14 =	vbroadcast v14, $0x0;
	v47 =	vld [tilespmem:s6+$0x30];
	v15 =	vand.u32 $0xFFFFFFFE, v15;
	[tilespmem:s2+$0xFFFFFFD0] =	vst v7;
	v41 =	vmul.f32 v9, v4  }
0x299: {  	v49 =	vld [tilespmem:s6+$0xFFFFFF80];
	v15 =	vbroadcast v15, $0x0;
	[tilespmem:s2+$0xFFFFFFE0] =	vst v40;
	v43 =	vmul.f32 v10, v3  }
0x29a: {  	v50 =	vld [tilespmem:s6+$0xFFFFFF90];
	[tilespmem:s2+$0xFFFFFFF0] =	vst v41;
	v45 =	vmul.f32 v16, v3  }
0x29b: {  	v12 =	vbroadcast v12, $0x0;
	v52 =	vld [tilespmem:s6+$0xFFFFFFA0];
	v3 =	vmul.f32 v17, v3;
	[tilespmem:s2+$0x0] =	vst v43  }
0x29c: {  	v53 =	vld [tilespmem:s6+$0xFFFFFFC0];
	v48 =	vmul.f32 v18, v2;
	v51 =	vmul.f32 v38, v2;
	[tilespmem:s2+$0x10] =	vst v45  }
0x29d: {  	v54 =	vld [tilespmem:s6+$0xFFFFFFD0];
	[tilespmem:s2+$0x20] =	vst v3;
	v3 =	vmul.f32 v19, v2;
	v2 =	vmul.f32 v39, v2  }
0x29e: {  	v44 =	vld.idx.msk [tilespmem:v14+s20+$0x0], $0xffff;
	[tilespmem:s5+$0x40] =	vst v48  }
0x29f: {  	v46 =	vld.idx.msk [tilespmem:v15+s20+$0x0], $0xffff;
	[tilespmem:s5+$0x70] =	vst v2;
	v2 =	vmul.f32 v49, v6  }
0x2a0: {  	[tilespmem:s5+$0x50] =	vst v3;
	v3 =	vld [tilespmem:s6+$0xFFFFFFB0]  }
0x2a1: {  	v55 =	vld [tilespmem:s6+$0xFFFFFFE0];
	[tilespmem:s6+$0xFFFFFF80] =	vst v2;
	v2 =	vmul.f32 v52, v6  }
0x2a2: {  	v42 =	vld.idx.msk [tilespmem:v12+s20+$0x0], $0xffff;
	v12 =	vmul.f32 v50, v6;
	[tilespmem:s5+$0x60] =	vst v51  }
0x2a3: {  	v57 =	vld [tilespmem:s6+$0x0];
	[tilespmem:s6+$0xFFFFFFA0] =	vst v2;
	v2 =	vmul.f32 v53, v44  }
0x2a4: {  	v56 =	vld [tilespmem:s6+$0xFFFFFFF0];
	[tilespmem:s6+$0xFFFFFF90] =	vst v12;
	v5 =	vmul.f32 v47, v46  }
0x2a5: {  	v59 =	vld [tilespmem:s6+$0x20];
	v3 =	vmul.f32 v3, v6;
	[tilespmem:s6+$0xFFFFFFC0] =	vst v2  }
0x2a6: {  	v58 =	vld [tilespmem:s6+$0x10];
	v2 =	vmul.f32 v55, v44;
	[tilespmem:s6+$0x30] =	vst v5  }
0x2a7: {  	v61 =	vld [tilespmem:s6+$0x50];
	[tilespmem:s6+$0xFFFFFFB0] =	vst v3;
	v3 =	vmul.f32 v54, v44  }
0x2a8: {  	v60 =	vld [tilespmem:s6+$0x40];
	[tilespmem:s6+$0xFFFFFFE0] =	vst v2;
	v2 =	vmul.f32 v57, v46  }
0x2a9: {  	v63 =	vld [tilespmem:s6+$0x70];
	[tilespmem:s6+$0xFFFFFFD0] =	vst v3;
	v3 =	vmul.f32 v56, v44  }
0x2aa: {  	v62 =	vld [tilespmem:s6+$0x60];
	[tilespmem:s6+$0x0] =	vst v2;
	v2 =	vmul.f32 v59, v46  }
0x2ab: {  	[tilespmem:s6+$0xFFFFFFF0] =	vst v3;
	v3 =	vmul.f32 v58, v46  }
0x2ac: {  	[tilespmem:s6+$0x20] =	vst v2;
	v2 =	vmul.f32 v61, v42  }
0x2ad: {  	[tilespmem:s6+$0x10] =	vst v3;
	v3 =	vmul.f32 v60, v42  }
0x2ae: {  	[tilespmem:s6+$0x50] =	vst v2;
	v2 =	vmul.f32 v63, v42  }
0x2af: {  	[tilespmem:s6+$0x40] =	vst v3;
	v3 =	vmul.f32 v62, v42  }
0x2b0: {  	[tilespmem:s6+$0x70] =	vst v2  }
0x2b1: {  	s7 =	simm.s32 $0x9BF0;
	[tilespmem:s6+$0x60] =	vst v3  }
0x2b2: {  	[spmem:s3] =	stream.indirect.scatter.add.f32 [tilespmem:s21], [sflag:$0x4], $0x40, s7, s22, $0xb8;
	[tilespmem:$0x1C2A0] =	vst v63  }
0x2b3: {  	_ =	swait.ge [sflag:s0], $0x1400  }
0x2b4: {  	[sflag:s0] =	ssyncset.done $0x0  }
0x2b5: {  	s9 =	stileid.u32;
	[sflag:s0] =	ssyncadd.s32 $0xFFFFEC00  }
0x2b6: {  	s11 =	sshrl.u32 s8, $0x3;
	s12 =	simm.s32 $0x10;
	_ =	swait.ge [sflag:s29], $0x1400  }
0x2b7: {  	s19 =	simm.s32 $0x8;
	s25 =	sadd.s32 $0x1, s25;
	[sflag:s29] =	ssyncset.done $0x0  }
0x2b8: {  	p0 =	sne.s32 s25, s17;
	s2 =	sshll.u32 s9, $0x6;
	[sflag:s29] =	ssyncadd.s32 $0xFFFFEC00  }
.Ltmp9:
0x2b9: {  	s2 =	sor.u32 $0x1C07, s2;
	[bflag:$0x0] =	sbarrier.arrive $0xFFFF;
	(pc) =	sbr.rel @p0 .LBB2_1-.Ltmp9, $4  }
0x2ba: {  	[hbm:s16@s12], [sflag:s2] =	dma.strided [spmem:s11@s19], $0x1400, s24, $0x8   }
0x2bb: {  	_ =	swait.ge [sflag:s18], $0x1400  }
0x2bc: {  	[sflag:s18] =	ssyncset.done $0x0  }
0x2bd: {  	[sflag:s18] =	ssyncadd.s32 $0xFFFFEC00  }
0x2be: {  	_ =	sfence.sel $0x180000  }
0x2bf: {  	[bflag:$0x0] =	sbarrier.arrive $0xFFFF  }
0x2c0: {  	_ =	strace $0x90000047  }
0x2c1: {  	s0 =	stileid.u32;
	[bflag:$0x2] =	sbarrier.arrive $0xFFFF  }
0x2c2: {  	p0 =	sne.s32 s0, $0x0;
	s0 =	rddreg [dreg:$0x4]  }
0x2c3: {  	s0 =	sadd.s32 @!p0 $0x100000, s0  }
0x2c4: {  	[sflag:s0] =	ssyncadd.tile.s32 @!p0 $0x1;
	_ =	shalt  }
.Lfunc_end2:
_tile_overlayer_lowered:
.L_overlay_start_2:
0x2c5: {  	(tag) =	ssettag $0x2  }
0x2c6: {  	s0 =	rddreg [dreg:$0x0];
	s2 =	stileid.u32  }
0x2c7: {  	s1 =	rddreg [dreg:$0x1];
	p0 =	sne.s32 s2, $0x0  }
0x2c8: {  	s3 =	rddreg [dreg:$0x2];
	[bflag:$0x3] =	sbarrier.arrive $0xFFFF;
	s2 =	simm.s32 @!p0 $0x1C07  }
0x2c9: {  	[timem:s3], [sflag:s2] =	dma.local @!p0 [hbm:s0], s1  }
0x2ca: {  	s0 =	simm.s32 @!p0 $0x7  }
0x2cb: {  	_ =	swait.ge @!p0 [sflag:s0], s1  }
0x2cc: {  	s1 =	ssub.s32 @!p0 $0x0, s1;
	[sflag:s0] =	ssyncset.done @!p0 $0x0  }
0x2cd: {  	[sflag:s0] =	ssyncadd.s32 @!p0 s1  }
0x2ce: {  	[bflag:$0x3] =	sbarrier.arrive $0xFFFF  }
0x2cf: {  	_ =	shalt  }

</sc_bundles>
